<compile_context>
chip_gen: v7x
topology: tpu7x:2x2x1
jax: 0.10.2.dev20260603
libtpu: 0.0.44.dev20260713+nightly
codegen_flags: <defaults>
</compile_context>

<pallas_src>
import functools

import jax
import jax.numpy as jnp
from jax import lax
from jax.experimental import pallas as pl
from jax.experimental.pallas import tpu as pltpu
from jax.experimental.pallas import tpu_sc as plsc

_D = 5
_LANES = 128
_NC = 2
_NS = 16
_NW = _NC * _NS
_B = 16384
_IDXROWS = _D * _B // _LANES
_IPW = _IDXROWS // _NW

_M_CF = 8


@functools.cache
def _sc_gather_fn():
    mesh = plsc.VectorSubcoreMesh(core_axis_name="c", subcore_axis_name="s")

    @functools.partial(
        pl.kernel,
        mesh=mesh,
        out_type=(
            jax.ShapeDtypeStruct((_IDXROWS, _LANES), jnp.float32),
            jax.ShapeDtypeStruct((_IDXROWS, _LANES), jnp.float32),
        ),
        scratch_types=[
            pltpu.VMEM((_IPW, _LANES), jnp.int32),
            pltpu.VMEM((_IPW, _LANES), jnp.int32),
            pltpu.VMEM((_IPW, _LANES), jnp.float32),
            pltpu.VMEM((_IPW, _LANES), jnp.float32),
            pltpu.SemaphoreType.DMA,
            pltpu.SemaphoreType.DMA,
        ],
        compiler_params=pltpu.CompilerParams(use_tc_tiling_on_sc=False),
    )
    def _sc_gather(uidx_hbm, iidx_hbm, uw_hbm, iw_hbm, out_u, out_i,
                   uidx_v, iidx_v, uval_v, ival_v, usem, isem):
        wid = lax.axis_index("s") * _NC + lax.axis_index("c")
        r0 = wid * _IPW
        pltpu.sync_copy(uidx_hbm.at[pl.ds(r0, _IPW)], uidx_v)
        pltpu.sync_copy(iidx_hbm.at[pl.ds(r0, _IPW)], iidx_v)
        cps = []
        for j in range(_IPW):
            cps.append(pltpu.async_copy(uw_hbm.at[uidx_v.at[j]], uval_v.at[j], usem))
            cps.append(pltpu.async_copy(iw_hbm.at[iidx_v.at[j]], ival_v.at[j], isem))
        for c in cps:
            c.wait()
        pltpu.sync_copy(uval_v, out_u.at[pl.ds(r0, _IPW)])
        pltpu.sync_copy(ival_v, out_i.at[pl.ds(r0, _IPW)])

    return _sc_gather


def _gammln(x):
    cof = (76.18009172947146, -86.50532032941677, 24.01409824083091,
           -1.231739572450155, 0.1208650973866179e-2, -0.5395239384953e-5)
    tmp = x + 5.5
    tmp = tmp - (x + 0.5) * jnp.log(tmp)
    ser = 1.000000000190015
    y = x
    for c in cof:
        y = y + 1.0
        ser = ser + c / y
    return -tmp + jnp.log(2.5066282746310005 * ser / x)


def _tc_math(u_ref, i_ref, a_ref, b_ref, mass_ref, edges_ref):
    s = u_ref[...] + i_ref[...]
    ui = jnp.exp(s)
    tot = jnp.sum(ui, axis=0, keepdims=True)
    un = ui / tot
    e = [un[0:1]]
    for j in range(1, _D):
        e.append(e[-1] + un[j:j + 1])
    edges_ref[...] = jnp.concatenate(e, axis=0)

    a1 = a_ref[...]
    b1 = b_ref[...]
    lnbeta = _gammln(a1) + _gammln(b1) - _gammln(a1 + b1)

    m = _D - 1
    bn = a1.shape[1]
    x = jnp.concatenate(e[:m], axis=0)
    a = jnp.broadcast_to(a1, (m, bn))
    b = jnp.broadcast_to(b1, (m, bn))
    lb = jnp.broadcast_to(lnbeta, (m, bn))

    flip = x > (a + 1.0) / (a + b + 2.0)
    xx = jnp.where(flip, 1.0 - x, x)
    aa = jnp.where(flip, b, a)
    bb = jnp.where(flip, a, b)
    lnpre = aa * jnp.log(xx) + bb * jnp.log(1.0 - xx) - lb
    front = jnp.exp(lnpre) / aa

    tiny = 1e-30
    qab = aa + bb
    qap = aa + 1.0
    qam = aa - 1.0
    c = jnp.ones_like(xx)
    d = 1.0 - qab * xx / qap
    d = jnp.where(jnp.abs(d) < tiny, tiny, d)
    d = 1.0 / d
    h = d
    for mm in range(1, _M_CF + 1):
        m2 = 2.0 * mm
        num = mm * (bb - mm) * xx / ((qam + m2) * (aa + m2))
        d = 1.0 + num * d
        d = jnp.where(jnp.abs(d) < tiny, tiny, d)
        c = 1.0 + num / c
        c = jnp.where(jnp.abs(c) < tiny, tiny, c)
        d = 1.0 / d
        h = h * d * c
        num = -(aa + mm) * (qab + mm) * xx / ((aa + m2) * (qap + m2))
        d = 1.0 + num * d
        d = jnp.where(jnp.abs(d) < tiny, tiny, d)
        c = 1.0 + num / c
        c = jnp.where(jnp.abs(c) < tiny, tiny, c)
        d = 1.0 / d
        h = h * d * c
    cdf = front * h
    cdf = jnp.where(flip, 1.0 - cdf, cdf)
    cdf = jnp.clip(cdf, 0.0, 1.0)

    mlist = [cdf[0:1]]
    for j in range(1, m):
        mlist.append(cdf[j:j + 1] - cdf[j - 1:j])
    mlist.append(1.0 - cdf[m - 1:m])
    mass_ref[...] = jnp.concatenate(mlist, axis=0)


_NROW = 1000000
_TILES = 7813
_CB = 601


def _detile_body(u_ref, i_ref, ou_ref, oi_ref):
    for src, dst in ((u_ref, ou_ref), (i_ref, oi_ref)):
        x = src[...]
        xp = jnp.concatenate(
            [x, jnp.zeros((3, x.shape[1]), x.dtype)], axis=0)
        dst[...] = xp.reshape(8, _CB, 128).transpose(1, 0, 2)


def _detile(uT2, iT2):
    return pl.pallas_call(
        _detile_body,
        grid=((_TILES + _CB - 1) // _CB,),
        in_specs=[
            pl.BlockSpec((_D, _CB * 128), lambda i: (0, i)),
            pl.BlockSpec((_D, _CB * 128), lambda i: (0, i)),
        ],
        out_specs=[
            pl.BlockSpec((_CB, 8, 128), lambda i: (i, 0, 0)),
            pl.BlockSpec((_CB, 8, 128), lambda i: (i, 0, 0)),
        ],
        out_shape=(
            jax.ShapeDtypeStruct((_TILES, 8, 128), jnp.float32),
            jax.ShapeDtypeStruct((_TILES, 8, 128), jnp.float32),
        ),
    )(uT2, iT2)


def _tc_call(uT, iT, aT, bT):
    bn = uT.shape[1]
    return pl.pallas_call(
        _tc_math,
        out_shape=(
            jax.ShapeDtypeStruct((_D, bn), jnp.float32),
            jax.ShapeDtypeStruct((_D, bn), jnp.float32),
        ),
    )(uT, iT, aT, bT)


def kernel(uid, iid, alpha, beta, uid_w, iid_w):
    b = uid.shape[0]
    du, di = _detile(uid_w.T, iid_w.T)
    offs = jnp.arange(_D, dtype=jnp.int32)[:, None] * 128
    u32 = uid.astype(jnp.int32)
    i32 = iid.astype(jnp.int32)
    ubase = ((u32 >> 7) << 10) + (u32 & 127)
    ibase = ((i32 >> 7) << 10) + (i32 & 127)
    uwidx = (ubase[None, :] + offs).reshape(_IDXROWS, _LANES)
    iwidx = (ibase[None, :] + offs).reshape(_IDXROWS, _LANES)
    gu, gi = _sc_gather_fn()(uwidx, iwidx, du.reshape(-1), di.reshape(-1))
    uT = gu.reshape(_D, b)
    iT = gi.reshape(_D, b)
    aT = alpha.reshape(1, b)
    bT = beta.reshape(1, b)
    massT, edgesT = _tc_call(uT, iT, aT, bT)
    return massT.T, edgesT.T

# --- scband reference (transcript-rebuilt; emitter-appended) ---
"""Pipeline reference for scband-lbd-35296041239079 (READ-ONLY COPY).

The authoritative reference and input builder live on the scoring server;
editing this copy changes nothing except your own understanding.
"""

import jax, jax.numpy as jnp
import numpy as np
from jax.scipy import special as jsp_special

NUM_USERS = 1000000
NUM_ITEMS = 1000000
NUM_BINS = 5  # (5 - 1) / 1.0 + 1
BATCH = 16384


def setup_inputs(seed: int = 0) -> dict:
    key = jax.random.key(seed)
    k1, k2, k3, k4 = jax.random.split(key, 4)
    uid = jax.random.randint(k1, (BATCH,), 0, NUM_USERS)
    iid = jax.random.randint(k2, (BATCH,), 0, NUM_ITEMS)
    # alpha/beta must be > 0 for the regularized incomplete beta function
    alpha = jax.random.uniform(k3, (BATCH, 1), dtype=jnp.float32, minval=0.05, maxval=1.0)
    beta = jax.random.uniform(k4, (BATCH, 1), dtype=jnp.float32, minval=0.05, maxval=1.0)
    # nn.init.ones_ on both embedding tables (per the torch module)
    uid_w = jnp.ones((NUM_USERS, NUM_BINS), dtype=jnp.float32)
    iid_w = jnp.ones((NUM_ITEMS, NUM_BINS), dtype=jnp.float32)
    return {"uid": uid, "iid": iid, "alpha": alpha, "beta": beta, "uid_w": uid_w, "iid_w": iid_w}


def reference(uid, iid, alpha, beta, uid_w, iid_w):
    # embedding lookups (SparseCore gather)
    uid_bin = jnp.take(uid_w, uid, axis=0)          # [B, num_bins]
    iid_bin = jnp.take(iid_w, iid, axis=0)          # [B, num_bins]
    ui = jnp.exp(uid_bin + iid_bin)
    ui_norm = ui / jnp.sum(ui, axis=-1, keepdims=True)
    edges = jnp.cumsum(ui_norm, axis=-1)            # [B, num_bins], last ~= 1
    m = edges.shape[-1] - 1
    # torch: alpha.repeat(1, m) -> broadcast [B,1] to [B,m]
    a = jnp.broadcast_to(alpha, (alpha.shape[0], m))
    b = jnp.broadcast_to(beta, (beta.shape[0], m))
    # torch.special.betainc(x, a, b) == regularized incomplete beta I_x(a, b)
    cdf = jsp_special.betainc(a, b, edges[:, :-1])  # [B, m]
    cdf = jnp.concatenate([cdf, jnp.ones_like(a[:, :1])], axis=-1)  # [B, num_bins]
    mass = jnp.concatenate([cdf[:, :1], jnp.diff(cdf, axis=-1)], axis=-1)
    return (mass, edges)

if __name__ == "__main__":
    import jax
    _d = setup_inputs()
    print(jax.jit(kernel)(*tuple(_d.values())))

</pallas_src>

<mosaic_0001>
#map = affine_map<(d0, d1) -> (0, 0)>
#map1 = affine_map<(d0, d1) -> (0)>
module attributes {stable_mosaic.version = 14 : i64} {
  func.func @_sc_gather(%arg0: i32, %arg1: i32, %arg2: memref<640x128xi32, #tpu.memory_space<hbm>>, %arg3: memref<640x128xi32, #tpu.memory_space<hbm>>, %arg4: memref<8000512xf32, #tpu.memory_space<hbm>>, %arg5: memref<8000512xf32, #tpu.memory_space<hbm>>, %arg6: memref<640x128xf32, #tpu.memory_space<hbm>>, %arg7: memref<640x128xf32, #tpu.memory_space<hbm>>, %arg8: memref<20x128xi32, #tpu.memory_space<vmem>>, %arg9: memref<20x128xi32, #tpu.memory_space<vmem>>, %arg10: memref<20x128xf32, #tpu.memory_space<vmem>>, %arg11: memref<20x128xf32, #tpu.memory_space<vmem>>, %arg12: memref<!tpu.dma_semaphore, #tpu.memory_space<semaphore_mem>>, %arg13: memref<!tpu.dma_semaphore, #tpu.memory_space<semaphore_mem>>) attributes {dimension_semantics = [#tpu.dimension_semantics<core_parallel>, #tpu.dimension_semantics<subcore_parallel>], iteration_bounds = array<i64: 2, 16>, scalar_prefetch = 0 : i64, scratch_operands = 6 : i64, tpu.core_type = #tpu.core_type<sc_vector_subcore>, window_params = [{transform_indices = #map}, {transform_indices = #map}, {transform_indices = #map1}, {transform_indices = #map1}, {transform_indices = #map}, {transform_indices = #map}]} {
    %mul3A = arith.constant 2 : i32
    %mul3A_0 = arith.muli %arg1, %mul3A : i32
    %add3A = arith.addi %mul3A_0, %arg0 : i32
    %mul3A_1 = arith.constant 20 : i32
    %mul3A_2 = arith.muli %add3A, %mul3A_1 : i32
    "tpu.region"() ({
      %run_scoped3A = tpu.sem_alloc : memref<!tpu.dma_semaphore, #tpu.memory_space<semaphore_mem>>
      %dma_start3A_801 = arith.constant 0 : i32
      %dma_start3A_802 = tpu.memref_slice %arg2[%mul3A_2, %dma_start3A_801] : memref<640x128xi32, #tpu.memory_space<hbm>> -> memref<20x128xi32, #tpu.memory_space<hbm>>
      %dma_start3A_803 = arith.constant 0 : i32
      %dma_start3A_804 = tpu.memref_slice %arg2[%mul3A_2, %dma_start3A_803] : memref<640x128xi32, #tpu.memory_space<hbm>> -> memref<20x128xi32, #tpu.memory_space<hbm>>
      tpu.enqueue_dma source(%dma_start3A_804 : memref<20x128xi32, #tpu.memory_space<hbm>>) target(%arg8 : memref<20x128xi32, #tpu.memory_space<vmem>>) target_semaphore(%run_scoped3A : memref<!tpu.dma_semaphore, #tpu.memory_space<semaphore_mem>>)
      %dma_wait3A_805 = arith.constant 0 : i32
      %dma_wait3A_806 = tpu.memref_slice %arg2[%mul3A_2, %dma_wait3A_805] : memref<640x128xi32, #tpu.memory_space<hbm>> -> memref<20x128xi32, #tpu.memory_space<hbm>>
      %dma_wait3A_807 = arith.constant 0 : i32
      %dma_wait3A_808 = tpu.memref_slice %arg2[%mul3A_2, %dma_wait3A_807] : memref<640x128xi32, #tpu.memory_space<hbm>> -> memref<20x128xi32, #tpu.memory_space<hbm>>
      tpu.wait_dma2 semaphore(%run_scoped3A : memref<!tpu.dma_semaphore, #tpu.memory_space<semaphore_mem>>) src(%dma_wait3A_808 : memref<20x128xi32, #tpu.memory_space<hbm>>) dst(%arg8 : memref<20x128xi32, #tpu.memory_space<vmem>>)
      tpu.yield
    }) : () -> ()
    "tpu.region"() ({
      %run_scoped3A = tpu.sem_alloc : memref<!tpu.dma_semaphore, #tpu.memory_space<semaphore_mem>>
      %dma_start3A_801 = arith.constant 0 : i32
      %dma_start3A_802 = tpu.memref_slice %arg3[%mul3A_2, %dma_start3A_801] : memref<640x128xi32, #tpu.memory_space<hbm>> -> memref<20x128xi32, #tpu.memory_space<hbm>>
      %dma_start3A_803 = arith.constant 0 : i32
      %dma_start3A_804 = tpu.memref_slice %arg3[%mul3A_2, %dma_start3A_803] : memref<640x128xi32, #tpu.memory_space<hbm>> -> memref<20x128xi32, #tpu.memory_space<hbm>>
      tpu.enqueue_dma source(%dma_start3A_804 : memref<20x128xi32, #tpu.memory_space<hbm>>) target(%arg9 : memref<20x128xi32, #tpu.memory_space<vmem>>) target_semaphore(%run_scoped3A : memref<!tpu.dma_semaphore, #tpu.memory_space<semaphore_mem>>)
      %dma_wait3A_805 = arith.constant 0 : i32
      %dma_wait3A_806 = tpu.memref_slice %arg3[%mul3A_2, %dma_wait3A_805] : memref<640x128xi32, #tpu.memory_space<hbm>> -> memref<20x128xi32, #tpu.memory_space<hbm>>
      %dma_wait3A_807 = arith.constant 0 : i32
      %dma_wait3A_808 = tpu.memref_slice %arg3[%mul3A_2, %dma_wait3A_807] : memref<640x128xi32, #tpu.memory_space<hbm>> -> memref<20x128xi32, #tpu.memory_space<hbm>>
      tpu.wait_dma2 semaphore(%run_scoped3A : memref<!tpu.dma_semaphore, #tpu.memory_space<semaphore_mem>>) src(%dma_wait3A_808 : memref<20x128xi32, #tpu.memory_space<hbm>>) dst(%arg9 : memref<20x128xi32, #tpu.memory_space<vmem>>)
      tpu.yield
    }) : () -> ()
    %dma_start3A = arith.constant 0 : i32
    %dma_start3A_3 = arith.constant 0 : i32
    %dma_start3A_4 = arith.constant 0 : i32
    %dma_start3A_5 = tpu.memref_slice %arg10[%dma_start3A_3, %dma_start3A_4] : memref<20x128xf32, #tpu.memory_space<vmem>> -> memref<1x128xf32, #tpu.memory_space<vmem>>
    %dma_start3A_6 = tpu.memref_squeeze %dma_start3A_5 : memref<1x128xf32, #tpu.memory_space<vmem>> -> memref<128xf32, #tpu.memory_space<vmem>>
    %dma_start3A_7 = arith.constant 0 : i32
    %dma_start3A_8 = tpu.memref_slice %arg8[%dma_start3A, %dma_start3A_7] : memref<20x128xi32, #tpu.memory_space<vmem>> -> memref<1x128xi32, #tpu.memory_space<vmem>>
    %dma_start3A_9 = tpu.memref_squeeze %dma_start3A_8 : memref<1x128xi32, #tpu.memory_space<vmem>> -> memref<128xi32, #tpu.memory_space<vmem>>
    %dma_start3A_10 = arith.constant 0 : i32
    %dma_start3A_11 = tpu.memref_slice %arg4[%dma_start3A_10] : memref<8000512xf32, #tpu.memory_space<hbm>> -> memref<8000512xf32, #tpu.memory_space<hbm>>
    tpu.enqueue_indirect_dma source(%dma_start3A_11 : memref<8000512xf32, #tpu.memory_space<hbm>>) target(%dma_start3A_6 : memref<128xf32, #tpu.memory_space<vmem>>) offsets(%dma_start3A_9 : memref<128xi32, #tpu.memory_space<vmem>>) semaphore(%arg12 : memref<!tpu.dma_semaphore, #tpu.memory_space<semaphore_mem>>)
    %dma_start3A_12 = arith.constant 0 : i32
    %dma_start3A_13 = arith.constant 0 : i32
    %dma_start3A_14 = arith.constant 0 : i32
    %dma_start3A_15 = tpu.memref_slice %arg11[%dma_start3A_13, %dma_start3A_14] : memref<20x128xf32, #tpu.memory_space<vmem>> -> memref<1x128xf32, #tpu.memory_space<vmem>>
    %dma_start3A_16 = tpu.memref_squeeze %dma_start3A_15 : memref<1x128xf32, #tpu.memory_space<vmem>> -> memref<128xf32, #tpu.memory_space<vmem>>
    %dma_start3A_17 = arith.constant 0 : i32
    %dma_start3A_18 = tpu.memref_slice %arg9[%dma_start3A_12, %dma_start3A_17] : memref<20x128xi32, #tpu.memory_space<vmem>> -> memref<1x128xi32, #tpu.memory_space<vmem>>
    %dma_start3A_19 = tpu.memref_squeeze %dma_start3A_18 : memref<1x128xi32, #tpu.memory_space<vmem>> -> memref<128xi32, #tpu.memory_space<vmem>>
    %dma_start3A_20 = arith.constant 0 : i32
    %dma_start3A_21 = tpu.memref_slice %arg5[%dma_start3A_20] : memref<8000512xf32, #tpu.memory_space<hbm>> -> memref<8000512xf32, #tpu.memory_space<hbm>>
    tpu.enqueue_indirect_dma source(%dma_start3A_21 : memref<8000512xf32, #tpu.memory_space<hbm>>) target(%dma_start3A_16 : memref<128xf32, #tpu.memory_space<vmem>>) offsets(%dma_start3A_19 : memref<128xi32, #tpu.memory_space<vmem>>) semaphore(%arg13 : memref<!tpu.dma_semaphore, #tpu.memory_space<semaphore_mem>>)
    %dma_start3A_22 = arith.constant 1 : i32
    %dma_start3A_23 = arith.constant 1 : i32
    %dma_start3A_24 = arith.constant 0 : i32
    %dma_start3A_25 = tpu.memref_slice %arg10[%dma_start3A_23, %dma_start3A_24] : memref<20x128xf32, #tpu.memory_space<vmem>> -> memref<1x128xf32, #tpu.memory_space<vmem>>
    %dma_start3A_26 = tpu.memref_squeeze %dma_start3A_25 : memref<1x128xf32, #tpu.memory_space<vmem>> -> memref<128xf32, #tpu.memory_space<vmem>>
    %dma_start3A_27 = arith.constant 0 : i32
    %dma_start3A_28 = tpu.memref_slice %arg8[%dma_start3A_22, %dma_start3A_27] : memref<20x128xi32, #tpu.memory_space<vmem>> -> memref<1x128xi32, #tpu.memory_space<vmem>>
    %dma_start3A_29 = tpu.memref_squeeze %dma_start3A_28 : memref<1x128xi32, #tpu.memory_space<vmem>> -> memref<128xi32, #tpu.memory_space<vmem>>
    %dma_start3A_30 = arith.constant 0 : i32
    %dma_start3A_31 = tpu.memref_slice %arg4[%dma_start3A_30] : memref<8000512xf32, #tpu.memory_space<hbm>> -> memref<8000512xf32, #tpu.memory_space<hbm>>
    tpu.enqueue_indirect_dma source(%dma_start3A_31 : memref<8000512xf32, #tpu.memory_space<hbm>>) target(%dma_start3A_26 : memref<128xf32, #tpu.memory_space<vmem>>) offsets(%dma_start3A_29 : memref<128xi32, #tpu.memory_space<vmem>>) semaphore(%arg12 : memref<!tpu.dma_semaphore, #tpu.memory_space<semaphore_mem>>)
    %dma_start3A_32 = arith.constant 1 : i32
    %dma_start3A_33 = arith.constant 1 : i32
    %dma_start3A_34 = arith.constant 0 : i32
    %dma_start3A_35 = tpu.memref_slice %arg11[%dma_start3A_33, %dma_start3A_34] : memref<20x128xf32, #tpu.memory_space<vmem>> -> memref<1x128xf32, #tpu.memory_space<vmem>>
    %dma_start3A_36 = tpu.memref_squeeze %dma_start3A_35 : memref<1x128xf32, #tpu.memory_space<vmem>> -> memref<128xf32, #tpu.memory_space<vmem>>
    %dma_start3A_37 = arith.constant 0 : i32
    %dma_start3A_38 = tpu.memref_slice %arg9[%dma_start3A_32, %dma_start3A_37] : memref<20x128xi32, #tpu.memory_space<vmem>> -> memref<1x128xi32, #tpu.memory_space<vmem>>
    %dma_start3A_39 = tpu.memref_squeeze %dma_start3A_38 : memref<1x128xi32, #tpu.memory_space<vmem>> -> memref<128xi32, #tpu.memory_space<vmem>>
    %dma_start3A_40 = arith.constant 0 : i32
    %dma_start3A_41 = tpu.memref_slice %arg5[%dma_start3A_40] : memref<8000512xf32, #tpu.memory_space<hbm>> -> memref<8000512xf32, #tpu.memory_space<hbm>>
    tpu.enqueue_indirect_dma source(%dma_start3A_41 : memref<8000512xf32, #tpu.memory_space<hbm>>) target(%dma_start3A_36 : memref<128xf32, #tpu.memory_space<vmem>>) offsets(%dma_start3A_39 : memref<128xi32, #tpu.memory_space<vmem>>) semaphore(%arg13 : memref<!tpu.dma_semaphore, #tpu.memory_space<semaphore_mem>>)
    %dma_start3A_42 = arith.constant 2 : i32
    %dma_start3A_43 = arith.constant 2 : i32
    %dma_start3A_44 = arith.constant 0 : i32
    %dma_start3A_45 = tpu.memref_slice %arg10[%dma_start3A_43, %dma_start3A_44] : memref<20x128xf32, #tpu.memory_space<vmem>> -> memref<1x128xf32, #tpu.memory_space<vmem>>
    %dma_start3A_46 = tpu.memref_squeeze %dma_start3A_45 : memref<1x128xf32, #tpu.memory_space<vmem>> -> memref<128xf32, #tpu.memory_space<vmem>>
    %dma_start3A_47 = arith.constant 0 : i32
    %dma_start3A_48 = tpu.memref_slice %arg8[%dma_start3A_42, %dma_start3A_47] : memref<20x128xi32, #tpu.memory_space<vmem>> -> memref<1x128xi32, #tpu.memory_space<vmem>>
    %dma_start3A_49 = tpu.memref_squeeze %dma_start3A_48 : memref<1x128xi32, #tpu.memory_space<vmem>> -> memref<128xi32, #tpu.memory_space<vmem>>
    %dma_start3A_50 = arith.constant 0 : i32
    %dma_start3A_51 = tpu.memref_slice %arg4[%dma_start3A_50] : memref<8000512xf32, #tpu.memory_space<hbm>> -> memref<8000512xf32, #tpu.memory_space<hbm>>
    tpu.enqueue_indirect_dma source(%dma_start3A_51 : memref<8000512xf32, #tpu.memory_space<hbm>>) target(%dma_start3A_46 : memref<128xf32, #tpu.memory_space<vmem>>) offsets(%dma_start3A_49 : memref<128xi32, #tpu.memory_space<vmem>>) semaphore(%arg12 : memref<!tpu.dma_semaphore, #tpu.memory_space<semaphore_mem>>)
    %dma_start3A_52 = arith.constant 2 : i32
    %dma_start3A_53 = arith.constant 2 : i32
    %dma_start3A_54 = arith.constant 0 : i32
    %dma_start3A_55 = tpu.memref_slice %arg11[%dma_start3A_53, %dma_start3A_54] : memref<20x128xf32, #tpu.memory_space<vmem>> -> memref<1x128xf32, #tpu.memory_space<vmem>>
    %dma_start3A_56 = tpu.memref_squeeze %dma_start3A_55 : memref<1x128xf32, #tpu.memory_space<vmem>> -> memref<128xf32, #tpu.memory_space<vmem>>
    %dma_start3A_57 = arith.constant 0 : i32
    %dma_start3A_58 = tpu.memref_slice %arg9[%dma_start3A_52, %dma_start3A_57] : memref<20x128xi32, #tpu.memory_space<vmem>> -> memref<1x128xi32, #tpu.memory_space<vmem>>
    %dma_start3A_59 = tpu.memref_squeeze %dma_start3A_58 : memref<1x128xi32, #tpu.memory_space<vmem>> -> memref<128xi32, #tpu.memory_space<vmem>>
    %dma_start3A_60 = arith.constant 0 : i32
    %dma_start3A_61 = tpu.memref_slice %arg5[%dma_start3A_60] : memref<8000512xf32, #tpu.memory_space<hbm>> -> memref<8000512xf32, #tpu.memory_space<hbm>>
    tpu.enqueue_indirect_dma source(%dma_start3A_61 : memref<8000512xf32, #tpu.memory_space<hbm>>) target(%dma_start3A_56 : memref<128xf32, #tpu.memory_space<vmem>>) offsets(%dma_start3A_59 : memref<128xi32, #tpu.memory_space<vmem>>) semaphore(%arg13 : memref<!tpu.dma_semaphore, #tpu.memory_space<semaphore_mem>>)
    %dma_start3A_62 = arith.constant 3 : i32
    %dma_start3A_63 = arith.constant 3 : i32
    %dma_start3A_64 = arith.constant 0 : i32
    %dma_start3A_65 = tpu.memref_slice %arg10[%dma_start3A_63, %dma_start3A_64] : memref<20x128xf32, #tpu.memory_space<vmem>> -> memref<1x128xf32, #tpu.memory_space<vmem>>
    %dma_start3A_66 = tpu.memref_squeeze %dma_start3A_65 : memref<1x128xf32, #tpu.memory_space<vmem>> -> memref<128xf32, #tpu.memory_space<vmem>>
    %dma_start3A_67 = arith.constant 0 : i32
    %dma_start3A_68 = tpu.memref_slice %arg8[%dma_start3A_62, %dma_start3A_67] : memref<20x128xi32, #tpu.memory_space<vmem>> -> memref<1x128xi32, #tpu.memory_space<vmem>>
    %dma_start3A_69 = tpu.memref_squeeze %dma_start3A_68 : memref<1x128xi32, #tpu.memory_space<vmem>> -> memref<128xi32, #tpu.memory_space<vmem>>
    %dma_start3A_70 = arith.constant 0 : i32
    %dma_start3A_71 = tpu.memref_slice %arg4[%dma_start3A_70] : memref<8000512xf32, #tpu.memory_space<hbm>> -> memref<8000512xf32, #tpu.memory_space<hbm>>
    tpu.enqueue_indirect_dma source(%dma_start3A_71 : memref<8000512xf32, #tpu.memory_space<hbm>>) target(%dma_start3A_66 : memref<128xf32, #tpu.memory_space<vmem>>) offsets(%dma_start3A_69 : memref<128xi32, #tpu.memory_space<vmem>>) semaphore(%arg12 : memref<!tpu.dma_semaphore, #tpu.memory_space<semaphore_mem>>)
    %dma_start3A_72 = arith.constant 3 : i32
    %dma_start3A_73 = arith.constant 3 : i32
    %dma_start3A_74 = arith.constant 0 : i32
    %dma_start3A_75 = tpu.memref_slice %arg11[%dma_start3A_73, %dma_start3A_74] : memref<20x128xf32, #tpu.memory_space<vmem>> -> memref<1x128xf32, #tpu.memory_space<vmem>>
    %dma_start3A_76 = tpu.memref_squeeze %dma_start3A_75 : memref<1x128xf32, #tpu.memory_space<vmem>> -> memref<128xf32, #tpu.memory_space<vmem>>
    %dma_start3A_77 = arith.constant 0 : i32
    %dma_start3A_78 = tpu.memref_slice %arg9[%dma_start3A_72, %dma_start3A_77] : memref<20x128xi32, #tpu.memory_space<vmem>> -> memref<1x128xi32, #tpu.memory_space<vmem>>
    %dma_start3A_79 = tpu.memref_squeeze %dma_start3A_78 : memref<1x128xi32, #tpu.memory_space<vmem>> -> memref<128xi32, #tpu.memory_space<vmem>>
    %dma_start3A_80 = arith.constant 0 : i32
    %dma_start3A_81 = tpu.memref_slice %arg5[%dma_start3A_80] : memref<8000512xf32, #tpu.memory_space<hbm>> -> memref<8000512xf32, #tpu.memory_space<hbm>>
    tpu.enqueue_indirect_dma source(%dma_start3A_81 : memref<8000512xf32, #tpu.memory_space<hbm>>) target(%dma_start3A_76 : memref<128xf32, #tpu.memory_space<vmem>>) offsets(%dma_start3A_79 : memref<128xi32, #tpu.memory_space<vmem>>) semaphore(%arg13 : memref<!tpu.dma_semaphore, #tpu.memory_space<semaphore_mem>>)
    %dma_start3A_82 = arith.constant 4 : i32
    %dma_start3A_83 = arith.constant 4 : i32
    %dma_start3A_84 = arith.constant 0 : i32
    %dma_start3A_85 = tpu.memref_slice %arg10[%dma_start3A_83, %dma_start3A_84] : memref<20x128xf32, #tpu.memory_space<vmem>> -> memref<1x128xf32, #tpu.memory_space<vmem>>
    %dma_start3A_86 = tpu.memref_squeeze %dma_start3A_85 : memref<1x128xf32, #tpu.memory_space<vmem>> -> memref<128xf32, #tpu.memory_space<vmem>>
    %dma_start3A_87 = arith.constant 0 : i32
    %dma_start3A_88 = tpu.memref_slice %arg8[%dma_start3A_82, %dma_start3A_87] : memref<20x128xi32, #tpu.memory_space<vmem>> -> memref<1x128xi32, #tpu.memory_space<vmem>>
    %dma_start3A_89 = tpu.memref_squeeze %dma_start3A_88 : memref<1x128xi32, #tpu.memory_space<vmem>> -> memref<128xi32, #tpu.memory_space<vmem>>
    %dma_start3A_90 = arith.constant 0 : i32
    %dma_start3A_91 = tpu.memref_slice %arg4[%dma_start3A_90] : memref<8000512xf32, #tpu.memory_space<hbm>> -> memref<8000512xf32, #tpu.memory_space<hbm>>
    tpu.enqueue_indirect_dma source(%dma_start3A_91 : memref<8000512xf32, #tpu.memory_space<hbm>>) target(%dma_start3A_86 : memref<128xf32, #tpu.memory_space<vmem>>) offsets(%dma_start3A_89 : memref<128xi32, #tpu.memory_space<vmem>>) semaphore(%arg12 : memref<!tpu.dma_semaphore, #tpu.memory_space<semaphore_mem>>)
    %dma_start3A_92 = arith.constant 4 : i32
    %dma_start3A_93 = arith.constant 4 : i32
    %dma_start3A_94 = arith.constant 0 : i32
    %dma_start3A_95 = tpu.memref_slice %arg11[%dma_start3A_93, %dma_start3A_94] : memref<20x128xf32, #tpu.memory_space<vmem>> -> memref<1x128xf32, #tpu.memory_space<vmem>>
    %dma_start3A_96 = tpu.memref_squeeze %dma_start3A_95 : memref<1x128xf32, #tpu.memory_space<vmem>> -> memref<128xf32, #tpu.memory_space<vmem>>
    %dma_start3A_97 = arith.constant 0 : i32
    %dma_start3A_98 = tpu.memref_slice %arg9[%dma_start3A_92, %dma_start3A_97] : memref<20x128xi32, #tpu.memory_space<vmem>> -> memref<1x128xi32, #tpu.memory_space<vmem>>
    %dma_start3A_99 = tpu.memref_squeeze %dma_start3A_98 : memref<1x128xi32, #tpu.memory_space<vmem>> -> memref<128xi32, #tpu.memory_space<vmem>>
    %dma_start3A_100 = arith.constant 0 : i32
    %dma_start3A_101 = tpu.memref_slice %arg5[%dma_start3A_100] : memref<8000512xf32, #tpu.memory_space<hbm>> -> memref<8000512xf32, #tpu.memory_space<hbm>>
    tpu.enqueue_indirect_dma source(%dma_start3A_101 : memref<8000512xf32, #tpu.memory_space<hbm>>) target(%dma_start3A_96 : memref<128xf32, #tpu.memory_space<vmem>>) offsets(%dma_start3A_99 : memref<128xi32, #tpu.memory_space<vmem>>) semaphore(%arg13 : memref<!tpu.dma_semaphore, #tpu.memory_space<semaphore_mem>>)
    %dma_start3A_102 = arith.constant 5 : i32
    %dma_start3A_103 = arith.constant 5 : i32
    %dma_start3A_104 = arith.constant 0 : i32
    %dma_start3A_105 = tpu.memref_slice %arg10[%dma_start3A_103, %dma_start3A_104] : memref<20x128xf32, #tpu.memory_space<vmem>> -> memref<1x128xf32, #tpu.memory_space<vmem>>
    %dma_start3A_106 = tpu.memref_squeeze %dma_start3A_105 : memref<1x128xf32, #tpu.memory_space<vmem>> -> memref<128xf32, #tpu.memory_space<vmem>>
    %dma_start3A_107 = arith.constant 0 : i32
    %dma_start3A_108 = tpu.memref_slice %arg8[%dma_start3A_102, %dma_start3A_107] : memref<20x128xi32, #tpu.memory_space<vmem>> -> memref<1x128xi32, #tpu.memory_space<vmem>>
    %dma_start3A_109 = tpu.memref_squeeze %dma_start3A_108 : memref<1x128xi32, #tpu.memory_space<vmem>> -> memref<128xi32, #tpu.memory_space<vmem>>
    %dma_start3A_110 = arith.constant 0 : i32
    %dma_start3A_111 = tpu.memref_slice %arg4[%dma_start3A_110] : memref<8000512xf32, #tpu.memory_space<hbm>> -> memref<8000512xf32, #tpu.memory_space<hbm>>
    tpu.enqueue_indirect_dma source(%dma_start3A_111 : memref<8000512xf32, #tpu.memory_space<hbm>>) target(%dma_start3A_106 : memref<128xf32, #tpu.memory_space<vmem>>) offsets(%dma_start3A_109 : memref<128xi32, #tpu.memory_space<vmem>>) semaphore(%arg12 : memref<!tpu.dma_semaphore, #tpu.memory_space<semaphore_mem>>)
    %dma_start3A_112 = arith.constant 5 : i32
    %dma_start3A_113 = arith.constant 5 : i32
    %dma_start3A_114 = arith.constant 0 : i32
    %dma_start3A_115 = tpu.memref_slice %arg11[%dma_start3A_113, %dma_start3A_114] : memref<20x128xf32, #tpu.memory_space<vmem>> -> memref<1x128xf32, #tpu.memory_space<vmem>>
    %dma_start3A_116 = tpu.memref_squeeze %dma_start3A_115 : memref<1x128xf32, #tpu.memory_space<vmem>> -> memref<128xf32, #tpu.memory_space<vmem>>
    %dma_start3A_117 = arith.constant 0 : i32
    %dma_start3A_118 = tpu.memref_slice %arg9[%dma_start3A_112, %dma_start3A_117] : memref<20x128xi32, #tpu.memory_space<vmem>> -> memref<1x128xi32, #tpu.memory_space<vmem>>
    %dma_start3A_119 = tpu.memref_squeeze %dma_start3A_118 : memref<1x128xi32, #tpu.memory_space<vmem>> -> memref<128xi32, #tpu.memory_space<vmem>>
    %dma_start3A_120 = arith.constant 0 : i32
    %dma_start3A_121 = tpu.memref_slice %arg5[%dma_start3A_120] : memref<8000512xf32, #tpu.memory_space<hbm>> -> memref<8000512xf32, #tpu.memory_space<hbm>>
    tpu.enqueue_indirect_dma source(%dma_start3A_121 : memref<8000512xf32, #tpu.memory_space<hbm>>) target(%dma_start3A_116 : memref<128xf32, #tpu.memory_space<vmem>>) offsets(%dma_start3A_119 : memref<128xi32, #tpu.memory_space<vmem>>) semaphore(%arg13 : memref<!tpu.dma_semaphore, #tpu.memory_space<semaphore_mem>>)
    %dma_start3A_122 = arith.constant 6 : i32
    %dma_start3A_123 = arith.constant 6 : i32
    %dma_start3A_124 = arith.constant 0 : i32
    %dma_start3A_125 = tpu.memref_slice %arg10[%dma_start3A_123, %dma_start3A_124] : memref<20x128xf32, #tpu.memory_space<vmem>> -> memref<1x128xf32, #tpu.memory_space<vmem>>
    %dma_start3A_126 = tpu.memref_squeeze %dma_start3A_125 : memref<1x128xf32, #tpu.memory_space<vmem>> -> memref<128xf32, #tpu.memory_space<vmem>>
    %dma_start3A_127 = arith.constant 0 : i32
    %dma_start3A_128 = tpu.memref_slice %arg8[%dma_start3A_122, %dma_start3A_127] : memref<20x128xi32, #tpu.memory_space<vmem>> -> memref<1x128xi32, #tpu.memory_space<vmem>>
    %dma_start3A_129 = tpu.memref_squeeze %dma_start3A_128 : memref<1x128xi32, #tpu.memory_space<vmem>> -> memref<128xi32, #tpu.memory_space<vmem>>
    %dma_start3A_130 = arith.constant 0 : i32
    %dma_start3A_131 = tpu.memref_slice %arg4[%dma_start3A_130] : memref<8000512xf32, #tpu.memory_space<hbm>> -> memref<8000512xf32, #tpu.memory_space<hbm>>
    tpu.enqueue_indirect_dma source(%dma_start3A_131 : memref<8000512xf32, #tpu.memory_space<hbm>>) target(%dma_start3A_126 : memref<128xf32, #tpu.memory_space<vmem>>) offsets(%dma_start3A_129 : memref<128xi32, #tpu.memory_space<vmem>>) semaphore(%arg12 : memref<!tpu.dma_semaphore, #tpu.memory_space<semaphore_mem>>)
    %dma_start3A_132 = arith.constant 6 : i32
    %dma_start3A_133 = arith.constant 6 : i32
    %dma_start3A_134 = arith.constant 0 : i32
    %dma_start3A_135 = tpu.memref_slice %arg11[%dma_start3A_133, %dma_start3A_134] : memref<20x128xf32, #tpu.memory_space<vmem>> -> memref<1x128xf32, #tpu.memory_space<vmem>>
    %dma_start3A_136 = tpu.memref_squeeze %dma_start3A_135 : memref<1x128xf32, #tpu.memory_space<vmem>> -> memref<128xf32, #tpu.memory_space<vmem>>
    %dma_start3A_137 = arith.constant 0 : i32
    %dma_start3A_138 = tpu.memref_slice %arg9[%dma_start3A_132, %dma_start3A_137] : memref<20x128xi32, #tpu.memory_space<vmem>> -> memref<1x128xi32, #tpu.memory_space<vmem>>
    %dma_start3A_139 = tpu.memref_squeeze %dma_start3A_138 : memref<1x128xi32, #tpu.memory_space<vmem>> -> memref<128xi32, #tpu.memory_space<vmem>>
    %dma_start3A_140 = arith.constant 0 : i32
    %dma_start3A_141 = tpu.memref_slice %arg5[%dma_start3A_140] : memref<8000512xf32, #tpu.memory_space<hbm>> -> memref<8000512xf32, #tpu.memory_space<hbm>>
    tpu.enqueue_indirect_dma source(%dma_start3A_141 : memref<8000512xf32, #tpu.memory_space<hbm>>) target(%dma_start3A_136 : memref<128xf32, #tpu.memory_space<vmem>>) offsets(%dma_start3A_139 : memref<128xi32, #tpu.memory_space<vmem>>) semaphore(%arg13 : memref<!tpu.dma_semaphore, #tpu.memory_space<semaphore_mem>>)
    %dma_start3A_142 = arith.constant 7 : i32
    %dma_start3A_143 = arith.constant 7 : i32
    %dma_start3A_144 = arith.constant 0 : i32
    %dma_start3A_145 = tpu.memref_slice %arg10[%dma_start3A_143, %dma_start3A_144] : memref<20x128xf32, #tpu.memory_space<vmem>> -> memref<1x128xf32, #tpu.memory_space<vmem>>
    %dma_start3A_146 = tpu.memref_squeeze %dma_start3A_145 : memref<1x128xf32, #tpu.memory_space<vmem>> -> memref<128xf32, #tpu.memory_space<vmem>>
    %dma_start3A_147 = arith.constant 0 : i32
    %dma_start3A_148 = tpu.memref_slice %arg8[%dma_start3A_142, %dma_start3A_147] : memref<20x128xi32, #tpu.memory_space<vmem>> -> memref<1x128xi32, #tpu.memory_space<vmem>>
    %dma_start3A_149 = tpu.memref_squeeze %dma_start3A_148 : memref<1x128xi32, #tpu.memory_space<vmem>> -> memref<128xi32, #tpu.memory_space<vmem>>
    %dma_start3A_150 = arith.constant 0 : i32
    %dma_start3A_151 = tpu.memref_slice %arg4[%dma_start3A_150] : memref<8000512xf32, #tpu.memory_space<hbm>> -> memref<8000512xf32, #tpu.memory_space<hbm>>
    tpu.enqueue_indirect_dma source(%dma_start3A_151 : memref<8000512xf32, #tpu.memory_space<hbm>>) target(%dma_start3A_146 : memref<128xf32, #tpu.memory_space<vmem>>) offsets(%dma_start3A_149 : memref<128xi32, #tpu.memory_space<vmem>>) semaphore(%arg12 : memref<!tpu.dma_semaphore, #tpu.memory_space<semaphore_mem>>)
    %dma_start3A_152 = arith.constant 7 : i32
    %dma_start3A_153 = arith.constant 7 : i32
    %dma_start3A_154 = arith.constant 0 : i32
    %dma_start3A_155 = tpu.memref_slice %arg11[%dma_start3A_153, %dma_start3A_154] : memref<20x128xf32, #tpu.memory_space<vmem>> -> memref<1x128xf32, #tpu.memory_space<vmem>>
    %dma_start3A_156 = tpu.memref_squeeze %dma_start3A_155 : memref<1x128xf32, #tpu.memory_space<vmem>> -> memref<128xf32, #tpu.memory_space<vmem>>
    %dma_start3A_157 = arith.constant 0 : i32
    %dma_start3A_158 = tpu.memref_slice %arg9[%dma_start3A_152, %dma_start3A_157] : memref<20x128xi32, #tpu.memory_space<vmem>> -> memref<1x128xi32, #tpu.memory_space<vmem>>
    %dma_start3A_159 = tpu.memref_squeeze %dma_start3A_158 : memref<1x128xi32, #tpu.memory_space<vmem>> -> memref<128xi32, #tpu.memory_space<vmem>>
    %dma_start3A_160 = arith.constant 0 : i32
    %dma_start3A_161 = tpu.memref_slice %arg5[%dma_start3A_160] : memref<8000512xf32, #tpu.memory_space<hbm>> -> memref<8000512xf32, #tpu.memory_space<hbm>>
    tpu.enqueue_indirect_dma source(%dma_start3A_161 : memref<8000512xf32, #tpu.memory_space<hbm>>) target(%dma_start3A_156 : memref<128xf32, #tpu.memory_space<vmem>>) offsets(%dma_start3A_159 : memref<128xi32, #tpu.memory_space<vmem>>) semaphore(%arg13 : memref<!tpu.dma_semaphore, #tpu.memory_space<semaphore_mem>>)
    %dma_start3A_162 = arith.constant 8 : i32
    %dma_start3A_163 = arith.constant 8 : i32
    %dma_start3A_164 = arith.constant 0 : i32
    %dma_start3A_165 = tpu.memref_slice %arg10[%dma_start3A_163, %dma_start3A_164] : memref<20x128xf32, #tpu.memory_space<vmem>> -> memref<1x128xf32, #tpu.memory_space<vmem>>
    %dma_start3A_166 = tpu.memref_squeeze %dma_start3A_165 : memref<1x128xf32, #tpu.memory_space<vmem>> -> memref<128xf32, #tpu.memory_space<vmem>>
    %dma_start3A_167 = arith.constant 0 : i32
    %dma_start3A_168 = tpu.memref_slice %arg8[%dma_start3A_162, %dma_start3A_167] : memref<20x128xi32, #tpu.memory_space<vmem>> -> memref<1x128xi32, #tpu.memory_space<vmem>>
    %dma_start3A_169 = tpu.memref_squeeze %dma_start3A_168 : memref<1x128xi32, #tpu.memory_space<vmem>> -> memref<128xi32, #tpu.memory_space<vmem>>
    %dma_start3A_170 = arith.constant 0 : i32
    %dma_start3A_171 = tpu.memref_slice %arg4[%dma_start3A_170] : memref<8000512xf32, #tpu.memory_space<hbm>> -> memref<8000512xf32, #tpu.memory_space<hbm>>
    tpu.enqueue_indirect_dma source(%dma_start3A_171 : memref<8000512xf32, #tpu.memory_space<hbm>>) target(%dma_start3A_166 : memref<128xf32, #tpu.memory_space<vmem>>) offsets(%dma_start3A_169 : memref<128xi32, #tpu.memory_space<vmem>>) semaphore(%arg12 : memref<!tpu.dma_semaphore, #tpu.memory_space<semaphore_mem>>)
    %dma_start3A_172 = arith.constant 8 : i32
    %dma_start3A_173 = arith.constant 8 : i32
    %dma_start3A_174 = arith.constant 0 : i32
    %dma_start3A_175 = tpu.memref_slice %arg11[%dma_start3A_173, %dma_start3A_174] : memref<20x128xf32, #tpu.memory_space<vmem>> -> memref<1x128xf32, #tpu.memory_space<vmem>>
    %dma_start3A_176 = tpu.memref_squeeze %dma_start3A_175 : memref<1x128xf32, #tpu.memory_space<vmem>> -> memref<128xf32, #tpu.memory_space<vmem>>
    %dma_start3A_177 = arith.constant 0 : i32
    %dma_start3A_178 = tpu.memref_slice %arg9[%dma_start3A_172, %dma_start3A_177] : memref<20x128xi32, #tpu.memory_space<vmem>> -> memref<1x128xi32, #tpu.memory_space<vmem>>
    %dma_start3A_179 = tpu.memref_squeeze %dma_start3A_178 : memref<1x128xi32, #tpu.memory_space<vmem>> -> memref<128xi32, #tpu.memory_space<vmem>>
    %dma_start3A_180 = arith.constant 0 : i32
    %dma_start3A_181 = tpu.memref_slice %arg5[%dma_start3A_180] : memref<8000512xf32, #tpu.memory_space<hbm>> -> memref<8000512xf32, #tpu.memory_space<hbm>>
    tpu.enqueue_indirect_dma source(%dma_start3A_181 : memref<8000512xf32, #tpu.memory_space<hbm>>) target(%dma_start3A_176 : memref<128xf32, #tpu.memory_space<vmem>>) offsets(%dma_start3A_179 : memref<128xi32, #tpu.memory_space<vmem>>) semaphore(%arg13 : memref<!tpu.dma_semaphore, #tpu.memory_space<semaphore_mem>>)
    %dma_start3A_182 = arith.constant 9 : i32
    %dma_start3A_183 = arith.constant 9 : i32
    %dma_start3A_184 = arith.constant 0 : i32
    %dma_start3A_185 = tpu.memref_slice %arg10[%dma_start3A_183, %dma_start3A_184] : memref<20x128xf32, #tpu.memory_space<vmem>> -> memref<1x128xf32, #tpu.memory_space<vmem>>
    %dma_start3A_186 = tpu.memref_squeeze %dma_start3A_185 : memref<1x128xf32, #tpu.memory_space<vmem>> -> memref<128xf32, #tpu.memory_space<vmem>>
    %dma_start3A_187 = arith.constant 0 : i32
    %dma_start3A_188 = tpu.memref_slice %arg8[%dma_start3A_182, %dma_start3A_187] : memref<20x128xi32, #tpu.memory_space<vmem>> -> memref<1x128xi32, #tpu.memory_space<vmem>>
    %dma_start3A_189 = tpu.memref_squeeze %dma_start3A_188 : memref<1x128xi32, #tpu.memory_space<vmem>> -> memref<128xi32, #tpu.memory_space<vmem>>
    %dma_start3A_190 = arith.constant 0 : i32
    %dma_start3A_191 = tpu.memref_slice %arg4[%dma_start3A_190] : memref<8000512xf32, #tpu.memory_space<hbm>> -> memref<8000512xf32, #tpu.memory_space<hbm>>
    tpu.enqueue_indirect_dma source(%dma_start3A_191 : memref<8000512xf32, #tpu.memory_space<hbm>>) target(%dma_start3A_186 : memref<128xf32, #tpu.memory_space<vmem>>) offsets(%dma_start3A_189 : memref<128xi32, #tpu.memory_space<vmem>>) semaphore(%arg12 : memref<!tpu.dma_semaphore, #tpu.memory_space<semaphore_mem>>)
    %dma_start3A_192 = arith.constant 9 : i32
    %dma_start3A_193 = arith.constant 9 : i32
    %dma_start3A_194 = arith.constant 0 : i32
    %dma_start3A_195 = tpu.memref_slice %arg11[%dma_start3A_193, %dma_start3A_194] : memref<20x128xf32, #tpu.memory_space<vmem>> -> memref<1x128xf32, #tpu.memory_space<vmem>>
    %dma_start3A_196 = tpu.memref_squeeze %dma_start3A_195 : memref<1x128xf32, #tpu.memory_space<vmem>> -> memref<128xf32, #tpu.memory_space<vmem>>
    %dma_start3A_197 = arith.constant 0 : i32
    %dma_start3A_198 = tpu.memref_slice %arg9[%dma_start3A_192, %dma_start3A_197] : memref<20x128xi32, #tpu.memory_space<vmem>> -> memref<1x128xi32, #tpu.memory_space<vmem>>
    %dma_start3A_199 = tpu.memref_squeeze %dma_start3A_198 : memref<1x128xi32, #tpu.memory_space<vmem>> -> memref<128xi32, #tpu.memory_space<vmem>>
    %dma_start3A_200 = arith.constant 0 : i32
    %dma_start3A_201 = tpu.memref_slice %arg5[%dma_start3A_200] : memref<8000512xf32, #tpu.memory_space<hbm>> -> memref<8000512xf32, #tpu.memory_space<hbm>>
    tpu.enqueue_indirect_dma source(%dma_start3A_201 : memref<8000512xf32, #tpu.memory_space<hbm>>) target(%dma_start3A_196 : memref<128xf32, #tpu.memory_space<vmem>>) offsets(%dma_start3A_199 : memref<128xi32, #tpu.memory_space<vmem>>) semaphore(%arg13 : memref<!tpu.dma_semaphore, #tpu.memory_space<semaphore_mem>>)
    %dma_start3A_202 = arith.constant 10 : i32
    %dma_start3A_203 = arith.constant 10 : i32
    %dma_start3A_204 = arith.constant 0 : i32
    %dma_start3A_205 = tpu.memref_slice %arg10[%dma_start3A_203, %dma_start3A_204] : memref<20x128xf32, #tpu.memory_space<vmem>> -> memref<1x128xf32, #tpu.memory_space<vmem>>
    %dma_start3A_206 = tpu.memref_squeeze %dma_start3A_205 : memref<1x128xf32, #tpu.memory_space<vmem>> -> memref<128xf32, #tpu.memory_space<vmem>>
    %dma_start3A_207 = arith.constant 0 : i32
    %dma_start3A_208 = tpu.memref_slice %arg8[%dma_start3A_202, %dma_start3A_207] : memref<20x128xi32, #tpu.memory_space<vmem>> -> memref<1x128xi32, #tpu.memory_space<vmem>>
    %dma_start3A_209 = tpu.memref_squeeze %dma_start3A_208 : memref<1x128xi32, #tpu.memory_space<vmem>> -> memref<128xi32, #tpu.memory_space<vmem>>
    %dma_start3A_210 = arith.constant 0 : i32
    %dma_start3A_211 = tpu.memref_slice %arg4[%dma_start3A_210] : memref<8000512xf32, #tpu.memory_space<hbm>> -> memref<8000512xf32, #tpu.memory_space<hbm>>
    tpu.enqueue_indirect_dma source(%dma_start3A_211 : memref<8000512xf32, #tpu.memory_space<hbm>>) target(%dma_start3A_206 : memref<128xf32, #tpu.memory_space<vmem>>) offsets(%dma_start3A_209 : memref<128xi32, #tpu.memory_space<vmem>>) semaphore(%arg12 : memref<!tpu.dma_semaphore, #tpu.memory_space<semaphore_mem>>)
    %dma_start3A_212 = arith.constant 10 : i32
    %dma_start3A_213 = arith.constant 10 : i32
    %dma_start3A_214 = arith.constant 0 : i32
    %dma_start3A_215 = tpu.memref_slice %arg11[%dma_start3A_213, %dma_start3A_214] : memref<20x128xf32, #tpu.memory_space<vmem>> -> memref<1x128xf32, #tpu.memory_space<vmem>>
    %dma_start3A_216 = tpu.memref_squeeze %dma_start3A_215 : memref<1x128xf32, #tpu.memory_space<vmem>> -> memref<128xf32, #tpu.memory_space<vmem>>
    %dma_start3A_217 = arith.constant 0 : i32
    %dma_start3A_218 = tpu.memref_slice %arg9[%dma_start3A_212, %dma_start3A_217] : memref<20x128xi32, #tpu.memory_space<vmem>> -> memref<1x128xi32, #tpu.memory_space<vmem>>
    %dma_start3A_219 = tpu.memref_squeeze %dma_start3A_218 : memref<1x128xi32, #tpu.memory_space<vmem>> -> memref<128xi32, #tpu.memory_space<vmem>>
    %dma_start3A_220 = arith.constant 0 : i32
    %dma_start3A_221 = tpu.memref_slice %arg5[%dma_start3A_220] : memref<8000512xf32, #tpu.memory_space<hbm>> -> memref<8000512xf32, #tpu.memory_space<hbm>>
    tpu.enqueue_indirect_dma source(%dma_start3A_221 : memref<8000512xf32, #tpu.memory_space<hbm>>) target(%dma_start3A_216 : memref<128xf32, #tpu.memory_space<vmem>>) offsets(%dma_start3A_219 : memref<128xi32, #tpu.memory_space<vmem>>) semaphore(%arg13 : memref<!tpu.dma_semaphore, #tpu.memory_space<semaphore_mem>>)
    %dma_start3A_222 = arith.constant 11 : i32
    %dma_start3A_223 = arith.constant 11 : i32
    %dma_start3A_224 = arith.constant 0 : i32
    %dma_start3A_225 = tpu.memref_slice %arg10[%dma_start3A_223, %dma_start3A_224] : memref<20x128xf32, #tpu.memory_space<vmem>> -> memref<1x128xf32, #tpu.memory_space<vmem>>
    %dma_start3A_226 = tpu.memref_squeeze %dma_start3A_225 : memref<1x128xf32, #tpu.memory_space<vmem>> -> memref<128xf32, #tpu.memory_space<vmem>>
    %dma_start3A_227 = arith.constant 0 : i32
    %dma_start3A_228 = tpu.memref_slice %arg8[%dma_start3A_222, %dma_start3A_227] : memref<20x128xi32, #tpu.memory_space<vmem>> -> memref<1x128xi32, #tpu.memory_space<vmem>>
    %dma_start3A_229 = tpu.memref_squeeze %dma_start3A_228 : memref<1x128xi32, #tpu.memory_space<vmem>> -> memref<128xi32, #tpu.memory_space<vmem>>
    %dma_start3A_230 = arith.constant 0 : i32
    %dma_start3A_231 = tpu.memref_slice %arg4[%dma_start3A_230] : memref<8000512xf32, #tpu.memory_space<hbm>> -> memref<8000512xf32, #tpu.memory_space<hbm>>
    tpu.enqueue_indirect_dma source(%dma_start3A_231 : memref<8000512xf32, #tpu.memory_space<hbm>>) target(%dma_start3A_226 : memref<128xf32, #tpu.memory_space<vmem>>) offsets(%dma_start3A_229 : memref<128xi32, #tpu.memory_space<vmem>>) semaphore(%arg12 : memref<!tpu.dma_semaphore, #tpu.memory_space<semaphore_mem>>)
    %dma_start3A_232 = arith.constant 11 : i32
    %dma_start3A_233 = arith.constant 11 : i32
    %dma_start3A_234 = arith.constant 0 : i32
    %dma_start3A_235 = tpu.memref_slice %arg11[%dma_start3A_233, %dma_start3A_234] : memref<20x128xf32, #tpu.memory_space<vmem>> -> memref<1x128xf32, #tpu.memory_space<vmem>>
    %dma_start3A_236 = tpu.memref_squeeze %dma_start3A_235 : memref<1x128xf32, #tpu.memory_space<vmem>> -> memref<128xf32, #tpu.memory_space<vmem>>
    %dma_start3A_237 = arith.constant 0 : i32
    %dma_start3A_238 = tpu.memref_slice %arg9[%dma_start3A_232, %dma_start3A_237] : memref<20x128xi32, #tpu.memory_space<vmem>> -> memref<1x128xi32, #tpu.memory_space<vmem>>
    %dma_start3A_239 = tpu.memref_squeeze %dma_start3A_238 : memref<1x128xi32, #tpu.memory_space<vmem>> -> memref<128xi32, #tpu.memory_space<vmem>>
    %dma_start3A_240 = arith.constant 0 : i32
    %dma_start3A_241 = tpu.memref_slice %arg5[%dma_start3A_240] : memref<8000512xf32, #tpu.memory_space<hbm>> -> memref<8000512xf32, #tpu.memory_space<hbm>>
    tpu.enqueue_indirect_dma source(%dma_start3A_241 : memref<8000512xf32, #tpu.memory_space<hbm>>) target(%dma_start3A_236 : memref<128xf32, #tpu.memory_space<vmem>>) offsets(%dma_start3A_239 : memref<128xi32, #tpu.memory_space<vmem>>) semaphore(%arg13 : memref<!tpu.dma_semaphore, #tpu.memory_space<semaphore_mem>>)
    %dma_start3A_242 = arith.constant 12 : i32
    %dma_start3A_243 = arith.constant 12 : i32
    %dma_start3A_244 = arith.constant 0 : i32
    %dma_start3A_245 = tpu.memref_slice %arg10[%dma_start3A_243, %dma_start3A_244] : memref<20x128xf32, #tpu.memory_space<vmem>> -> memref<1x128xf32, #tpu.memory_space<vmem>>
    %dma_start3A_246 = tpu.memref_squeeze %dma_start3A_245 : memref<1x128xf32, #tpu.memory_space<vmem>> -> memref<128xf32, #tpu.memory_space<vmem>>
    %dma_start3A_247 = arith.constant 0 : i32
    %dma_start3A_248 = tpu.memref_slice %arg8[%dma_start3A_242, %dma_start3A_247] : memref<20x128xi32, #tpu.memory_space<vmem>> -> memref<1x128xi32, #tpu.memory_space<vmem>>
    %dma_start3A_249 = tpu.memref_squeeze %dma_start3A_248 : memref<1x128xi32, #tpu.memory_space<vmem>> -> memref<128xi32, #tpu.memory_space<vmem>>
    %dma_start3A_250 = arith.constant 0 : i32
    %dma_start3A_251 = tpu.memref_slice %arg4[%dma_start3A_250] : memref<8000512xf32, #tpu.memory_space<hbm>> -> memref<8000512xf32, #tpu.memory_space<hbm>>
    tpu.enqueue_indirect_dma source(%dma_start3A_251 : memref<8000512xf32, #tpu.memory_space<hbm>>) target(%dma_start3A_246 : memref<128xf32, #tpu.memory_space<vmem>>) offsets(%dma_start3A_249 : memref<128xi32, #tpu.memory_space<vmem>>) semaphore(%arg12 : memref<!tpu.dma_semaphore, #tpu.memory_space<semaphore_mem>>)
    %dma_start3A_252 = arith.constant 12 : i32
    %dma_start3A_253 = arith.constant 12 : i32
    %dma_start3A_254 = arith.constant 0 : i32
    %dma_start3A_255 = tpu.memref_slice %arg11[%dma_start3A_253, %dma_start3A_254] : memref<20x128xf32, #tpu.memory_space<vmem>> -> memref<1x128xf32, #tpu.memory_space<vmem>>
    %dma_start3A_256 = tpu.memref_squeeze %dma_start3A_255 : memref<1x128xf32, #tpu.memory_space<vmem>> -> memref<128xf32, #tpu.memory_space<vmem>>
    %dma_start3A_257 = arith.constant 0 : i32
    %dma_start3A_258 = tpu.memref_slice %arg9[%dma_start3A_252, %dma_start3A_257] : memref<20x128xi32, #tpu.memory_space<vmem>> -> memref<1x128xi32, #tpu.memory_space<vmem>>
    %dma_start3A_259 = tpu.memref_squeeze %dma_start3A_258 : memref<1x128xi32, #tpu.memory_space<vmem>> -> memref<128xi32, #tpu.memory_space<vmem>>
    %dma_start3A_260 = arith.constant 0 : i32
    %dma_start3A_261 = tpu.memref_slice %arg5[%dma_start3A_260] : memref<8000512xf32, #tpu.memory_space<hbm>> -> memref<8000512xf32, #tpu.memory_space<hbm>>
    tpu.enqueue_indirect_dma source(%dma_start3A_261 : memref<8000512xf32, #tpu.memory_space<hbm>>) target(%dma_start3A_256 : memref<128xf32, #tpu.memory_space<vmem>>) offsets(%dma_start3A_259 : memref<128xi32, #tpu.memory_space<vmem>>) semaphore(%arg13 : memref<!tpu.dma_semaphore, #tpu.memory_space<semaphore_mem>>)
    %dma_start3A_262 = arith.constant 13 : i32
    %dma_start3A_263 = arith.constant 13 : i32
    %dma_start3A_264 = arith.constant 0 : i32
    %dma_start3A_265 = tpu.memref_slice %arg10[%dma_start3A_263, %dma_start3A_264] : memref<20x128xf32, #tpu.memory_space<vmem>> -> memref<1x128xf32, #tpu.memory_space<vmem>>
    %dma_start3A_266 = tpu.memref_squeeze %dma_start3A_265 : memref<1x128xf32, #tpu.memory_space<vmem>> -> memref<128xf32, #tpu.memory_space<vmem>>
    %dma_start3A_267 = arith.constant 0 : i32
    %dma_start3A_268 = tpu.memref_slice %arg8[%dma_start3A_262, %dma_start3A_267] : memref<20x128xi32, #tpu.memory_space<vmem>> -> memref<1x128xi32, #tpu.memory_space<vmem>>
    %dma_start3A_269 = tpu.memref_squeeze %dma_start3A_268 : memref<1x128xi32, #tpu.memory_space<vmem>> -> memref<128xi32, #tpu.memory_space<vmem>>
    %dma_start3A_270 = arith.constant 0 : i32
    %dma_start3A_271 = tpu.memref_slice %arg4[%dma_start3A_270] : memref<8000512xf32, #tpu.memory_space<hbm>> -> memref<8000512xf32, #tpu.memory_space<hbm>>
    tpu.enqueue_indirect_dma source(%dma_start3A_271 : memref<8000512xf32, #tpu.memory_space<hbm>>) target(%dma_start3A_266 : memref<128xf32, #tpu.memory_space<vmem>>) offsets(%dma_start3A_269 : memref<128xi32, #tpu.memory_space<vmem>>) semaphore(%arg12 : memref<!tpu.dma_semaphore, #tpu.memory_space<semaphore_mem>>)
    %dma_start3A_272 = arith.constant 13 : i32
    %dma_start3A_273 = arith.constant 13 : i32
    %dma_start3A_274 = arith.constant 0 : i32
    %dma_start3A_275 = tpu.memref_slice %arg11[%dma_start3A_273, %dma_start3A_274] : memref<20x128xf32, #tpu.memory_space<vmem>> -> memref<1x128xf32, #tpu.memory_space<vmem>>
    %dma_start3A_276 = tpu.memref_squeeze %dma_start3A_275 : memref<1x128xf32, #tpu.memory_space<vmem>> -> memref<128xf32, #tpu.memory_space<vmem>>
    %dma_start3A_277 = arith.constant 0 : i32
    %dma_start3A_278 = tpu.memref_slice %arg9[%dma_start3A_272, %dma_start3A_277] : memref<20x128xi32, #tpu.memory_space<vmem>> -> memref<1x128xi32, #tpu.memory_space<vmem>>
    %dma_start3A_279 = tpu.memref_squeeze %dma_start3A_278 : memref<1x128xi32, #tpu.memory_space<vmem>> -> memref<128xi32, #tpu.memory_space<vmem>>
    %dma_start3A_280 = arith.constant 0 : i32
    %dma_start3A_281 = tpu.memref_slice %arg5[%dma_start3A_280] : memref<8000512xf32, #tpu.memory_space<hbm>> -> memref<8000512xf32, #tpu.memory_space<hbm>>
    tpu.enqueue_indirect_dma source(%dma_start3A_281 : memref<8000512xf32, #tpu.memory_space<hbm>>) target(%dma_start3A_276 : memref<128xf32, #tpu.memory_space<vmem>>) offsets(%dma_start3A_279 : memref<128xi32, #tpu.memory_space<vmem>>) semaphore(%arg13 : memref<!tpu.dma_semaphore, #tpu.memory_space<semaphore_mem>>)
    %dma_start3A_282 = arith.constant 14 : i32
    %dma_start3A_283 = arith.constant 14 : i32
    %dma_start3A_284 = arith.constant 0 : i32
    %dma_start3A_285 = tpu.memref_slice %arg10[%dma_start3A_283, %dma_start3A_284] : memref<20x128xf32, #tpu.memory_space<vmem>> -> memref<1x128xf32, #tpu.memory_space<vmem>>
    %dma_start3A_286 = tpu.memref_squeeze %dma_start3A_285 : memref<1x128xf32, #tpu.memory_space<vmem>> -> memref<128xf32, #tpu.memory_space<vmem>>
    %dma_start3A_287 = arith.constant 0 : i32
    %dma_start3A_288 = tpu.memref_slice %arg8[%dma_start3A_282, %dma_start3A_287] : memref<20x128xi32, #tpu.memory_space<vmem>> -> memref<1x128xi32, #tpu.memory_space<vmem>>
    %dma_start3A_289 = tpu.memref_squeeze %dma_start3A_288 : memref<1x128xi32, #tpu.memory_space<vmem>> -> memref<128xi32, #tpu.memory_space<vmem>>
    %dma_start3A_290 = arith.constant 0 : i32
    %dma_start3A_291 = tpu.memref_slice %arg4[%dma_start3A_290] : memref<8000512xf32, #tpu.memory_space<hbm>> -> memref<8000512xf32, #tpu.memory_space<hbm>>
    tpu.enqueue_indirect_dma source(%dma_start3A_291 : memref<8000512xf32, #tpu.memory_space<hbm>>) target(%dma_start3A_286 : memref<128xf32, #tpu.memory_space<vmem>>) offsets(%dma_start3A_289 : memref<128xi32, #tpu.memory_space<vmem>>) semaphore(%arg12 : memref<!tpu.dma_semaphore, #tpu.memory_space<semaphore_mem>>)
    %dma_start3A_292 = arith.constant 14 : i32
    %dma_start3A_293 = arith.constant 14 : i32
    %dma_start3A_294 = arith.constant 0 : i32
    %dma_start3A_295 = tpu.memref_slice %arg11[%dma_start3A_293, %dma_start3A_294] : memref<20x128xf32, #tpu.memory_space<vmem>> -> memref<1x128xf32, #tpu.memory_space<vmem>>
    %dma_start3A_296 = tpu.memref_squeeze %dma_start3A_295 : memref<1x128xf32, #tpu.memory_space<vmem>> -> memref<128xf32, #tpu.memory_space<vmem>>
    %dma_start3A_297 = arith.constant 0 : i32
    %dma_start3A_298 = tpu.memref_slice %arg9[%dma_start3A_292, %dma_start3A_297] : memref<20x128xi32, #tpu.memory_space<vmem>> -> memref<1x128xi32, #tpu.memory_space<vmem>>
    %dma_start3A_299 = tpu.memref_squeeze %dma_start3A_298 : memref<1x128xi32, #tpu.memory_space<vmem>> -> memref<128xi32, #tpu.memory_space<vmem>>
    %dma_start3A_300 = arith.constant 0 : i32
    %dma_start3A_301 = tpu.memref_slice %arg5[%dma_start3A_300] : memref<8000512xf32, #tpu.memory_space<hbm>> -> memref<8000512xf32, #tpu.memory_space<hbm>>
    tpu.enqueue_indirect_dma source(%dma_start3A_301 : memref<8000512xf32, #tpu.memory_space<hbm>>) target(%dma_start3A_296 : memref<128xf32, #tpu.memory_space<vmem>>) offsets(%dma_start3A_299 : memref<128xi32, #tpu.memory_space<vmem>>) semaphore(%arg13 : memref<!tpu.dma_semaphore, #tpu.memory_space<semaphore_mem>>)
    %dma_start3A_302 = arith.constant 15 : i32
    %dma_start3A_303 = arith.constant 15 : i32
    %dma_start3A_304 = arith.constant 0 : i32
    %dma_start3A_305 = tpu.memref_slice %arg10[%dma_start3A_303, %dma_start3A_304] : memref<20x128xf32, #tpu.memory_space<vmem>> -> memref<1x128xf32, #tpu.memory_space<vmem>>
    %dma_start3A_306 = tpu.memref_squeeze %dma_start3A_305 : memref<1x128xf32, #tpu.memory_space<vmem>> -> memref<128xf32, #tpu.memory_space<vmem>>
    %dma_start3A_307 = arith.constant 0 : i32
    %dma_start3A_308 = tpu.memref_slice %arg8[%dma_start3A_302, %dma_start3A_307] : memref<20x128xi32, #tpu.memory_space<vmem>> -> memref<1x128xi32, #tpu.memory_space<vmem>>
    %dma_start3A_309 = tpu.memref_squeeze %dma_start3A_308 : memref<1x128xi32, #tpu.memory_space<vmem>> -> memref<128xi32, #tpu.memory_space<vmem>>
    %dma_start3A_310 = arith.constant 0 : i32
    %dma_start3A_311 = tpu.memref_slice %arg4[%dma_start3A_310] : memref<8000512xf32, #tpu.memory_space<hbm>> -> memref<8000512xf32, #tpu.memory_space<hbm>>
    tpu.enqueue_indirect_dma source(%dma_start3A_311 : memref<8000512xf32, #tpu.memory_space<hbm>>) target(%dma_start3A_306 : memref<128xf32, #tpu.memory_space<vmem>>) offsets(%dma_start3A_309 : memref<128xi32, #tpu.memory_space<vmem>>) semaphore(%arg12 : memref<!tpu.dma_semaphore, #tpu.memory_space<semaphore_mem>>)
    %dma_start3A_312 = arith.constant 15 : i32
    %dma_start3A_313 = arith.constant 15 : i32
    %dma_start3A_314 = arith.constant 0 : i32
    %dma_start3A_315 = tpu.memref_slice %arg11[%dma_start3A_313, %dma_start3A_314] : memref<20x128xf32, #tpu.memory_space<vmem>> -> memref<1x128xf32, #tpu.memory_space<vmem>>
    %dma_start3A_316 = tpu.memref_squeeze %dma_start3A_315 : memref<1x128xf32, #tpu.memory_space<vmem>> -> memref<128xf32, #tpu.memory_space<vmem>>
    %dma_start3A_317 = arith.constant 0 : i32
    %dma_start3A_318 = tpu.memref_slice %arg9[%dma_start3A_312, %dma_start3A_317] : memref<20x128xi32, #tpu.memory_space<vmem>> -> memref<1x128xi32, #tpu.memory_space<vmem>>
    %dma_start3A_319 = tpu.memref_squeeze %dma_start3A_318 : memref<1x128xi32, #tpu.memory_space<vmem>> -> memref<128xi32, #tpu.memory_space<vmem>>
    %dma_start3A_320 = arith.constant 0 : i32
    %dma_start3A_321 = tpu.memref_slice %arg5[%dma_start3A_320] : memref<8000512xf32, #tpu.memory_space<hbm>> -> memref<8000512xf32, #tpu.memory_space<hbm>>
    tpu.enqueue_indirect_dma source(%dma_start3A_321 : memref<8000512xf32, #tpu.memory_space<hbm>>) target(%dma_start3A_316 : memref<128xf32, #tpu.memory_space<vmem>>) offsets(%dma_start3A_319 : memref<128xi32, #tpu.memory_space<vmem>>) semaphore(%arg13 : memref<!tpu.dma_semaphore, #tpu.memory_space<semaphore_mem>>)
    %dma_start3A_322 = arith.constant 16 : i32
    %dma_start3A_323 = arith.constant 16 : i32
    %dma_start3A_324 = arith.constant 0 : i32
    %dma_start3A_325 = tpu.memref_slice %arg10[%dma_start3A_323, %dma_start3A_324] : memref<20x128xf32, #tpu.memory_space<vmem>> -> memref<1x128xf32, #tpu.memory_space<vmem>>
    %dma_start3A_326 = tpu.memref_squeeze %dma_start3A_325 : memref<1x128xf32, #tpu.memory_space<vmem>> -> memref<128xf32, #tpu.memory_space<vmem>>
    %dma_start3A_327 = arith.constant 0 : i32
    %dma_start3A_328 = tpu.memref_slice %arg8[%dma_start3A_322, %dma_start3A_327] : memref<20x128xi32, #tpu.memory_space<vmem>> -> memref<1x128xi32, #tpu.memory_space<vmem>>
    %dma_start3A_329 = tpu.memref_squeeze %dma_start3A_328 : memref<1x128xi32, #tpu.memory_space<vmem>> -> memref<128xi32, #tpu.memory_space<vmem>>
    %dma_start3A_330 = arith.constant 0 : i32
    %dma_start3A_331 = tpu.memref_slice %arg4[%dma_start3A_330] : memref<8000512xf32, #tpu.memory_space<hbm>> -> memref<8000512xf32, #tpu.memory_space<hbm>>
    tpu.enqueue_indirect_dma source(%dma_start3A_331 : memref<8000512xf32, #tpu.memory_space<hbm>>) target(%dma_start3A_326 : memref<128xf32, #tpu.memory_space<vmem>>) offsets(%dma_start3A_329 : memref<128xi32, #tpu.memory_space<vmem>>) semaphore(%arg12 : memref<!tpu.dma_semaphore, #tpu.memory_space<semaphore_mem>>)
    %dma_start3A_332 = arith.constant 16 : i32
    %dma_start3A_333 = arith.constant 16 : i32
    %dma_start3A_334 = arith.constant 0 : i32
    %dma_start3A_335 = tpu.memref_slice %arg11[%dma_start3A_333, %dma_start3A_334] : memref<20x128xf32, #tpu.memory_space<vmem>> -> memref<1x128xf32, #tpu.memory_space<vmem>>
    %dma_start3A_336 = tpu.memref_squeeze %dma_start3A_335 : memref<1x128xf32, #tpu.memory_space<vmem>> -> memref<128xf32, #tpu.memory_space<vmem>>
    %dma_start3A_337 = arith.constant 0 : i32
    %dma_start3A_338 = tpu.memref_slice %arg9[%dma_start3A_332, %dma_start3A_337] : memref<20x128xi32, #tpu.memory_space<vmem>> -> memref<1x128xi32, #tpu.memory_space<vmem>>
    %dma_start3A_339 = tpu.memref_squeeze %dma_start3A_338 : memref<1x128xi32, #tpu.memory_space<vmem>> -> memref<128xi32, #tpu.memory_space<vmem>>
    %dma_start3A_340 = arith.constant 0 : i32
    %dma_start3A_341 = tpu.memref_slice %arg5[%dma_start3A_340] : memref<8000512xf32, #tpu.memory_space<hbm>> -> memref<8000512xf32, #tpu.memory_space<hbm>>
    tpu.enqueue_indirect_dma source(%dma_start3A_341 : memref<8000512xf32, #tpu.memory_space<hbm>>) target(%dma_start3A_336 : memref<128xf32, #tpu.memory_space<vmem>>) offsets(%dma_start3A_339 : memref<128xi32, #tpu.memory_space<vmem>>) semaphore(%arg13 : memref<!tpu.dma_semaphore, #tpu.memory_space<semaphore_mem>>)
    %dma_start3A_342 = arith.constant 17 : i32
    %dma_start3A_343 = arith.constant 17 : i32
    %dma_start3A_344 = arith.constant 0 : i32
    %dma_start3A_345 = tpu.memref_slice %arg10[%dma_start3A_343, %dma_start3A_344] : memref<20x128xf32, #tpu.memory_space<vmem>> -> memref<1x128xf32, #tpu.memory_space<vmem>>
    %dma_start3A_346 = tpu.memref_squeeze %dma_start3A_345 : memref<1x128xf32, #tpu.memory_space<vmem>> -> memref<128xf32, #tpu.memory_space<vmem>>
    %dma_start3A_347 = arith.constant 0 : i32
    %dma_start3A_348 = tpu.memref_slice %arg8[%dma_start3A_342, %dma_start3A_347] : memref<20x128xi32, #tpu.memory_space<vmem>> -> memref<1x128xi32, #tpu.memory_space<vmem>>
    %dma_start3A_349 = tpu.memref_squeeze %dma_start3A_348 : memref<1x128xi32, #tpu.memory_space<vmem>> -> memref<128xi32, #tpu.memory_space<vmem>>
    %dma_start3A_350 = arith.constant 0 : i32
    %dma_start3A_351 = tpu.memref_slice %arg4[%dma_start3A_350] : memref<8000512xf32, #tpu.memory_space<hbm>> -> memref<8000512xf32, #tpu.memory_space<hbm>>
    tpu.enqueue_indirect_dma source(%dma_start3A_351 : memref<8000512xf32, #tpu.memory_space<hbm>>) target(%dma_start3A_346 : memref<128xf32, #tpu.memory_space<vmem>>) offsets(%dma_start3A_349 : memref<128xi32, #tpu.memory_space<vmem>>) semaphore(%arg12 : memref<!tpu.dma_semaphore, #tpu.memory_space<semaphore_mem>>)
    %dma_start3A_352 = arith.constant 17 : i32
    %dma_start3A_353 = arith.constant 17 : i32
    %dma_start3A_354 = arith.constant 0 : i32
    %dma_start3A_355 = tpu.memref_slice %arg11[%dma_start3A_353, %dma_start3A_354] : memref<20x128xf32, #tpu.memory_space<vmem>> -> memref<1x128xf32, #tpu.memory_space<vmem>>
    %dma_start3A_356 = tpu.memref_squeeze %dma_start3A_355 : memref<1x128xf32, #tpu.memory_space<vmem>> -> memref<128xf32, #tpu.memory_space<vmem>>
    %dma_start3A_357 = arith.constant 0 : i32
    %dma_start3A_358 = tpu.memref_slice %arg9[%dma_start3A_352, %dma_start3A_357] : memref<20x128xi32, #tpu.memory_space<vmem>> -> memref<1x128xi32, #tpu.memory_space<vmem>>
    %dma_start3A_359 = tpu.memref_squeeze %dma_start3A_358 : memref<1x128xi32, #tpu.memory_space<vmem>> -> memref<128xi32, #tpu.memory_space<vmem>>
    %dma_start3A_360 = arith.constant 0 : i32
    %dma_start3A_361 = tpu.memref_slice %arg5[%dma_start3A_360] : memref<8000512xf32, #tpu.memory_space<hbm>> -> memref<8000512xf32, #tpu.memory_space<hbm>>
    tpu.enqueue_indirect_dma source(%dma_start3A_361 : memref<8000512xf32, #tpu.memory_space<hbm>>) target(%dma_start3A_356 : memref<128xf32, #tpu.memory_space<vmem>>) offsets(%dma_start3A_359 : memref<128xi32, #tpu.memory_space<vmem>>) semaphore(%arg13 : memref<!tpu.dma_semaphore, #tpu.memory_space<semaphore_mem>>)
    %dma_start3A_362 = arith.constant 18 : i32
    %dma_start3A_363 = arith.constant 18 : i32
    %dma_start3A_364 = arith.constant 0 : i32
    %dma_start3A_365 = tpu.memref_slice %arg10[%dma_start3A_363, %dma_start3A_364] : memref<20x128xf32, #tpu.memory_space<vmem>> -> memref<1x128xf32, #tpu.memory_space<vmem>>
    %dma_start3A_366 = tpu.memref_squeeze %dma_start3A_365 : memref<1x128xf32, #tpu.memory_space<vmem>> -> memref<128xf32, #tpu.memory_space<vmem>>
    %dma_start3A_367 = arith.constant 0 : i32
    %dma_start3A_368 = tpu.memref_slice %arg8[%dma_start3A_362, %dma_start3A_367] : memref<20x128xi32, #tpu.memory_space<vmem>> -> memref<1x128xi32, #tpu.memory_space<vmem>>
    %dma_start3A_369 = tpu.memref_squeeze %dma_start3A_368 : memref<1x128xi32, #tpu.memory_space<vmem>> -> memref<128xi32, #tpu.memory_space<vmem>>
    %dma_start3A_370 = arith.constant 0 : i32
    %dma_start3A_371 = tpu.memref_slice %arg4[%dma_start3A_370] : memref<8000512xf32, #tpu.memory_space<hbm>> -> memref<8000512xf32, #tpu.memory_space<hbm>>
    tpu.enqueue_indirect_dma source(%dma_start3A_371 : memref<8000512xf32, #tpu.memory_space<hbm>>) target(%dma_start3A_366 : memref<128xf32, #tpu.memory_space<vmem>>) offsets(%dma_start3A_369 : memref<128xi32, #tpu.memory_space<vmem>>) semaphore(%arg12 : memref<!tpu.dma_semaphore, #tpu.memory_space<semaphore_mem>>)
    %dma_start3A_372 = arith.constant 18 : i32
    %dma_start3A_373 = arith.constant 18 : i32
    %dma_start3A_374 = arith.constant 0 : i32
    %dma_start3A_375 = tpu.memref_slice %arg11[%dma_start3A_373, %dma_start3A_374] : memref<20x128xf32, #tpu.memory_space<vmem>> -> memref<1x128xf32, #tpu.memory_space<vmem>>
    %dma_start3A_376 = tpu.memref_squeeze %dma_start3A_375 : memref<1x128xf32, #tpu.memory_space<vmem>> -> memref<128xf32, #tpu.memory_space<vmem>>
    %dma_start3A_377 = arith.constant 0 : i32
    %dma_start3A_378 = tpu.memref_slice %arg9[%dma_start3A_372, %dma_start3A_377] : memref<20x128xi32, #tpu.memory_space<vmem>> -> memref<1x128xi32, #tpu.memory_space<vmem>>
    %dma_start3A_379 = tpu.memref_squeeze %dma_start3A_378 : memref<1x128xi32, #tpu.memory_space<vmem>> -> memref<128xi32, #tpu.memory_space<vmem>>
    %dma_start3A_380 = arith.constant 0 : i32
    %dma_start3A_381 = tpu.memref_slice %arg5[%dma_start3A_380] : memref<8000512xf32, #tpu.memory_space<hbm>> -> memref<8000512xf32, #tpu.memory_space<hbm>>
    tpu.enqueue_indirect_dma source(%dma_start3A_381 : memref<8000512xf32, #tpu.memory_space<hbm>>) target(%dma_start3A_376 : memref<128xf32, #tpu.memory_space<vmem>>) offsets(%dma_start3A_379 : memref<128xi32, #tpu.memory_space<vmem>>) semaphore(%arg13 : memref<!tpu.dma_semaphore, #tpu.memory_space<semaphore_mem>>)
    %dma_start3A_382 = arith.constant 19 : i32
    %dma_start3A_383 = arith.constant 19 : i32
    %dma_start3A_384 = arith.constant 0 : i32
    %dma_start3A_385 = tpu.memref_slice %arg10[%dma_start3A_383, %dma_start3A_384] : memref<20x128xf32, #tpu.memory_space<vmem>> -> memref<1x128xf32, #tpu.memory_space<vmem>>
    %dma_start3A_386 = tpu.memref_squeeze %dma_start3A_385 : memref<1x128xf32, #tpu.memory_space<vmem>> -> memref<128xf32, #tpu.memory_space<vmem>>
    %dma_start3A_387 = arith.constant 0 : i32
    %dma_start3A_388 = tpu.memref_slice %arg8[%dma_start3A_382, %dma_start3A_387] : memref<20x128xi32, #tpu.memory_space<vmem>> -> memref<1x128xi32, #tpu.memory_space<vmem>>
    %dma_start3A_389 = tpu.memref_squeeze %dma_start3A_388 : memref<1x128xi32, #tpu.memory_space<vmem>> -> memref<128xi32, #tpu.memory_space<vmem>>
    %dma_start3A_390 = arith.constant 0 : i32
    %dma_start3A_391 = tpu.memref_slice %arg4[%dma_start3A_390] : memref<8000512xf32, #tpu.memory_space<hbm>> -> memref<8000512xf32, #tpu.memory_space<hbm>>
    tpu.enqueue_indirect_dma source(%dma_start3A_391 : memref<8000512xf32, #tpu.memory_space<hbm>>) target(%dma_start3A_386 : memref<128xf32, #tpu.memory_space<vmem>>) offsets(%dma_start3A_389 : memref<128xi32, #tpu.memory_space<vmem>>) semaphore(%arg12 : memref<!tpu.dma_semaphore, #tpu.memory_space<semaphore_mem>>)
    %dma_start3A_392 = arith.constant 19 : i32
    %dma_start3A_393 = arith.constant 19 : i32
    %dma_start3A_394 = arith.constant 0 : i32
    %dma_start3A_395 = tpu.memref_slice %arg11[%dma_start3A_393, %dma_start3A_394] : memref<20x128xf32, #tpu.memory_space<vmem>> -> memref<1x128xf32, #tpu.memory_space<vmem>>
    %dma_start3A_396 = tpu.memref_squeeze %dma_start3A_395 : memref<1x128xf32, #tpu.memory_space<vmem>> -> memref<128xf32, #tpu.memory_space<vmem>>
    %dma_start3A_397 = arith.constant 0 : i32
    %dma_start3A_398 = tpu.memref_slice %arg9[%dma_start3A_392, %dma_start3A_397] : memref<20x128xi32, #tpu.memory_space<vmem>> -> memref<1x128xi32, #tpu.memory_space<vmem>>
    %dma_start3A_399 = tpu.memref_squeeze %dma_start3A_398 : memref<1x128xi32, #tpu.memory_space<vmem>> -> memref<128xi32, #tpu.memory_space<vmem>>
    %dma_start3A_400 = arith.constant 0 : i32
    %dma_start3A_401 = tpu.memref_slice %arg5[%dma_start3A_400] : memref<8000512xf32, #tpu.memory_space<hbm>> -> memref<8000512xf32, #tpu.memory_space<hbm>>
    tpu.enqueue_indirect_dma source(%dma_start3A_401 : memref<8000512xf32, #tpu.memory_space<hbm>>) target(%dma_start3A_396 : memref<128xf32, #tpu.memory_space<vmem>>) offsets(%dma_start3A_399 : memref<128xi32, #tpu.memory_space<vmem>>) semaphore(%arg13 : memref<!tpu.dma_semaphore, #tpu.memory_space<semaphore_mem>>)
    %dma_wait3A = arith.constant 0 : i32
    %dma_wait3A_402 = arith.constant 0 : i32
    %dma_wait3A_403 = arith.constant 0 : i32
    %dma_wait3A_404 = tpu.memref_slice %arg10[%dma_wait3A_402, %dma_wait3A_403] : memref<20x128xf32, #tpu.memory_space<vmem>> -> memref<1x128xf32, #tpu.memory_space<vmem>>
    %dma_wait3A_405 = tpu.memref_squeeze %dma_wait3A_404 : memref<1x128xf32, #tpu.memory_space<vmem>> -> memref<128xf32, #tpu.memory_space<vmem>>
    %dma_wait3A_406 = arith.constant 0 : i32
    %dma_wait3A_407 = tpu.memref_slice %arg8[%dma_wait3A, %dma_wait3A_406] : memref<20x128xi32, #tpu.memory_space<vmem>> -> memref<1x128xi32, #tpu.memory_space<vmem>>
    %dma_wait3A_408 = tpu.memref_squeeze %dma_wait3A_407 : memref<1x128xi32, #tpu.memory_space<vmem>> -> memref<128xi32, #tpu.memory_space<vmem>>
    %dma_wait3A_409 = arith.constant 0 : i32
    %dma_wait3A_410 = tpu.memref_slice %arg4[%dma_wait3A_409] : memref<8000512xf32, #tpu.memory_space<hbm>> -> memref<8000512xf32, #tpu.memory_space<hbm>>
    tpu.wait_indirect_dma semaphore(%arg12 : memref<!tpu.dma_semaphore, #tpu.memory_space<semaphore_mem>>) src(%dma_wait3A_410 : memref<8000512xf32, #tpu.memory_space<hbm>>) dst(%dma_wait3A_405 : memref<128xf32, #tpu.memory_space<vmem>>)
    %dma_wait3A_411 = arith.constant 0 : i32
    %dma_wait3A_412 = arith.constant 0 : i32
    %dma_wait3A_413 = arith.constant 0 : i32
    %dma_wait3A_414 = tpu.memref_slice %arg11[%dma_wait3A_412, %dma_wait3A_413] : memref<20x128xf32, #tpu.memory_space<vmem>> -> memref<1x128xf32, #tpu.memory_space<vmem>>
    %dma_wait3A_415 = tpu.memref_squeeze %dma_wait3A_414 : memref<1x128xf32, #tpu.memory_space<vmem>> -> memref<128xf32, #tpu.memory_space<vmem>>
    %dma_wait3A_416 = arith.constant 0 : i32
    %dma_wait3A_417 = tpu.memref_slice %arg9[%dma_wait3A_411, %dma_wait3A_416] : memref<20x128xi32, #tpu.memory_space<vmem>> -> memref<1x128xi32, #tpu.memory_space<vmem>>
    %dma_wait3A_418 = tpu.memref_squeeze %dma_wait3A_417 : memref<1x128xi32, #tpu.memory_space<vmem>> -> memref<128xi32, #tpu.memory_space<vmem>>
    %dma_wait3A_419 = arith.constant 0 : i32
    %dma_wait3A_420 = tpu.memref_slice %arg5[%dma_wait3A_419] : memref<8000512xf32, #tpu.memory_space<hbm>> -> memref<8000512xf32, #tpu.memory_space<hbm>>
    tpu.wait_indirect_dma semaphore(%arg13 : memref<!tpu.dma_semaphore, #tpu.memory_space<semaphore_mem>>) src(%dma_wait3A_420 : memref<8000512xf32, #tpu.memory_space<hbm>>) dst(%dma_wait3A_415 : memref<128xf32, #tpu.memory_space<vmem>>)
    %dma_wait3A_421 = arith.constant 1 : i32
    %dma_wait3A_422 = arith.constant 1 : i32
    %dma_wait3A_423 = arith.constant 0 : i32
    %dma_wait3A_424 = tpu.memref_slice %arg10[%dma_wait3A_422, %dma_wait3A_423] : memref<20x128xf32, #tpu.memory_space<vmem>> -> memref<1x128xf32, #tpu.memory_space<vmem>>
    %dma_wait3A_425 = tpu.memref_squeeze %dma_wait3A_424 : memref<1x128xf32, #tpu.memory_space<vmem>> -> memref<128xf32, #tpu.memory_space<vmem>>
    %dma_wait3A_426 = arith.constant 0 : i32
    %dma_wait3A_427 = tpu.memref_slice %arg8[%dma_wait3A_421, %dma_wait3A_426] : memref<20x128xi32, #tpu.memory_space<vmem>> -> memref<1x128xi32, #tpu.memory_space<vmem>>
    %dma_wait3A_428 = tpu.memref_squeeze %dma_wait3A_427 : memref<1x128xi32, #tpu.memory_space<vmem>> -> memref<128xi32, #tpu.memory_space<vmem>>
    %dma_wait3A_429 = arith.constant 0 : i32
    %dma_wait3A_430 = tpu.memref_slice %arg4[%dma_wait3A_429] : memref<8000512xf32, #tpu.memory_space<hbm>> -> memref<8000512xf32, #tpu.memory_space<hbm>>
    tpu.wait_indirect_dma semaphore(%arg12 : memref<!tpu.dma_semaphore, #tpu.memory_space<semaphore_mem>>) src(%dma_wait3A_430 : memref<8000512xf32, #tpu.memory_space<hbm>>) dst(%dma_wait3A_425 : memref<128xf32, #tpu.memory_space<vmem>>)
    %dma_wait3A_431 = arith.constant 1 : i32
    %dma_wait3A_432 = arith.constant 1 : i32
    %dma_wait3A_433 = arith.constant 0 : i32
    %dma_wait3A_434 = tpu.memref_slice %arg11[%dma_wait3A_432, %dma_wait3A_433] : memref<20x128xf32, #tpu.memory_space<vmem>> -> memref<1x128xf32, #tpu.memory_space<vmem>>
    %dma_wait3A_435 = tpu.memref_squeeze %dma_wait3A_434 : memref<1x128xf32, #tpu.memory_space<vmem>> -> memref<128xf32, #tpu.memory_space<vmem>>
    %dma_wait3A_436 = arith.constant 0 : i32
    %dma_wait3A_437 = tpu.memref_slice %arg9[%dma_wait3A_431, %dma_wait3A_436] : memref<20x128xi32, #tpu.memory_space<vmem>> -> memref<1x128xi32, #tpu.memory_space<vmem>>
    %dma_wait3A_438 = tpu.memref_squeeze %dma_wait3A_437 : memref<1x128xi32, #tpu.memory_space<vmem>> -> memref<128xi32, #tpu.memory_space<vmem>>
    %dma_wait3A_439 = arith.constant 0 : i32
    %dma_wait3A_440 = tpu.memref_slice %arg5[%dma_wait3A_439] : memref<8000512xf32, #tpu.memory_space<hbm>> -> memref<8000512xf32, #tpu.memory_space<hbm>>
    tpu.wait_indirect_dma semaphore(%arg13 : memref<!tpu.dma_semaphore, #tpu.memory_space<semaphore_mem>>) src(%dma_wait3A_440 : memref<8000512xf32, #tpu.memory_space<hbm>>) dst(%dma_wait3A_435 : memref<128xf32, #tpu.memory_space<vmem>>)
    %dma_wait3A_441 = arith.constant 2 : i32
    %dma_wait3A_442 = arith.constant 2 : i32
    %dma_wait3A_443 = arith.constant 0 : i32
    %dma_wait3A_444 = tpu.memref_slice %arg10[%dma_wait3A_442, %dma_wait3A_443] : memref<20x128xf32, #tpu.memory_space<vmem>> -> memref<1x128xf32, #tpu.memory_space<vmem>>
    %dma_wait3A_445 = tpu.memref_squeeze %dma_wait3A_444 : memref<1x128xf32, #tpu.memory_space<vmem>> -> memref<128xf32, #tpu.memory_space<vmem>>
    %dma_wait3A_446 = arith.constant 0 : i32
    %dma_wait3A_447 = tpu.memref_slice %arg8[%dma_wait3A_441, %dma_wait3A_446] : memref<20x128xi32, #tpu.memory_space<vmem>> -> memref<1x128xi32, #tpu.memory_space<vmem>>
    %dma_wait3A_448 = tpu.memref_squeeze %dma_wait3A_447 : memref<1x128xi32, #tpu.memory_space<vmem>> -> memref<128xi32, #tpu.memory_space<vmem>>
    %dma_wait3A_449 = arith.constant 0 : i32
    %dma_wait3A_450 = tpu.memref_slice %arg4[%dma_wait3A_449] : memref<8000512xf32, #tpu.memory_space<hbm>> -> memref<8000512xf32, #tpu.memory_space<hbm>>
    tpu.wait_indirect_dma semaphore(%arg12 : memref<!tpu.dma_semaphore, #tpu.memory_space<semaphore_mem>>) src(%dma_wait3A_450 : memref<8000512xf32, #tpu.memory_space<hbm>>) dst(%dma_wait3A_445 : memref<128xf32, #tpu.memory_space<vmem>>)
    %dma_wait3A_451 = arith.constant 2 : i32
    %dma_wait3A_452 = arith.constant 2 : i32
    %dma_wait3A_453 = arith.constant 0 : i32
    %dma_wait3A_454 = tpu.memref_slice %arg11[%dma_wait3A_452, %dma_wait3A_453] : memref<20x128xf32, #tpu.memory_space<vmem>> -> memref<1x128xf32, #tpu.memory_space<vmem>>
    %dma_wait3A_455 = tpu.memref_squeeze %dma_wait3A_454 : memref<1x128xf32, #tpu.memory_space<vmem>> -> memref<128xf32, #tpu.memory_space<vmem>>
    %dma_wait3A_456 = arith.constant 0 : i32
    %dma_wait3A_457 = tpu.memref_slice %arg9[%dma_wait3A_451, %dma_wait3A_456] : memref<20x128xi32, #tpu.memory_space<vmem>> -> memref<1x128xi32, #tpu.memory_space<vmem>>
    %dma_wait3A_458 = tpu.memref_squeeze %dma_wait3A_457 : memref<1x128xi32, #tpu.memory_space<vmem>> -> memref<128xi32, #tpu.memory_space<vmem>>
    %dma_wait3A_459 = arith.constant 0 : i32
    %dma_wait3A_460 = tpu.memref_slice %arg5[%dma_wait3A_459] : memref<8000512xf32, #tpu.memory_space<hbm>> -> memref<8000512xf32, #tpu.memory_space<hbm>>
    tpu.wait_indirect_dma semaphore(%arg13 : memref<!tpu.dma_semaphore, #tpu.memory_space<semaphore_mem>>) src(%dma_wait3A_460 : memref<8000512xf32, #tpu.memory_space<hbm>>) dst(%dma_wait3A_455 : memref<128xf32, #tpu.memory_space<vmem>>)
    %dma_wait3A_461 = arith.constant 3 : i32
    %dma_wait3A_462 = arith.constant 3 : i32
    %dma_wait3A_463 = arith.constant 0 : i32
    %dma_wait3A_464 = tpu.memref_slice %arg10[%dma_wait3A_462, %dma_wait3A_463] : memref<20x128xf32, #tpu.memory_space<vmem>> -> memref<1x128xf32, #tpu.memory_space<vmem>>
    %dma_wait3A_465 = tpu.memref_squeeze %dma_wait3A_464 : memref<1x128xf32, #tpu.memory_space<vmem>> -> memref<128xf32, #tpu.memory_space<vmem>>
    %dma_wait3A_466 = arith.constant 0 : i32
    %dma_wait3A_467 = tpu.memref_slice %arg8[%dma_wait3A_461, %dma_wait3A_466] : memref<20x128xi32, #tpu.memory_space<vmem>> -> memref<1x128xi32, #tpu.memory_space<vmem>>
    %dma_wait3A_468 = tpu.memref_squeeze %dma_wait3A_467 : memref<1x128xi32, #tpu.memory_space<vmem>> -> memref<128xi32, #tpu.memory_space<vmem>>
    %dma_wait3A_469 = arith.constant 0 : i32
    %dma_wait3A_470 = tpu.memref_slice %arg4[%dma_wait3A_469] : memref<8000512xf32, #tpu.memory_space<hbm>> -> memref<8000512xf32, #tpu.memory_space<hbm>>
    tpu.wait_indirect_dma semaphore(%arg12 : memref<!tpu.dma_semaphore, #tpu.memory_space<semaphore_mem>>) src(%dma_wait3A_470 : memref<8000512xf32, #tpu.memory_space<hbm>>) dst(%dma_wait3A_465 : memref<128xf32, #tpu.memory_space<vmem>>)
    %dma_wait3A_471 = arith.constant 3 : i32
    %dma_wait3A_472 = arith.constant 3 : i32
    %dma_wait3A_473 = arith.constant 0 : i32
    %dma_wait3A_474 = tpu.memref_slice %arg11[%dma_wait3A_472, %dma_wait3A_473] : memref<20x128xf32, #tpu.memory_space<vmem>> -> memref<1x128xf32, #tpu.memory_space<vmem>>
    %dma_wait3A_475 = tpu.memref_squeeze %dma_wait3A_474 : memref<1x128xf32, #tpu.memory_space<vmem>> -> memref<128xf32, #tpu.memory_space<vmem>>
    %dma_wait3A_476 = arith.constant 0 : i32
    %dma_wait3A_477 = tpu.memref_slice %arg9[%dma_wait3A_471, %dma_wait3A_476] : memref<20x128xi32, #tpu.memory_space<vmem>> -> memref<1x128xi32, #tpu.memory_space<vmem>>
    %dma_wait3A_478 = tpu.memref_squeeze %dma_wait3A_477 : memref<1x128xi32, #tpu.memory_space<vmem>> -> memref<128xi32, #tpu.memory_space<vmem>>
    %dma_wait3A_479 = arith.constant 0 : i32
    %dma_wait3A_480 = tpu.memref_slice %arg5[%dma_wait3A_479] : memref<8000512xf32, #tpu.memory_space<hbm>> -> memref<8000512xf32, #tpu.memory_space<hbm>>
    tpu.wait_indirect_dma semaphore(%arg13 : memref<!tpu.dma_semaphore, #tpu.memory_space<semaphore_mem>>) src(%dma_wait3A_480 : memref<8000512xf32, #tpu.memory_space<hbm>>) dst(%dma_wait3A_475 : memref<128xf32, #tpu.memory_space<vmem>>)
    %dma_wait3A_481 = arith.constant 4 : i32
    %dma_wait3A_482 = arith.constant 4 : i32
    %dma_wait3A_483 = arith.constant 0 : i32
    %dma_wait3A_484 = tpu.memref_slice %arg10[%dma_wait3A_482, %dma_wait3A_483] : memref<20x128xf32, #tpu.memory_space<vmem>> -> memref<1x128xf32, #tpu.memory_space<vmem>>
    %dma_wait3A_485 = tpu.memref_squeeze %dma_wait3A_484 : memref<1x128xf32, #tpu.memory_space<vmem>> -> memref<128xf32, #tpu.memory_space<vmem>>
    %dma_wait3A_486 = arith.constant 0 : i32
    %dma_wait3A_487 = tpu.memref_slice %arg8[%dma_wait3A_481, %dma_wait3A_486] : memref<20x128xi32, #tpu.memory_space<vmem>> -> memref<1x128xi32, #tpu.memory_space<vmem>>
    %dma_wait3A_488 = tpu.memref_squeeze %dma_wait3A_487 : memref<1x128xi32, #tpu.memory_space<vmem>> -> memref<128xi32, #tpu.memory_space<vmem>>
    %dma_wait3A_489 = arith.constant 0 : i32
    %dma_wait3A_490 = tpu.memref_slice %arg4[%dma_wait3A_489] : memref<8000512xf32, #tpu.memory_space<hbm>> -> memref<8000512xf32, #tpu.memory_space<hbm>>
    tpu.wait_indirect_dma semaphore(%arg12 : memref<!tpu.dma_semaphore, #tpu.memory_space<semaphore_mem>>) src(%dma_wait3A_490 : memref<8000512xf32, #tpu.memory_space<hbm>>) dst(%dma_wait3A_485 : memref<128xf32, #tpu.memory_space<vmem>>)
    %dma_wait3A_491 = arith.constant 4 : i32
    %dma_wait3A_492 = arith.constant 4 : i32
    %dma_wait3A_493 = arith.constant 0 : i32
    %dma_wait3A_494 = tpu.memref_slice %arg11[%dma_wait3A_492, %dma_wait3A_493] : memref<20x128xf32, #tpu.memory_space<vmem>> -> memref<1x128xf32, #tpu.memory_space<vmem>>
    %dma_wait3A_495 = tpu.memref_squeeze %dma_wait3A_494 : memref<1x128xf32, #tpu.memory_space<vmem>> -> memref<128xf32, #tpu.memory_space<vmem>>
    %dma_wait3A_496 = arith.constant 0 : i32
    %dma_wait3A_497 = tpu.memref_slice %arg9[%dma_wait3A_491, %dma_wait3A_496] : memref<20x128xi32, #tpu.memory_space<vmem>> -> memref<1x128xi32, #tpu.memory_space<vmem>>
    %dma_wait3A_498 = tpu.memref_squeeze %dma_wait3A_497 : memref<1x128xi32, #tpu.memory_space<vmem>> -> memref<128xi32, #tpu.memory_space<vmem>>
    %dma_wait3A_499 = arith.constant 0 : i32
    %dma_wait3A_500 = tpu.memref_slice %arg5[%dma_wait3A_499] : memref<8000512xf32, #tpu.memory_space<hbm>> -> memref<8000512xf32, #tpu.memory_space<hbm>>
    tpu.wait_indirect_dma semaphore(%arg13 : memref<!tpu.dma_semaphore, #tpu.memory_space<semaphore_mem>>) src(%dma_wait3A_500 : memref<8000512xf32, #tpu.memory_space<hbm>>) dst(%dma_wait3A_495 : memref<128xf32, #tpu.memory_space<vmem>>)
    %dma_wait3A_501 = arith.constant 5 : i32
    %dma_wait3A_502 = arith.constant 5 : i32
    %dma_wait3A_503 = arith.constant 0 : i32
    %dma_wait3A_504 = tpu.memref_slice %arg10[%dma_wait3A_502, %dma_wait3A_503] : memref<20x128xf32, #tpu.memory_space<vmem>> -> memref<1x128xf32, #tpu.memory_space<vmem>>
    %dma_wait3A_505 = tpu.memref_squeeze %dma_wait3A_504 : memref<1x128xf32, #tpu.memory_space<vmem>> -> memref<128xf32, #tpu.memory_space<vmem>>
    %dma_wait3A_506 = arith.constant 0 : i32
    %dma_wait3A_507 = tpu.memref_slice %arg8[%dma_wait3A_501, %dma_wait3A_506] : memref<20x128xi32, #tpu.memory_space<vmem>> -> memref<1x128xi32, #tpu.memory_space<vmem>>
    %dma_wait3A_508 = tpu.memref_squeeze %dma_wait3A_507 : memref<1x128xi32, #tpu.memory_space<vmem>> -> memref<128xi32, #tpu.memory_space<vmem>>
    %dma_wait3A_509 = arith.constant 0 : i32
    %dma_wait3A_510 = tpu.memref_slice %arg4[%dma_wait3A_509] : memref<8000512xf32, #tpu.memory_space<hbm>> -> memref<8000512xf32, #tpu.memory_space<hbm>>
    tpu.wait_indirect_dma semaphore(%arg12 : memref<!tpu.dma_semaphore, #tpu.memory_space<semaphore_mem>>) src(%dma_wait3A_510 : memref<8000512xf32, #tpu.memory_space<hbm>>) dst(%dma_wait3A_505 : memref<128xf32, #tpu.memory_space<vmem>>)
    %dma_wait3A_511 = arith.constant 5 : i32
    %dma_wait3A_512 = arith.constant 5 : i32
    %dma_wait3A_513 = arith.constant 0 : i32
    %dma_wait3A_514 = tpu.memref_slice %arg11[%dma_wait3A_512, %dma_wait3A_513] : memref<20x128xf32, #tpu.memory_space<vmem>> -> memref<1x128xf32, #tpu.memory_space<vmem>>
    %dma_wait3A_515 = tpu.memref_squeeze %dma_wait3A_514 : memref<1x128xf32, #tpu.memory_space<vmem>> -> memref<128xf32, #tpu.memory_space<vmem>>
    %dma_wait3A_516 = arith.constant 0 : i32
    %dma_wait3A_517 = tpu.memref_slice %arg9[%dma_wait3A_511, %dma_wait3A_516] : memref<20x128xi32, #tpu.memory_space<vmem>> -> memref<1x128xi32, #tpu.memory_space<vmem>>
    %dma_wait3A_518 = tpu.memref_squeeze %dma_wait3A_517 : memref<1x128xi32, #tpu.memory_space<vmem>> -> memref<128xi32, #tpu.memory_space<vmem>>
    %dma_wait3A_519 = arith.constant 0 : i32
    %dma_wait3A_520 = tpu.memref_slice %arg5[%dma_wait3A_519] : memref<8000512xf32, #tpu.memory_space<hbm>> -> memref<8000512xf32, #tpu.memory_space<hbm>>
    tpu.wait_indirect_dma semaphore(%arg13 : memref<!tpu.dma_semaphore, #tpu.memory_space<semaphore_mem>>) src(%dma_wait3A_520 : memref<8000512xf32, #tpu.memory_space<hbm>>) dst(%dma_wait3A_515 : memref<128xf32, #tpu.memory_space<vmem>>)
    %dma_wait3A_521 = arith.constant 6 : i32
    %dma_wait3A_522 = arith.constant 6 : i32
    %dma_wait3A_523 = arith.constant 0 : i32
    %dma_wait3A_524 = tpu.memref_slice %arg10[%dma_wait3A_522, %dma_wait3A_523] : memref<20x128xf32, #tpu.memory_space<vmem>> -> memref<1x128xf32, #tpu.memory_space<vmem>>
    %dma_wait3A_525 = tpu.memref_squeeze %dma_wait3A_524 : memref<1x128xf32, #tpu.memory_space<vmem>> -> memref<128xf32, #tpu.memory_space<vmem>>
    %dma_wait3A_526 = arith.constant 0 : i32
    %dma_wait3A_527 = tpu.memref_slice %arg8[%dma_wait3A_521, %dma_wait3A_526] : memref<20x128xi32, #tpu.memory_space<vmem>> -> memref<1x128xi32, #tpu.memory_space<vmem>>
    %dma_wait3A_528 = tpu.memref_squeeze %dma_wait3A_527 : memref<1x128xi32, #tpu.memory_space<vmem>> -> memref<128xi32, #tpu.memory_space<vmem>>
    %dma_wait3A_529 = arith.constant 0 : i32
    %dma_wait3A_530 = tpu.memref_slice %arg4[%dma_wait3A_529] : memref<8000512xf32, #tpu.memory_space<hbm>> -> memref<8000512xf32, #tpu.memory_space<hbm>>
    tpu.wait_indirect_dma semaphore(%arg12 : memref<!tpu.dma_semaphore, #tpu.memory_space<semaphore_mem>>) src(%dma_wait3A_530 : memref<8000512xf32, #tpu.memory_space<hbm>>) dst(%dma_wait3A_525 : memref<128xf32, #tpu.memory_space<vmem>>)
    %dma_wait3A_531 = arith.constant 6 : i32
    %dma_wait3A_532 = arith.constant 6 : i32
    %dma_wait3A_533 = arith.constant 0 : i32
    %dma_wait3A_534 = tpu.memref_slice %arg11[%dma_wait3A_532, %dma_wait3A_533] : memref<20x128xf32, #tpu.memory_space<vmem>> -> memref<1x128xf32, #tpu.memory_space<vmem>>
    %dma_wait3A_535 = tpu.memref_squeeze %dma_wait3A_534 : memref<1x128xf32, #tpu.memory_space<vmem>> -> memref<128xf32, #tpu.memory_space<vmem>>
    %dma_wait3A_536 = arith.constant 0 : i32
    %dma_wait3A_537 = tpu.memref_slice %arg9[%dma_wait3A_531, %dma_wait3A_536] : memref<20x128xi32, #tpu.memory_space<vmem>> -> memref<1x128xi32, #tpu.memory_space<vmem>>
    %dma_wait3A_538 = tpu.memref_squeeze %dma_wait3A_537 : memref<1x128xi32, #tpu.memory_space<vmem>> -> memref<128xi32, #tpu.memory_space<vmem>>
    %dma_wait3A_539 = arith.constant 0 : i32
    %dma_wait3A_540 = tpu.memref_slice %arg5[%dma_wait3A_539] : memref<8000512xf32, #tpu.memory_space<hbm>> -> memref<8000512xf32, #tpu.memory_space<hbm>>
    tpu.wait_indirect_dma semaphore(%arg13 : memref<!tpu.dma_semaphore, #tpu.memory_space<semaphore_mem>>) src(%dma_wait3A_540 : memref<8000512xf32, #tpu.memory_space<hbm>>) dst(%dma_wait3A_535 : memref<128xf32, #tpu.memory_space<vmem>>)
    %dma_wait3A_541 = arith.constant 7 : i32
    %dma_wait3A_542 = arith.constant 7 : i32
    %dma_wait3A_543 = arith.constant 0 : i32
    %dma_wait3A_544 = tpu.memref_slice %arg10[%dma_wait3A_542, %dma_wait3A_543] : memref<20x128xf32, #tpu.memory_space<vmem>> -> memref<1x128xf32, #tpu.memory_space<vmem>>
    %dma_wait3A_545 = tpu.memref_squeeze %dma_wait3A_544 : memref<1x128xf32, #tpu.memory_space<vmem>> -> memref<128xf32, #tpu.memory_space<vmem>>
    %dma_wait3A_546 = arith.constant 0 : i32
    %dma_wait3A_547 = tpu.memref_slice %arg8[%dma_wait3A_541, %dma_wait3A_546] : memref<20x128xi32, #tpu.memory_space<vmem>> -> memref<1x128xi32, #tpu.memory_space<vmem>>
    %dma_wait3A_548 = tpu.memref_squeeze %dma_wait3A_547 : memref<1x128xi32, #tpu.memory_space<vmem>> -> memref<128xi32, #tpu.memory_space<vmem>>
    %dma_wait3A_549 = arith.constant 0 : i32
    %dma_wait3A_550 = tpu.memref_slice %arg4[%dma_wait3A_549] : memref<8000512xf32, #tpu.memory_space<hbm>> -> memref<8000512xf32, #tpu.memory_space<hbm>>
    tpu.wait_indirect_dma semaphore(%arg12 : memref<!tpu.dma_semaphore, #tpu.memory_space<semaphore_mem>>) src(%dma_wait3A_550 : memref<8000512xf32, #tpu.memory_space<hbm>>) dst(%dma_wait3A_545 : memref<128xf32, #tpu.memory_space<vmem>>)
    %dma_wait3A_551 = arith.constant 7 : i32
    %dma_wait3A_552 = arith.constant 7 : i32
    %dma_wait3A_553 = arith.constant 0 : i32
    %dma_wait3A_554 = tpu.memref_slice %arg11[%dma_wait3A_552, %dma_wait3A_553] : memref<20x128xf32, #tpu.memory_space<vmem>> -> memref<1x128xf32, #tpu.memory_space<vmem>>
    %dma_wait3A_555 = tpu.memref_squeeze %dma_wait3A_554 : memref<1x128xf32, #tpu.memory_space<vmem>> -> memref<128xf32, #tpu.memory_space<vmem>>
    %dma_wait3A_556 = arith.constant 0 : i32
    %dma_wait3A_557 = tpu.memref_slice %arg9[%dma_wait3A_551, %dma_wait3A_556] : memref<20x128xi32, #tpu.memory_space<vmem>> -> memref<1x128xi32, #tpu.memory_space<vmem>>
    %dma_wait3A_558 = tpu.memref_squeeze %dma_wait3A_557 : memref<1x128xi32, #tpu.memory_space<vmem>> -> memref<128xi32, #tpu.memory_space<vmem>>
    %dma_wait3A_559 = arith.constant 0 : i32
    %dma_wait3A_560 = tpu.memref_slice %arg5[%dma_wait3A_559] : memref<8000512xf32, #tpu.memory_space<hbm>> -> memref<8000512xf32, #tpu.memory_space<hbm>>
    tpu.wait_indirect_dma semaphore(%arg13 : memref<!tpu.dma_semaphore, #tpu.memory_space<semaphore_mem>>) src(%dma_wait3A_560 : memref<8000512xf32, #tpu.memory_space<hbm>>) dst(%dma_wait3A_555 : memref<128xf32, #tpu.memory_space<vmem>>)
    %dma_wait3A_561 = arith.constant 8 : i32
    %dma_wait3A_562 = arith.constant 8 : i32
    %dma_wait3A_563 = arith.constant 0 : i32
    %dma_wait3A_564 = tpu.memref_slice %arg10[%dma_wait3A_562, %dma_wait3A_563] : memref<20x128xf32, #tpu.memory_space<vmem>> -> memref<1x128xf32, #tpu.memory_space<vmem>>
    %dma_wait3A_565 = tpu.memref_squeeze %dma_wait3A_564 : memref<1x128xf32, #tpu.memory_space<vmem>> -> memref<128xf32, #tpu.memory_space<vmem>>
    %dma_wait3A_566 = arith.constant 0 : i32
    %dma_wait3A_567 = tpu.memref_slice %arg8[%dma_wait3A_561, %dma_wait3A_566] : memref<20x128xi32, #tpu.memory_space<vmem>> -> memref<1x128xi32, #tpu.memory_space<vmem>>
    %dma_wait3A_568 = tpu.memref_squeeze %dma_wait3A_567 : memref<1x128xi32, #tpu.memory_space<vmem>> -> memref<128xi32, #tpu.memory_space<vmem>>
    %dma_wait3A_569 = arith.constant 0 : i32
    %dma_wait3A_570 = tpu.memref_slice %arg4[%dma_wait3A_569] : memref<8000512xf32, #tpu.memory_space<hbm>> -> memref<8000512xf32, #tpu.memory_space<hbm>>
    tpu.wait_indirect_dma semaphore(%arg12 : memref<!tpu.dma_semaphore, #tpu.memory_space<semaphore_mem>>) src(%dma_wait3A_570 : memref<8000512xf32, #tpu.memory_space<hbm>>) dst(%dma_wait3A_565 : memref<128xf32, #tpu.memory_space<vmem>>)
    %dma_wait3A_571 = arith.constant 8 : i32
    %dma_wait3A_572 = arith.constant 8 : i32
    %dma_wait3A_573 = arith.constant 0 : i32
    %dma_wait3A_574 = tpu.memref_slice %arg11[%dma_wait3A_572, %dma_wait3A_573] : memref<20x128xf32, #tpu.memory_space<vmem>> -> memref<1x128xf32, #tpu.memory_space<vmem>>
    %dma_wait3A_575 = tpu.memref_squeeze %dma_wait3A_574 : memref<1x128xf32, #tpu.memory_space<vmem>> -> memref<128xf32, #tpu.memory_space<vmem>>
    %dma_wait3A_576 = arith.constant 0 : i32
    %dma_wait3A_577 = tpu.memref_slice %arg9[%dma_wait3A_571, %dma_wait3A_576] : memref<20x128xi32, #tpu.memory_space<vmem>> -> memref<1x128xi32, #tpu.memory_space<vmem>>
    %dma_wait3A_578 = tpu.memref_squeeze %dma_wait3A_577 : memref<1x128xi32, #tpu.memory_space<vmem>> -> memref<128xi32, #tpu.memory_space<vmem>>
    %dma_wait3A_579 = arith.constant 0 : i32
    %dma_wait3A_580 = tpu.memref_slice %arg5[%dma_wait3A_579] : memref<8000512xf32, #tpu.memory_space<hbm>> -> memref<8000512xf32, #tpu.memory_space<hbm>>
    tpu.wait_indirect_dma semaphore(%arg13 : memref<!tpu.dma_semaphore, #tpu.memory_space<semaphore_mem>>) src(%dma_wait3A_580 : memref<8000512xf32, #tpu.memory_space<hbm>>) dst(%dma_wait3A_575 : memref<128xf32, #tpu.memory_space<vmem>>)
    %dma_wait3A_581 = arith.constant 9 : i32
    %dma_wait3A_582 = arith.constant 9 : i32
    %dma_wait3A_583 = arith.constant 0 : i32
    %dma_wait3A_584 = tpu.memref_slice %arg10[%dma_wait3A_582, %dma_wait3A_583] : memref<20x128xf32, #tpu.memory_space<vmem>> -> memref<1x128xf32, #tpu.memory_space<vmem>>
    %dma_wait3A_585 = tpu.memref_squeeze %dma_wait3A_584 : memref<1x128xf32, #tpu.memory_space<vmem>> -> memref<128xf32, #tpu.memory_space<vmem>>
    %dma_wait3A_586 = arith.constant 0 : i32
    %dma_wait3A_587 = tpu.memref_slice %arg8[%dma_wait3A_581, %dma_wait3A_586] : memref<20x128xi32, #tpu.memory_space<vmem>> -> memref<1x128xi32, #tpu.memory_space<vmem>>
    %dma_wait3A_588 = tpu.memref_squeeze %dma_wait3A_587 : memref<1x128xi32, #tpu.memory_space<vmem>> -> memref<128xi32, #tpu.memory_space<vmem>>
    %dma_wait3A_589 = arith.constant 0 : i32
    %dma_wait3A_590 = tpu.memref_slice %arg4[%dma_wait3A_589] : memref<8000512xf32, #tpu.memory_space<hbm>> -> memref<8000512xf32, #tpu.memory_space<hbm>>
    tpu.wait_indirect_dma semaphore(%arg12 : memref<!tpu.dma_semaphore, #tpu.memory_space<semaphore_mem>>) src(%dma_wait3A_590 : memref<8000512xf32, #tpu.memory_space<hbm>>) dst(%dma_wait3A_585 : memref<128xf32, #tpu.memory_space<vmem>>)
    %dma_wait3A_591 = arith.constant 9 : i32
    %dma_wait3A_592 = arith.constant 9 : i32
    %dma_wait3A_593 = arith.constant 0 : i32
    %dma_wait3A_594 = tpu.memref_slice %arg11[%dma_wait3A_592, %dma_wait3A_593] : memref<20x128xf32, #tpu.memory_space<vmem>> -> memref<1x128xf32, #tpu.memory_space<vmem>>
    %dma_wait3A_595 = tpu.memref_squeeze %dma_wait3A_594 : memref<1x128xf32, #tpu.memory_space<vmem>> -> memref<128xf32, #tpu.memory_space<vmem>>
    %dma_wait3A_596 = arith.constant 0 : i32
    %dma_wait3A_597 = tpu.memref_slice %arg9[%dma_wait3A_591, %dma_wait3A_596] : memref<20x128xi32, #tpu.memory_space<vmem>> -> memref<1x128xi32, #tpu.memory_space<vmem>>
    %dma_wait3A_598 = tpu.memref_squeeze %dma_wait3A_597 : memref<1x128xi32, #tpu.memory_space<vmem>> -> memref<128xi32, #tpu.memory_space<vmem>>
    %dma_wait3A_599 = arith.constant 0 : i32
    %dma_wait3A_600 = tpu.memref_slice %arg5[%dma_wait3A_599] : memref<8000512xf32, #tpu.memory_space<hbm>> -> memref<8000512xf32, #tpu.memory_space<hbm>>
    tpu.wait_indirect_dma semaphore(%arg13 : memref<!tpu.dma_semaphore, #tpu.memory_space<semaphore_mem>>) src(%dma_wait3A_600 : memref<8000512xf32, #tpu.memory_space<hbm>>) dst(%dma_wait3A_595 : memref<128xf32, #tpu.memory_space<vmem>>)
    %dma_wait3A_601 = arith.constant 10 : i32
    %dma_wait3A_602 = arith.constant 10 : i32
    %dma_wait3A_603 = arith.constant 0 : i32
    %dma_wait3A_604 = tpu.memref_slice %arg10[%dma_wait3A_602, %dma_wait3A_603] : memref<20x128xf32, #tpu.memory_space<vmem>> -> memref<1x128xf32, #tpu.memory_space<vmem>>
    %dma_wait3A_605 = tpu.memref_squeeze %dma_wait3A_604 : memref<1x128xf32, #tpu.memory_space<vmem>> -> memref<128xf32, #tpu.memory_space<vmem>>
    %dma_wait3A_606 = arith.constant 0 : i32
    %dma_wait3A_607 = tpu.memref_slice %arg8[%dma_wait3A_601, %dma_wait3A_606] : memref<20x128xi32, #tpu.memory_space<vmem>> -> memref<1x128xi32, #tpu.memory_space<vmem>>
    %dma_wait3A_608 = tpu.memref_squeeze %dma_wait3A_607 : memref<1x128xi32, #tpu.memory_space<vmem>> -> memref<128xi32, #tpu.memory_space<vmem>>
    %dma_wait3A_609 = arith.constant 0 : i32
    %dma_wait3A_610 = tpu.memref_slice %arg4[%dma_wait3A_609] : memref<8000512xf32, #tpu.memory_space<hbm>> -> memref<8000512xf32, #tpu.memory_space<hbm>>
    tpu.wait_indirect_dma semaphore(%arg12 : memref<!tpu.dma_semaphore, #tpu.memory_space<semaphore_mem>>) src(%dma_wait3A_610 : memref<8000512xf32, #tpu.memory_space<hbm>>) dst(%dma_wait3A_605 : memref<128xf32, #tpu.memory_space<vmem>>)
    %dma_wait3A_611 = arith.constant 10 : i32
    %dma_wait3A_612 = arith.constant 10 : i32
    %dma_wait3A_613 = arith.constant 0 : i32
    %dma_wait3A_614 = tpu.memref_slice %arg11[%dma_wait3A_612, %dma_wait3A_613] : memref<20x128xf32, #tpu.memory_space<vmem>> -> memref<1x128xf32, #tpu.memory_space<vmem>>
    %dma_wait3A_615 = tpu.memref_squeeze %dma_wait3A_614 : memref<1x128xf32, #tpu.memory_space<vmem>> -> memref<128xf32, #tpu.memory_space<vmem>>
    %dma_wait3A_616 = arith.constant 0 : i32
    %dma_wait3A_617 = tpu.memref_slice %arg9[%dma_wait3A_611, %dma_wait3A_616] : memref<20x128xi32, #tpu.memory_space<vmem>> -> memref<1x128xi32, #tpu.memory_space<vmem>>
    %dma_wait3A_618 = tpu.memref_squeeze %dma_wait3A_617 : memref<1x128xi32, #tpu.memory_space<vmem>> -> memref<128xi32, #tpu.memory_space<vmem>>
    %dma_wait3A_619 = arith.constant 0 : i32
    %dma_wait3A_620 = tpu.memref_slice %arg5[%dma_wait3A_619] : memref<8000512xf32, #tpu.memory_space<hbm>> -> memref<8000512xf32, #tpu.memory_space<hbm>>
    tpu.wait_indirect_dma semaphore(%arg13 : memref<!tpu.dma_semaphore, #tpu.memory_space<semaphore_mem>>) src(%dma_wait3A_620 : memref<8000512xf32, #tpu.memory_space<hbm>>) dst(%dma_wait3A_615 : memref<128xf32, #tpu.memory_space<vmem>>)
    %dma_wait3A_621 = arith.constant 11 : i32
    %dma_wait3A_622 = arith.constant 11 : i32
    %dma_wait3A_623 = arith.constant 0 : i32
    %dma_wait3A_624 = tpu.memref_slice %arg10[%dma_wait3A_622, %dma_wait3A_623] : memref<20x128xf32, #tpu.memory_space<vmem>> -> memref<1x128xf32, #tpu.memory_space<vmem>>
    %dma_wait3A_625 = tpu.memref_squeeze %dma_wait3A_624 : memref<1x128xf32, #tpu.memory_space<vmem>> -> memref<128xf32, #tpu.memory_space<vmem>>
    %dma_wait3A_626 = arith.constant 0 : i32
    %dma_wait3A_627 = tpu.memref_slice %arg8[%dma_wait3A_621, %dma_wait3A_626] : memref<20x128xi32, #tpu.memory_space<vmem>> -> memref<1x128xi32, #tpu.memory_space<vmem>>
    %dma_wait3A_628 = tpu.memref_squeeze %dma_wait3A_627 : memref<1x128xi32, #tpu.memory_space<vmem>> -> memref<128xi32, #tpu.memory_space<vmem>>
    %dma_wait3A_629 = arith.constant 0 : i32
    %dma_wait3A_630 = tpu.memref_slice %arg4[%dma_wait3A_629] : memref<8000512xf32, #tpu.memory_space<hbm>> -> memref<8000512xf32, #tpu.memory_space<hbm>>
    tpu.wait_indirect_dma semaphore(%arg12 : memref<!tpu.dma_semaphore, #tpu.memory_space<semaphore_mem>>) src(%dma_wait3A_630 : memref<8000512xf32, #tpu.memory_space<hbm>>) dst(%dma_wait3A_625 : memref<128xf32, #tpu.memory_space<vmem>>)
    %dma_wait3A_631 = arith.constant 11 : i32
    %dma_wait3A_632 = arith.constant 11 : i32
    %dma_wait3A_633 = arith.constant 0 : i32
    %dma_wait3A_634 = tpu.memref_slice %arg11[%dma_wait3A_632, %dma_wait3A_633] : memref<20x128xf32, #tpu.memory_space<vmem>> -> memref<1x128xf32, #tpu.memory_space<vmem>>
    %dma_wait3A_635 = tpu.memref_squeeze %dma_wait3A_634 : memref<1x128xf32, #tpu.memory_space<vmem>> -> memref<128xf32, #tpu.memory_space<vmem>>
    %dma_wait3A_636 = arith.constant 0 : i32
    %dma_wait3A_637 = tpu.memref_slice %arg9[%dma_wait3A_631, %dma_wait3A_636] : memref<20x128xi32, #tpu.memory_space<vmem>> -> memref<1x128xi32, #tpu.memory_space<vmem>>
    %dma_wait3A_638 = tpu.memref_squeeze %dma_wait3A_637 : memref<1x128xi32, #tpu.memory_space<vmem>> -> memref<128xi32, #tpu.memory_space<vmem>>
    %dma_wait3A_639 = arith.constant 0 : i32
    %dma_wait3A_640 = tpu.memref_slice %arg5[%dma_wait3A_639] : memref<8000512xf32, #tpu.memory_space<hbm>> -> memref<8000512xf32, #tpu.memory_space<hbm>>
    tpu.wait_indirect_dma semaphore(%arg13 : memref<!tpu.dma_semaphore, #tpu.memory_space<semaphore_mem>>) src(%dma_wait3A_640 : memref<8000512xf32, #tpu.memory_space<hbm>>) dst(%dma_wait3A_635 : memref<128xf32, #tpu.memory_space<vmem>>)
    %dma_wait3A_641 = arith.constant 12 : i32
    %dma_wait3A_642 = arith.constant 12 : i32
    %dma_wait3A_643 = arith.constant 0 : i32
    %dma_wait3A_644 = tpu.memref_slice %arg10[%dma_wait3A_642, %dma_wait3A_643] : memref<20x128xf32, #tpu.memory_space<vmem>> -> memref<1x128xf32, #tpu.memory_space<vmem>>
    %dma_wait3A_645 = tpu.memref_squeeze %dma_wait3A_644 : memref<1x128xf32, #tpu.memory_space<vmem>> -> memref<128xf32, #tpu.memory_space<vmem>>
    %dma_wait3A_646 = arith.constant 0 : i32
    %dma_wait3A_647 = tpu.memref_slice %arg8[%dma_wait3A_641, %dma_wait3A_646] : memref<20x128xi32, #tpu.memory_space<vmem>> -> memref<1x128xi32, #tpu.memory_space<vmem>>
    %dma_wait3A_648 = tpu.memref_squeeze %dma_wait3A_647 : memref<1x128xi32, #tpu.memory_space<vmem>> -> memref<128xi32, #tpu.memory_space<vmem>>
    %dma_wait3A_649 = arith.constant 0 : i32
    %dma_wait3A_650 = tpu.memref_slice %arg4[%dma_wait3A_649] : memref<8000512xf32, #tpu.memory_space<hbm>> -> memref<8000512xf32, #tpu.memory_space<hbm>>
    tpu.wait_indirect_dma semaphore(%arg12 : memref<!tpu.dma_semaphore, #tpu.memory_space<semaphore_mem>>) src(%dma_wait3A_650 : memref<8000512xf32, #tpu.memory_space<hbm>>) dst(%dma_wait3A_645 : memref<128xf32, #tpu.memory_space<vmem>>)
    %dma_wait3A_651 = arith.constant 12 : i32
    %dma_wait3A_652 = arith.constant 12 : i32
    %dma_wait3A_653 = arith.constant 0 : i32
    %dma_wait3A_654 = tpu.memref_slice %arg11[%dma_wait3A_652, %dma_wait3A_653] : memref<20x128xf32, #tpu.memory_space<vmem>> -> memref<1x128xf32, #tpu.memory_space<vmem>>
    %dma_wait3A_655 = tpu.memref_squeeze %dma_wait3A_654 : memref<1x128xf32, #tpu.memory_space<vmem>> -> memref<128xf32, #tpu.memory_space<vmem>>
    %dma_wait3A_656 = arith.constant 0 : i32
    %dma_wait3A_657 = tpu.memref_slice %arg9[%dma_wait3A_651, %dma_wait3A_656] : memref<20x128xi32, #tpu.memory_space<vmem>> -> memref<1x128xi32, #tpu.memory_space<vmem>>
    %dma_wait3A_658 = tpu.memref_squeeze %dma_wait3A_657 : memref<1x128xi32, #tpu.memory_space<vmem>> -> memref<128xi32, #tpu.memory_space<vmem>>
    %dma_wait3A_659 = arith.constant 0 : i32
    %dma_wait3A_660 = tpu.memref_slice %arg5[%dma_wait3A_659] : memref<8000512xf32, #tpu.memory_space<hbm>> -> memref<8000512xf32, #tpu.memory_space<hbm>>
    tpu.wait_indirect_dma semaphore(%arg13 : memref<!tpu.dma_semaphore, #tpu.memory_space<semaphore_mem>>) src(%dma_wait3A_660 : memref<8000512xf32, #tpu.memory_space<hbm>>) dst(%dma_wait3A_655 : memref<128xf32, #tpu.memory_space<vmem>>)
    %dma_wait3A_661 = arith.constant 13 : i32
    %dma_wait3A_662 = arith.constant 13 : i32
    %dma_wait3A_663 = arith.constant 0 : i32
    %dma_wait3A_664 = tpu.memref_slice %arg10[%dma_wait3A_662, %dma_wait3A_663] : memref<20x128xf32, #tpu.memory_space<vmem>> -> memref<1x128xf32, #tpu.memory_space<vmem>>
    %dma_wait3A_665 = tpu.memref_squeeze %dma_wait3A_664 : memref<1x128xf32, #tpu.memory_space<vmem>> -> memref<128xf32, #tpu.memory_space<vmem>>
    %dma_wait3A_666 = arith.constant 0 : i32
    %dma_wait3A_667 = tpu.memref_slice %arg8[%dma_wait3A_661, %dma_wait3A_666] : memref<20x128xi32, #tpu.memory_space<vmem>> -> memref<1x128xi32, #tpu.memory_space<vmem>>
    %dma_wait3A_668 = tpu.memref_squeeze %dma_wait3A_667 : memref<1x128xi32, #tpu.memory_space<vmem>> -> memref<128xi32, #tpu.memory_space<vmem>>
    %dma_wait3A_669 = arith.constant 0 : i32
    %dma_wait3A_670 = tpu.memref_slice %arg4[%dma_wait3A_669] : memref<8000512xf32, #tpu.memory_space<hbm>> -> memref<8000512xf32, #tpu.memory_space<hbm>>
    tpu.wait_indirect_dma semaphore(%arg12 : memref<!tpu.dma_semaphore, #tpu.memory_space<semaphore_mem>>) src(%dma_wait3A_670 : memref<8000512xf32, #tpu.memory_space<hbm>>) dst(%dma_wait3A_665 : memref<128xf32, #tpu.memory_space<vmem>>)
    %dma_wait3A_671 = arith.constant 13 : i32
    %dma_wait3A_672 = arith.constant 13 : i32
    %dma_wait3A_673 = arith.constant 0 : i32
    %dma_wait3A_674 = tpu.memref_slice %arg11[%dma_wait3A_672, %dma_wait3A_673] : memref<20x128xf32, #tpu.memory_space<vmem>> -> memref<1x128xf32, #tpu.memory_space<vmem>>
    %dma_wait3A_675 = tpu.memref_squeeze %dma_wait3A_674 : memref<1x128xf32, #tpu.memory_space<vmem>> -> memref<128xf32, #tpu.memory_space<vmem>>
    %dma_wait3A_676 = arith.constant 0 : i32
    %dma_wait3A_677 = tpu.memref_slice %arg9[%dma_wait3A_671, %dma_wait3A_676] : memref<20x128xi32, #tpu.memory_space<vmem>> -> memref<1x128xi32, #tpu.memory_space<vmem>>
    %dma_wait3A_678 = tpu.memref_squeeze %dma_wait3A_677 : memref<1x128xi32, #tpu.memory_space<vmem>> -> memref<128xi32, #tpu.memory_space<vmem>>
    %dma_wait3A_679 = arith.constant 0 : i32
    %dma_wait3A_680 = tpu.memref_slice %arg5[%dma_wait3A_679] : memref<8000512xf32, #tpu.memory_space<hbm>> -> memref<8000512xf32, #tpu.memory_space<hbm>>
    tpu.wait_indirect_dma semaphore(%arg13 : memref<!tpu.dma_semaphore, #tpu.memory_space<semaphore_mem>>) src(%dma_wait3A_680 : memref<8000512xf32, #tpu.memory_space<hbm>>) dst(%dma_wait3A_675 : memref<128xf32, #tpu.memory_space<vmem>>)
    %dma_wait3A_681 = arith.constant 14 : i32
    %dma_wait3A_682 = arith.constant 14 : i32
    %dma_wait3A_683 = arith.constant 0 : i32
    %dma_wait3A_684 = tpu.memref_slice %arg10[%dma_wait3A_682, %dma_wait3A_683] : memref<20x128xf32, #tpu.memory_space<vmem>> -> memref<1x128xf32, #tpu.memory_space<vmem>>
    %dma_wait3A_685 = tpu.memref_squeeze %dma_wait3A_684 : memref<1x128xf32, #tpu.memory_space<vmem>> -> memref<128xf32, #tpu.memory_space<vmem>>
    %dma_wait3A_686 = arith.constant 0 : i32
    %dma_wait3A_687 = tpu.memref_slice %arg8[%dma_wait3A_681, %dma_wait3A_686] : memref<20x128xi32, #tpu.memory_space<vmem>> -> memref<1x128xi32, #tpu.memory_space<vmem>>
    %dma_wait3A_688 = tpu.memref_squeeze %dma_wait3A_687 : memref<1x128xi32, #tpu.memory_space<vmem>> -> memref<128xi32, #tpu.memory_space<vmem>>
    %dma_wait3A_689 = arith.constant 0 : i32
    %dma_wait3A_690 = tpu.memref_slice %arg4[%dma_wait3A_689] : memref<8000512xf32, #tpu.memory_space<hbm>> -> memref<8000512xf32, #tpu.memory_space<hbm>>
    tpu.wait_indirect_dma semaphore(%arg12 : memref<!tpu.dma_semaphore, #tpu.memory_space<semaphore_mem>>) src(%dma_wait3A_690 : memref<8000512xf32, #tpu.memory_space<hbm>>) dst(%dma_wait3A_685 : memref<128xf32, #tpu.memory_space<vmem>>)
    %dma_wait3A_691 = arith.constant 14 : i32
    %dma_wait3A_692 = arith.constant 14 : i32
    %dma_wait3A_693 = arith.constant 0 : i32
    %dma_wait3A_694 = tpu.memref_slice %arg11[%dma_wait3A_692, %dma_wait3A_693] : memref<20x128xf32, #tpu.memory_space<vmem>> -> memref<1x128xf32, #tpu.memory_space<vmem>>
    %dma_wait3A_695 = tpu.memref_squeeze %dma_wait3A_694 : memref<1x128xf32, #tpu.memory_space<vmem>> -> memref<128xf32, #tpu.memory_space<vmem>>
    %dma_wait3A_696 = arith.constant 0 : i32
    %dma_wait3A_697 = tpu.memref_slice %arg9[%dma_wait3A_691, %dma_wait3A_696] : memref<20x128xi32, #tpu.memory_space<vmem>> -> memref<1x128xi32, #tpu.memory_space<vmem>>
    %dma_wait3A_698 = tpu.memref_squeeze %dma_wait3A_697 : memref<1x128xi32, #tpu.memory_space<vmem>> -> memref<128xi32, #tpu.memory_space<vmem>>
    %dma_wait3A_699 = arith.constant 0 : i32
    %dma_wait3A_700 = tpu.memref_slice %arg5[%dma_wait3A_699] : memref<8000512xf32, #tpu.memory_space<hbm>> -> memref<8000512xf32, #tpu.memory_space<hbm>>
    tpu.wait_indirect_dma semaphore(%arg13 : memref<!tpu.dma_semaphore, #tpu.memory_space<semaphore_mem>>) src(%dma_wait3A_700 : memref<8000512xf32, #tpu.memory_space<hbm>>) dst(%dma_wait3A_695 : memref<128xf32, #tpu.memory_space<vmem>>)
    %dma_wait3A_701 = arith.constant 15 : i32
    %dma_wait3A_702 = arith.constant 15 : i32
    %dma_wait3A_703 = arith.constant 0 : i32
    %dma_wait3A_704 = tpu.memref_slice %arg10[%dma_wait3A_702, %dma_wait3A_703] : memref<20x128xf32, #tpu.memory_space<vmem>> -> memref<1x128xf32, #tpu.memory_space<vmem>>
    %dma_wait3A_705 = tpu.memref_squeeze %dma_wait3A_704 : memref<1x128xf32, #tpu.memory_space<vmem>> -> memref<128xf32, #tpu.memory_space<vmem>>
    %dma_wait3A_706 = arith.constant 0 : i32
    %dma_wait3A_707 = tpu.memref_slice %arg8[%dma_wait3A_701, %dma_wait3A_706] : memref<20x128xi32, #tpu.memory_space<vmem>> -> memref<1x128xi32, #tpu.memory_space<vmem>>
    %dma_wait3A_708 = tpu.memref_squeeze %dma_wait3A_707 : memref<1x128xi32, #tpu.memory_space<vmem>> -> memref<128xi32, #tpu.memory_space<vmem>>
    %dma_wait3A_709 = arith.constant 0 : i32
    %dma_wait3A_710 = tpu.memref_slice %arg4[%dma_wait3A_709] : memref<8000512xf32, #tpu.memory_space<hbm>> -> memref<8000512xf32, #tpu.memory_space<hbm>>
    tpu.wait_indirect_dma semaphore(%arg12 : memref<!tpu.dma_semaphore, #tpu.memory_space<semaphore_mem>>) src(%dma_wait3A_710 : memref<8000512xf32, #tpu.memory_space<hbm>>) dst(%dma_wait3A_705 : memref<128xf32, #tpu.memory_space<vmem>>)
    %dma_wait3A_711 = arith.constant 15 : i32
    %dma_wait3A_712 = arith.constant 15 : i32
    %dma_wait3A_713 = arith.constant 0 : i32
    %dma_wait3A_714 = tpu.memref_slice %arg11[%dma_wait3A_712, %dma_wait3A_713] : memref<20x128xf32, #tpu.memory_space<vmem>> -> memref<1x128xf32, #tpu.memory_space<vmem>>
    %dma_wait3A_715 = tpu.memref_squeeze %dma_wait3A_714 : memref<1x128xf32, #tpu.memory_space<vmem>> -> memref<128xf32, #tpu.memory_space<vmem>>
    %dma_wait3A_716 = arith.constant 0 : i32
    %dma_wait3A_717 = tpu.memref_slice %arg9[%dma_wait3A_711, %dma_wait3A_716] : memref<20x128xi32, #tpu.memory_space<vmem>> -> memref<1x128xi32, #tpu.memory_space<vmem>>
    %dma_wait3A_718 = tpu.memref_squeeze %dma_wait3A_717 : memref<1x128xi32, #tpu.memory_space<vmem>> -> memref<128xi32, #tpu.memory_space<vmem>>
    %dma_wait3A_719 = arith.constant 0 : i32
    %dma_wait3A_720 = tpu.memref_slice %arg5[%dma_wait3A_719] : memref<8000512xf32, #tpu.memory_space<hbm>> -> memref<8000512xf32, #tpu.memory_space<hbm>>
    tpu.wait_indirect_dma semaphore(%arg13 : memref<!tpu.dma_semaphore, #tpu.memory_space<semaphore_mem>>) src(%dma_wait3A_720 : memref<8000512xf32, #tpu.memory_space<hbm>>) dst(%dma_wait3A_715 : memref<128xf32, #tpu.memory_space<vmem>>)
    %dma_wait3A_721 = arith.constant 16 : i32
    %dma_wait3A_722 = arith.constant 16 : i32
    %dma_wait3A_723 = arith.constant 0 : i32
    %dma_wait3A_724 = tpu.memref_slice %arg10[%dma_wait3A_722, %dma_wait3A_723] : memref<20x128xf32, #tpu.memory_space<vmem>> -> memref<1x128xf32, #tpu.memory_space<vmem>>
    %dma_wait3A_725 = tpu.memref_squeeze %dma_wait3A_724 : memref<1x128xf32, #tpu.memory_space<vmem>> -> memref<128xf32, #tpu.memory_space<vmem>>
    %dma_wait3A_726 = arith.constant 0 : i32
    %dma_wait3A_727 = tpu.memref_slice %arg8[%dma_wait3A_721, %dma_wait3A_726] : memref<20x128xi32, #tpu.memory_space<vmem>> -> memref<1x128xi32, #tpu.memory_space<vmem>>
    %dma_wait3A_728 = tpu.memref_squeeze %dma_wait3A_727 : memref<1x128xi32, #tpu.memory_space<vmem>> -> memref<128xi32, #tpu.memory_space<vmem>>
    %dma_wait3A_729 = arith.constant 0 : i32
    %dma_wait3A_730 = tpu.memref_slice %arg4[%dma_wait3A_729] : memref<8000512xf32, #tpu.memory_space<hbm>> -> memref<8000512xf32, #tpu.memory_space<hbm>>
    tpu.wait_indirect_dma semaphore(%arg12 : memref<!tpu.dma_semaphore, #tpu.memory_space<semaphore_mem>>) src(%dma_wait3A_730 : memref<8000512xf32, #tpu.memory_space<hbm>>) dst(%dma_wait3A_725 : memref<128xf32, #tpu.memory_space<vmem>>)
    %dma_wait3A_731 = arith.constant 16 : i32
    %dma_wait3A_732 = arith.constant 16 : i32
    %dma_wait3A_733 = arith.constant 0 : i32
    %dma_wait3A_734 = tpu.memref_slice %arg11[%dma_wait3A_732, %dma_wait3A_733] : memref<20x128xf32, #tpu.memory_space<vmem>> -> memref<1x128xf32, #tpu.memory_space<vmem>>
    %dma_wait3A_735 = tpu.memref_squeeze %dma_wait3A_734 : memref<1x128xf32, #tpu.memory_space<vmem>> -> memref<128xf32, #tpu.memory_space<vmem>>
    %dma_wait3A_736 = arith.constant 0 : i32
    %dma_wait3A_737 = tpu.memref_slice %arg9[%dma_wait3A_731, %dma_wait3A_736] : memref<20x128xi32, #tpu.memory_space<vmem>> -> memref<1x128xi32, #tpu.memory_space<vmem>>
    %dma_wait3A_738 = tpu.memref_squeeze %dma_wait3A_737 : memref<1x128xi32, #tpu.memory_space<vmem>> -> memref<128xi32, #tpu.memory_space<vmem>>
    %dma_wait3A_739 = arith.constant 0 : i32
    %dma_wait3A_740 = tpu.memref_slice %arg5[%dma_wait3A_739] : memref<8000512xf32, #tpu.memory_space<hbm>> -> memref<8000512xf32, #tpu.memory_space<hbm>>
    tpu.wait_indirect_dma semaphore(%arg13 : memref<!tpu.dma_semaphore, #tpu.memory_space<semaphore_mem>>) src(%dma_wait3A_740 : memref<8000512xf32, #tpu.memory_space<hbm>>) dst(%dma_wait3A_735 : memref<128xf32, #tpu.memory_space<vmem>>)
    %dma_wait3A_741 = arith.constant 17 : i32
    %dma_wait3A_742 = arith.constant 17 : i32
    %dma_wait3A_743 = arith.constant 0 : i32
    %dma_wait3A_744 = tpu.memref_slice %arg10[%dma_wait3A_742, %dma_wait3A_743] : memref<20x128xf32, #tpu.memory_space<vmem>> -> memref<1x128xf32, #tpu.memory_space<vmem>>
    %dma_wait3A_745 = tpu.memref_squeeze %dma_wait3A_744 : memref<1x128xf32, #tpu.memory_space<vmem>> -> memref<128xf32, #tpu.memory_space<vmem>>
    %dma_wait3A_746 = arith.constant 0 : i32
    %dma_wait3A_747 = tpu.memref_slice %arg8[%dma_wait3A_741, %dma_wait3A_746] : memref<20x128xi32, #tpu.memory_space<vmem>> -> memref<1x128xi32, #tpu.memory_space<vmem>>
    %dma_wait3A_748 = tpu.memref_squeeze %dma_wait3A_747 : memref<1x128xi32, #tpu.memory_space<vmem>> -> memref<128xi32, #tpu.memory_space<vmem>>
    %dma_wait3A_749 = arith.constant 0 : i32
    %dma_wait3A_750 = tpu.memref_slice %arg4[%dma_wait3A_749] : memref<8000512xf32, #tpu.memory_space<hbm>> -> memref<8000512xf32, #tpu.memory_space<hbm>>
    tpu.wait_indirect_dma semaphore(%arg12 : memref<!tpu.dma_semaphore, #tpu.memory_space<semaphore_mem>>) src(%dma_wait3A_750 : memref<8000512xf32, #tpu.memory_space<hbm>>) dst(%dma_wait3A_745 : memref<128xf32, #tpu.memory_space<vmem>>)
    %dma_wait3A_751 = arith.constant 17 : i32
    %dma_wait3A_752 = arith.constant 17 : i32
    %dma_wait3A_753 = arith.constant 0 : i32
    %dma_wait3A_754 = tpu.memref_slice %arg11[%dma_wait3A_752, %dma_wait3A_753] : memref<20x128xf32, #tpu.memory_space<vmem>> -> memref<1x128xf32, #tpu.memory_space<vmem>>
    %dma_wait3A_755 = tpu.memref_squeeze %dma_wait3A_754 : memref<1x128xf32, #tpu.memory_space<vmem>> -> memref<128xf32, #tpu.memory_space<vmem>>
    %dma_wait3A_756 = arith.constant 0 : i32
    %dma_wait3A_757 = tpu.memref_slice %arg9[%dma_wait3A_751, %dma_wait3A_756] : memref<20x128xi32, #tpu.memory_space<vmem>> -> memref<1x128xi32, #tpu.memory_space<vmem>>
    %dma_wait3A_758 = tpu.memref_squeeze %dma_wait3A_757 : memref<1x128xi32, #tpu.memory_space<vmem>> -> memref<128xi32, #tpu.memory_space<vmem>>
    %dma_wait3A_759 = arith.constant 0 : i32
    %dma_wait3A_760 = tpu.memref_slice %arg5[%dma_wait3A_759] : memref<8000512xf32, #tpu.memory_space<hbm>> -> memref<8000512xf32, #tpu.memory_space<hbm>>
    tpu.wait_indirect_dma semaphore(%arg13 : memref<!tpu.dma_semaphore, #tpu.memory_space<semaphore_mem>>) src(%dma_wait3A_760 : memref<8000512xf32, #tpu.memory_space<hbm>>) dst(%dma_wait3A_755 : memref<128xf32, #tpu.memory_space<vmem>>)
    %dma_wait3A_761 = arith.constant 18 : i32
    %dma_wait3A_762 = arith.constant 18 : i32
    %dma_wait3A_763 = arith.constant 0 : i32
    %dma_wait3A_764 = tpu.memref_slice %arg10[%dma_wait3A_762, %dma_wait3A_763] : memref<20x128xf32, #tpu.memory_space<vmem>> -> memref<1x128xf32, #tpu.memory_space<vmem>>
    %dma_wait3A_765 = tpu.memref_squeeze %dma_wait3A_764 : memref<1x128xf32, #tpu.memory_space<vmem>> -> memref<128xf32, #tpu.memory_space<vmem>>
    %dma_wait3A_766 = arith.constant 0 : i32
    %dma_wait3A_767 = tpu.memref_slice %arg8[%dma_wait3A_761, %dma_wait3A_766] : memref<20x128xi32, #tpu.memory_space<vmem>> -> memref<1x128xi32, #tpu.memory_space<vmem>>
    %dma_wait3A_768 = tpu.memref_squeeze %dma_wait3A_767 : memref<1x128xi32, #tpu.memory_space<vmem>> -> memref<128xi32, #tpu.memory_space<vmem>>
    %dma_wait3A_769 = arith.constant 0 : i32
    %dma_wait3A_770 = tpu.memref_slice %arg4[%dma_wait3A_769] : memref<8000512xf32, #tpu.memory_space<hbm>> -> memref<8000512xf32, #tpu.memory_space<hbm>>
    tpu.wait_indirect_dma semaphore(%arg12 : memref<!tpu.dma_semaphore, #tpu.memory_space<semaphore_mem>>) src(%dma_wait3A_770 : memref<8000512xf32, #tpu.memory_space<hbm>>) dst(%dma_wait3A_765 : memref<128xf32, #tpu.memory_space<vmem>>)
    %dma_wait3A_771 = arith.constant 18 : i32
    %dma_wait3A_772 = arith.constant 18 : i32
    %dma_wait3A_773 = arith.constant 0 : i32
    %dma_wait3A_774 = tpu.memref_slice %arg11[%dma_wait3A_772, %dma_wait3A_773] : memref<20x128xf32, #tpu.memory_space<vmem>> -> memref<1x128xf32, #tpu.memory_space<vmem>>
    %dma_wait3A_775 = tpu.memref_squeeze %dma_wait3A_774 : memref<1x128xf32, #tpu.memory_space<vmem>> -> memref<128xf32, #tpu.memory_space<vmem>>
    %dma_wait3A_776 = arith.constant 0 : i32
    %dma_wait3A_777 = tpu.memref_slice %arg9[%dma_wait3A_771, %dma_wait3A_776] : memref<20x128xi32, #tpu.memory_space<vmem>> -> memref<1x128xi32, #tpu.memory_space<vmem>>
    %dma_wait3A_778 = tpu.memref_squeeze %dma_wait3A_777 : memref<1x128xi32, #tpu.memory_space<vmem>> -> memref<128xi32, #tpu.memory_space<vmem>>
    %dma_wait3A_779 = arith.constant 0 : i32
    %dma_wait3A_780 = tpu.memref_slice %arg5[%dma_wait3A_779] : memref<8000512xf32, #tpu.memory_space<hbm>> -> memref<8000512xf32, #tpu.memory_space<hbm>>
    tpu.wait_indirect_dma semaphore(%arg13 : memref<!tpu.dma_semaphore, #tpu.memory_space<semaphore_mem>>) src(%dma_wait3A_780 : memref<8000512xf32, #tpu.memory_space<hbm>>) dst(%dma_wait3A_775 : memref<128xf32, #tpu.memory_space<vmem>>)
    %dma_wait3A_781 = arith.constant 19 : i32
    %dma_wait3A_782 = arith.constant 19 : i32
    %dma_wait3A_783 = arith.constant 0 : i32
    %dma_wait3A_784 = tpu.memref_slice %arg10[%dma_wait3A_782, %dma_wait3A_783] : memref<20x128xf32, #tpu.memory_space<vmem>> -> memref<1x128xf32, #tpu.memory_space<vmem>>
    %dma_wait3A_785 = tpu.memref_squeeze %dma_wait3A_784 : memref<1x128xf32, #tpu.memory_space<vmem>> -> memref<128xf32, #tpu.memory_space<vmem>>
    %dma_wait3A_786 = arith.constant 0 : i32
    %dma_wait3A_787 = tpu.memref_slice %arg8[%dma_wait3A_781, %dma_wait3A_786] : memref<20x128xi32, #tpu.memory_space<vmem>> -> memref<1x128xi32, #tpu.memory_space<vmem>>
    %dma_wait3A_788 = tpu.memref_squeeze %dma_wait3A_787 : memref<1x128xi32, #tpu.memory_space<vmem>> -> memref<128xi32, #tpu.memory_space<vmem>>
    %dma_wait3A_789 = arith.constant 0 : i32
    %dma_wait3A_790 = tpu.memref_slice %arg4[%dma_wait3A_789] : memref<8000512xf32, #tpu.memory_space<hbm>> -> memref<8000512xf32, #tpu.memory_space<hbm>>
    tpu.wait_indirect_dma semaphore(%arg12 : memref<!tpu.dma_semaphore, #tpu.memory_space<semaphore_mem>>) src(%dma_wait3A_790 : memref<8000512xf32, #tpu.memory_space<hbm>>) dst(%dma_wait3A_785 : memref<128xf32, #tpu.memory_space<vmem>>)
    %dma_wait3A_791 = arith.constant 19 : i32
    %dma_wait3A_792 = arith.constant 19 : i32
    %dma_wait3A_793 = arith.constant 0 : i32
    %dma_wait3A_794 = tpu.memref_slice %arg11[%dma_wait3A_792, %dma_wait3A_793] : memref<20x128xf32, #tpu.memory_space<vmem>> -> memref<1x128xf32, #tpu.memory_space<vmem>>
    %dma_wait3A_795 = tpu.memref_squeeze %dma_wait3A_794 : memref<1x128xf32, #tpu.memory_space<vmem>> -> memref<128xf32, #tpu.memory_space<vmem>>
    %dma_wait3A_796 = arith.constant 0 : i32
    %dma_wait3A_797 = tpu.memref_slice %arg9[%dma_wait3A_791, %dma_wait3A_796] : memref<20x128xi32, #tpu.memory_space<vmem>> -> memref<1x128xi32, #tpu.memory_space<vmem>>
    %dma_wait3A_798 = tpu.memref_squeeze %dma_wait3A_797 : memref<1x128xi32, #tpu.memory_space<vmem>> -> memref<128xi32, #tpu.memory_space<vmem>>
    %dma_wait3A_799 = arith.constant 0 : i32
    %dma_wait3A_800 = tpu.memref_slice %arg5[%dma_wait3A_799] : memref<8000512xf32, #tpu.memory_space<hbm>> -> memref<8000512xf32, #tpu.memory_space<hbm>>
    tpu.wait_indirect_dma semaphore(%arg13 : memref<!tpu.dma_semaphore, #tpu.memory_space<semaphore_mem>>) src(%dma_wait3A_800 : memref<8000512xf32, #tpu.memory_space<hbm>>) dst(%dma_wait3A_795 : memref<128xf32, #tpu.memory_space<vmem>>)
    "tpu.region"() ({
      %run_scoped3A = tpu.sem_alloc : memref<!tpu.dma_semaphore, #tpu.memory_space<semaphore_mem>>
      %dma_start3A_801 = arith.constant 0 : i32
      %dma_start3A_802 = tpu.memref_slice %arg6[%mul3A_2, %dma_start3A_801] : memref<640x128xf32, #tpu.memory_space<hbm>> -> memref<20x128xf32, #tpu.memory_space<hbm>>
      %dma_start3A_803 = arith.constant 0 : i32
      %dma_start3A_804 = tpu.memref_slice %arg6[%mul3A_2, %dma_start3A_803] : memref<640x128xf32, #tpu.memory_space<hbm>> -> memref<20x128xf32, #tpu.memory_space<hbm>>
      tpu.enqueue_dma source(%arg10 : memref<20x128xf32, #tpu.memory_space<vmem>>) target(%dma_start3A_804 : memref<20x128xf32, #tpu.memory_space<hbm>>) target_semaphore(%run_scoped3A : memref<!tpu.dma_semaphore, #tpu.memory_space<semaphore_mem>>)
      %dma_wait3A_805 = arith.constant 0 : i32
      %dma_wait3A_806 = tpu.memref_slice %arg6[%mul3A_2, %dma_wait3A_805] : memref<640x128xf32, #tpu.memory_space<hbm>> -> memref<20x128xf32, #tpu.memory_space<hbm>>
      %dma_wait3A_807 = arith.constant 0 : i32
      %dma_wait3A_808 = tpu.memref_slice %arg6[%mul3A_2, %dma_wait3A_807] : memref<640x128xf32, #tpu.memory_space<hbm>> -> memref<20x128xf32, #tpu.memory_space<hbm>>
      tpu.wait_dma2 semaphore(%run_scoped3A : memref<!tpu.dma_semaphore, #tpu.memory_space<semaphore_mem>>) src(%arg10 : memref<20x128xf32, #tpu.memory_space<vmem>>) dst(%dma_wait3A_808 : memref<20x128xf32, #tpu.memory_space<hbm>>)
      tpu.yield
    }) : () -> ()
    "tpu.region"() ({
      %run_scoped3A = tpu.sem_alloc : memref<!tpu.dma_semaphore, #tpu.memory_space<semaphore_mem>>
      %dma_start3A_801 = arith.constant 0 : i32
      %dma_start3A_802 = tpu.memref_slice %arg7[%mul3A_2, %dma_start3A_801] : memref<640x128xf32, #tpu.memory_space<hbm>> -> memref<20x128xf32, #tpu.memory_space<hbm>>
      %dma_start3A_803 = arith.constant 0 : i32
      %dma_start3A_804 = tpu.memref_slice %arg7[%mul3A_2, %dma_start3A_803] : memref<640x128xf32, #tpu.memory_space<hbm>> -> memref<20x128xf32, #tpu.memory_space<hbm>>
      tpu.enqueue_dma source(%arg11 : memref<20x128xf32, #tpu.memory_space<vmem>>) target(%dma_start3A_804 : memref<20x128xf32, #tpu.memory_space<hbm>>) target_semaphore(%run_scoped3A : memref<!tpu.dma_semaphore, #tpu.memory_space<semaphore_mem>>)
      %dma_wait3A_805 = arith.constant 0 : i32
      %dma_wait3A_806 = tpu.memref_slice %arg7[%mul3A_2, %dma_wait3A_805] : memref<640x128xf32, #tpu.memory_space<hbm>> -> memref<20x128xf32, #tpu.memory_space<hbm>>
      %dma_wait3A_807 = arith.constant 0 : i32
      %dma_wait3A_808 = tpu.memref_slice %arg7[%mul3A_2, %dma_wait3A_807] : memref<640x128xf32, #tpu.memory_space<hbm>> -> memref<20x128xf32, #tpu.memory_space<hbm>>
      tpu.wait_dma2 semaphore(%run_scoped3A : memref<!tpu.dma_semaphore, #tpu.memory_space<semaphore_mem>>) src(%arg11 : memref<20x128xf32, #tpu.memory_space<vmem>>) dst(%dma_wait3A_808 : memref<20x128xf32, #tpu.memory_space<hbm>>)
      tpu.yield
    }) : () -> ()
    return
  }
}

module attributes {stable_mosaic.version = 14 : i64} {
  func.func @_detile_body(%arg0: i32, %arg1: memref<5x76928xf32, #tpu.memory_space<vmem>>, %arg2: memref<5x76928xf32, #tpu.memory_space<vmem>>, %arg3: memref<601x8x128xf32, #tpu.memory_space<vmem>>, %arg4: memref<601x8x128xf32, #tpu.memory_space<vmem>>) attributes {dimension_semantics = [#tpu.dimension_semantics<arbitrary>], iteration_bounds = array<i64: 13>, scalar_prefetch = 0 : i64, scratch_operands = 0 : i64, tpu.core_type = #tpu.core_type<tc>, window_params = [{transform_indices = @transform_0, window_bounds = array<i64: 5, 76928>}, {transform_indices = @transform_1, window_bounds = array<i64: 5, 76928>}, {transform_indices = @transform_2, window_bounds = array<i64: 601, 8, 128>}, {transform_indices = @transform_3, window_bounds = array<i64: 601, 8, 128>}]} {
    %get3A = arith.constant 0 : index
    %get3A_0 = arith.constant 0 : index
    %get3A_1 = vector.load %arg1[%get3A, %get3A_0] : memref<5x76928xf32, #tpu.memory_space<vmem>>, vector<5x76928xf32>
    %broadcast_in_dim3A = arith.constant 0.000000e+00 : f32
    %broadcast_in_dim3A_2 = vector.broadcast %broadcast_in_dim3A : f32 to vector<3x76928xf32>
    %concatenate3A = tpu.concatenate %get3A_1, %broadcast_in_dim3A_2 in 0 : vector<5x76928xf32>, vector<3x76928xf32> -> vector<8x76928xf32>
    %reshape3A = vector.shape_cast %concatenate3A : vector<8x76928xf32> to vector<8x601x128xf32>
    %transpose3A = tpu.transpose %reshape3A, [1, 0, 2] : vector<8x601x128xf32> -> vector<601x8x128xf32>
    %swap3A = arith.constant 0 : index
    %swap3A_3 = arith.constant 0 : index
    %swap3A_4 = arith.constant 0 : index
    %swap3A_5 = vector.load %arg3[%swap3A, %swap3A_3, %swap3A_4] : memref<601x8x128xf32, #tpu.memory_space<vmem>>, vector<601x8x128xf32>
    tpu.vector_store %arg3[%swap3A, %swap3A_3, %swap3A_4], %transpose3A {strides = array<i32>} : memref<601x8x128xf32, #tpu.memory_space<vmem>>, vector<601x8x128xf32>,
    %get3A_6 = arith.constant 0 : index
    %get3A_7 = arith.constant 0 : index
    %get3A_8 = vector.load %arg2[%get3A_6, %get3A_7] : memref<5x76928xf32, #tpu.memory_space<vmem>>, vector<5x76928xf32>
    %broadcast_in_dim3A_9 = arith.constant 0.000000e+00 : f32
    %broadcast_in_dim3A_10 = vector.broadcast %broadcast_in_dim3A_9 : f32 to vector<3x76928xf32>
    %concatenate3A_11 = tpu.concatenate %get3A_8, %broadcast_in_dim3A_10 in 0 : vector<5x76928xf32>, vector<3x76928xf32> -> vector<8x76928xf32>
    %reshape3A_12 = vector.shape_cast %concatenate3A_11 : vector<8x76928xf32> to vector<8x601x128xf32>
    %transpose3A_13 = tpu.transpose %reshape3A_12, [1, 0, 2] : vector<8x601x128xf32> -> vector<601x8x128xf32>
    %swap3A_14 = arith.constant 0 : index
    %swap3A_15 = arith.constant 0 : index
    %swap3A_16 = arith.constant 0 : index
    %swap3A_17 = vector.load %arg4[%swap3A_14, %swap3A_15, %swap3A_16] : memref<601x8x128xf32, #tpu.memory_space<vmem>>, vector<601x8x128xf32>
    tpu.vector_store %arg4[%swap3A_14, %swap3A_15, %swap3A_16], %transpose3A_13 {strides = array<i32>} : memref<601x8x128xf32, #tpu.memory_space<vmem>>, vector<601x8x128xf32>,
    return
  }
  func.func @transform_0(%arg0: i32) -> (i32, i32) {
    %c0_i32 = arith.constant 0 : i32
    %c0_i32_0 = arith.constant 0 : i32
    return %c0_i32, %arg0 : i32, i32
  }
  func.func @transform_1(%arg0: i32) -> (i32, i32) {
    %c0_i32 = arith.constant 0 : i32
    %c0_i32_0 = arith.constant 0 : i32
    return %c0_i32, %arg0 : i32, i32
  }
  func.func @transform_2(%arg0: i32) -> (i32, i32, i32) {
    %c0_i32 = arith.constant 0 : i32
    %c0_i32_0 = arith.constant 0 : i32
    %c0_i32_1 = arith.constant 0 : i32
    return %arg0, %c0_i32, %c0_i32_0 : i32, i32, i32
  }
  func.func @transform_3(%arg0: i32) -> (i32, i32, i32) {
    %c0_i32 = arith.constant 0 : i32
    %c0_i32_0 = arith.constant 0 : i32
    %c0_i32_1 = arith.constant 0 : i32
    return %arg0, %c0_i32, %c0_i32_0 : i32, i32, i32
  }
}

module attributes {stable_mosaic.version = 14 : i64} {
  func.func @_tc_math(%arg0: memref<5x16384xf32, #tpu.memory_space<vmem>>, %arg1: memref<5x16384xf32, #tpu.memory_space<vmem>>, %arg2: memref<1x16384xf32, #tpu.memory_space<vmem>>, %arg3: memref<1x16384xf32, #tpu.memory_space<vmem>>, %arg4: memref<5x16384xf32, #tpu.memory_space<vmem>>, %arg5: memref<5x16384xf32, #tpu.memory_space<vmem>>) attributes {dimension_semantics = [], scalar_prefetch = 0 : i64, scratch_operands = 0 : i64, tpu.core_type = #tpu.core_type<tc>} {
    %get3A = arith.constant 0 : index
    %get3A_0 = arith.constant 0 : index
    %get3A_1 = vector.load %arg0[%get3A, %get3A_0] : memref<5x16384xf32, #tpu.memory_space<vmem>>, vector<5x16384xf32>
    %get3A_2 = arith.constant 0 : index
    %get3A_3 = arith.constant 0 : index
    %get3A_4 = vector.load %arg1[%get3A_2, %get3A_3] : memref<5x16384xf32, #tpu.memory_space<vmem>>, vector<5x16384xf32>
    %add3A = arith.addf %get3A_1, %get3A_4 : vector<5x16384xf32>
    %exp3A = math.exp %add3A : vector<5x16384xf32>
    %reduce_sum3A = arith.constant dense<0.000000e+00> : vector<16384xf32>
    %reduce_sum3A_5 = vector.multi_reduction <add>, %exp3A, %reduce_sum3A [0] : vector<5x16384xf32> to vector<16384xf32>
    %broadcast_in_dim3A = vector.shape_cast %reduce_sum3A_5 : vector<16384xf32> to vector<1x16384xf32>
    %div3A = vector.broadcast %broadcast_in_dim3A : vector<1x16384xf32> to vector<5x16384xf32>
    %div3A_6 = arith.divf %exp3A, %div3A : vector<5x16384xf32>
    %slice3A = vector.extract_strided_slice %div3A_6 {offsets = [0, 0], sizes = [1, 16384], strides = [1, 1]} : vector<5x16384xf32> to vector<1x16384xf32>
    %slice3A_7 = vector.extract_strided_slice %div3A_6 {offsets = [1, 0], sizes = [1, 16384], strides = [1, 1]} : vector<5x16384xf32> to vector<1x16384xf32>
    %add3A_8 = arith.addf %slice3A, %slice3A_7 : vector<1x16384xf32>
    %slice3A_9 = vector.extract_strided_slice %div3A_6 {offsets = [2, 0], sizes = [1, 16384], strides = [1, 1]} : vector<5x16384xf32> to vector<1x16384xf32>
    %add3A_10 = arith.addf %add3A_8, %slice3A_9 : vector<1x16384xf32>
    %slice3A_11 = vector.extract_strided_slice %div3A_6 {offsets = [3, 0], sizes = [1, 16384], strides = [1, 1]} : vector<5x16384xf32> to vector<1x16384xf32>
    %add3A_12 = arith.addf %add3A_10, %slice3A_11 : vector<1x16384xf32>
    %slice3A_13 = vector.extract_strided_slice %div3A_6 {offsets = [4, 0], sizes = [1, 16384], strides = [1, 1]} : vector<5x16384xf32> to vector<1x16384xf32>
    %add3A_14 = arith.addf %add3A_12, %slice3A_13 : vector<1x16384xf32>
    %concatenate3A = tpu.concatenate %slice3A, %add3A_8, %add3A_10, %add3A_12, %add3A_14 in 0 : vector<1x16384xf32>, vector<1x16384xf32>, vector<1x16384xf32>, vector<1x16384xf32>, vector<1x16384xf32> -> vector<5x16384xf32>
    %swap3A = arith.constant 0 : index
    %swap3A_15 = arith.constant 0 : index
    %swap3A_16 = vector.load %arg5[%swap3A, %swap3A_15] : memref<5x16384xf32, #tpu.memory_space<vmem>>, vector<5x16384xf32>
    tpu.vector_store %arg5[%swap3A, %swap3A_15], %concatenate3A {strides = array<i32>} : memref<5x16384xf32, #tpu.memory_space<vmem>>, vector<5x16384xf32>,
    %get3A_17 = arith.constant 0 : index
    %get3A_18 = arith.constant 0 : index
    %get3A_19 = vector.load %arg2[%get3A_17, %get3A_18] : memref<1x16384xf32, #tpu.memory_space<vmem>>, vector<1x16384xf32>
    %get3A_20 = arith.constant 0 : index
    %get3A_21 = arith.constant 0 : index
    %get3A_22 = vector.load %arg3[%get3A_20, %get3A_21] : memref<1x16384xf32, #tpu.memory_space<vmem>>, vector<1x16384xf32>
    %add3A_23 = arith.constant 5.500000e+00 : f32
    %add3A_24 = vector.broadcast %add3A_23 : f32 to vector<1x16384xf32>
    %add3A_25 = arith.addf %get3A_19, %add3A_24 : vector<1x16384xf32>
    %add3A_26 = arith.constant 5.000000e-01 : f32
    %add3A_27 = vector.broadcast %add3A_26 : f32 to vector<1x16384xf32>
    %add3A_28 = arith.addf %get3A_19, %add3A_27 : vector<1x16384xf32>
    %log3A = math.log %add3A_25 : vector<1x16384xf32>
    %mul3A = arith.mulf %add3A_28, %log3A : vector<1x16384xf32>
    %sub3A = arith.subf %add3A_25, %mul3A : vector<1x16384xf32>
    %add3A_29 = arith.constant 1.000000e+00 : f32
    %add3A_30 = vector.broadcast %add3A_29 : f32 to vector<1x16384xf32>
    %add3A_31 = arith.addf %get3A_19, %add3A_30 : vector<1x16384xf32>
    %div3A_32 = arith.constant 76.1800919 : f32
    %div3A_33 = vector.broadcast %div3A_32 : f32 to vector<1x16384xf32>
    %div3A_34 = arith.divf %div3A_33, %add3A_31 : vector<1x16384xf32>
    %add3A_35 = arith.constant 1.000000e+00 : f32
    %add3A_36 = vector.broadcast %add3A_35 : f32 to vector<1x16384xf32>
    %add3A_37 = arith.addf %add3A_36, %div3A_34 : vector<1x16384xf32>
    %add3A_38 = arith.constant 1.000000e+00 : f32
    %add3A_39 = vector.broadcast %add3A_38 : f32 to vector<1x16384xf32>
    %add3A_40 = arith.addf %add3A_31, %add3A_39 : vector<1x16384xf32>
    %div3A_41 = arith.constant -86.5053177 : f32
    %div3A_42 = vector.broadcast %div3A_41 : f32 to vector<1x16384xf32>
    %div3A_43 = arith.divf %div3A_42, %add3A_40 : vector<1x16384xf32>
    %add3A_44 = arith.addf %add3A_37, %div3A_43 : vector<1x16384xf32>
    %add3A_45 = arith.constant 1.000000e+00 : f32
    %add3A_46 = vector.broadcast %add3A_45 : f32 to vector<1x16384xf32>
    %add3A_47 = arith.addf %add3A_40, %add3A_46 : vector<1x16384xf32>
    %div3A_48 = arith.constant 2.401410e+01 : f32
    %div3A_49 = vector.broadcast %div3A_48 : f32 to vector<1x16384xf32>
    %div3A_50 = arith.divf %div3A_49, %add3A_47 : vector<1x16384xf32>
    %add3A_51 = arith.addf %add3A_44, %div3A_50 : vector<1x16384xf32>
    %add3A_52 = arith.constant 1.000000e+00 : f32
    %add3A_53 = vector.broadcast %add3A_52 : f32 to vector<1x16384xf32>
    %add3A_54 = arith.addf %add3A_47, %add3A_53 : vector<1x16384xf32>
    %div3A_55 = arith.constant -1.23173952 : f32
    %div3A_56 = vector.broadcast %div3A_55 : f32 to vector<1x16384xf32>
    %div3A_57 = arith.divf %div3A_56, %add3A_54 : vector<1x16384xf32>
    %add3A_58 = arith.addf %add3A_51, %div3A_57 : vector<1x16384xf32>
    %add3A_59 = arith.constant 1.000000e+00 : f32
    %add3A_60 = vector.broadcast %add3A_59 : f32 to vector<1x16384xf32>
    %add3A_61 = arith.addf %add3A_54, %add3A_60 : vector<1x16384xf32>
    %div3A_62 = arith.constant 0.001208651 : f32
    %div3A_63 = vector.broadcast %div3A_62 : f32 to vector<1x16384xf32>
    %div3A_64 = arith.divf %div3A_63, %add3A_61 : vector<1x16384xf32>
    %add3A_65 = arith.addf %add3A_58, %div3A_64 : vector<1x16384xf32>
    %add3A_66 = arith.constant 1.000000e+00 : f32
    %add3A_67 = vector.broadcast %add3A_66 : f32 to vector<1x16384xf32>
    %add3A_68 = arith.addf %add3A_61, %add3A_67 : vector<1x16384xf32>
    %div3A_69 = arith.constant -5.39523944E-6 : f32
    %div3A_70 = vector.broadcast %div3A_69 : f32 to vector<1x16384xf32>
    %div3A_71 = arith.divf %div3A_70, %add3A_68 : vector<1x16384xf32>
    %add3A_72 = arith.addf %add3A_65, %div3A_71 : vector<1x16384xf32>
    %neg3A = arith.constant 0.000000e+00 : f32
    %neg3A_73 = vector.broadcast %neg3A : f32 to vector<1x16384xf32>
    %neg3A_74 = arith.subf %neg3A_73, %sub3A : vector<1x16384xf32>
    %mul3A_75 = arith.constant 2.50662827 : f32
    %mul3A_76 = vector.broadcast %mul3A_75 : f32 to vector<1x16384xf32>
    %mul3A_77 = arith.mulf %mul3A_76, %add3A_72 : vector<1x16384xf32>
    %div3A_78 = arith.divf %mul3A_77, %get3A_19 : vector<1x16384xf32>
    %log3A_79 = math.log %div3A_78 : vector<1x16384xf32>
    %add3A_80 = arith.addf %neg3A_74, %log3A_79 : vector<1x16384xf32>
    %add3A_81 = arith.constant 5.500000e+00 : f32
    %add3A_82 = vector.broadcast %add3A_81 : f32 to vector<1x16384xf32>
    %add3A_83 = arith.addf %get3A_22, %add3A_82 : vector<1x16384xf32>
    %add3A_84 = arith.constant 5.000000e-01 : f32
    %add3A_85 = vector.broadcast %add3A_84 : f32 to vector<1x16384xf32>
    %add3A_86 = arith.addf %get3A_22, %add3A_85 : vector<1x16384xf32>
    %log3A_87 = math.log %add3A_83 : vector<1x16384xf32>
    %mul3A_88 = arith.mulf %add3A_86, %log3A_87 : vector<1x16384xf32>
    %sub3A_89 = arith.subf %add3A_83, %mul3A_88 : vector<1x16384xf32>
    %add3A_90 = arith.constant 1.000000e+00 : f32
    %add3A_91 = vector.broadcast %add3A_90 : f32 to vector<1x16384xf32>
    %add3A_92 = arith.addf %get3A_22, %add3A_91 : vector<1x16384xf32>
    %div3A_93 = arith.constant 76.1800919 : f32
    %div3A_94 = vector.broadcast %div3A_93 : f32 to vector<1x16384xf32>
    %div3A_95 = arith.divf %div3A_94, %add3A_92 : vector<1x16384xf32>
    %add3A_96 = arith.constant 1.000000e+00 : f32
    %add3A_97 = vector.broadcast %add3A_96 : f32 to vector<1x16384xf32>
    %add3A_98 = arith.addf %add3A_97, %div3A_95 : vector<1x16384xf32>
    %add3A_99 = arith.constant 1.000000e+00 : f32
    %add3A_100 = vector.broadcast %add3A_99 : f32 to vector<1x16384xf32>
    %add3A_101 = arith.addf %add3A_92, %add3A_100 : vector<1x16384xf32>
    %div3A_102 = arith.constant -86.5053177 : f32
    %div3A_103 = vector.broadcast %div3A_102 : f32 to vector<1x16384xf32>
    %div3A_104 = arith.divf %div3A_103, %add3A_101 : vector<1x16384xf32>
    %add3A_105 = arith.addf %add3A_98, %div3A_104 : vector<1x16384xf32>
    %add3A_106 = arith.constant 1.000000e+00 : f32
    %add3A_107 = vector.broadcast %add3A_106 : f32 to vector<1x16384xf32>
    %add3A_108 = arith.addf %add3A_101, %add3A_107 : vector<1x16384xf32>
    %div3A_109 = arith.constant 2.401410e+01 : f32
    %div3A_110 = vector.broadcast %div3A_109 : f32 to vector<1x16384xf32>
    %div3A_111 = arith.divf %div3A_110, %add3A_108 : vector<1x16384xf32>
    %add3A_112 = arith.addf %add3A_105, %div3A_111 : vector<1x16384xf32>
    %add3A_113 = arith.constant 1.000000e+00 : f32
    %add3A_114 = vector.broadcast %add3A_113 : f32 to vector<1x16384xf32>
    %add3A_115 = arith.addf %add3A_108, %add3A_114 : vector<1x16384xf32>
    %div3A_116 = arith.constant -1.23173952 : f32
    %div3A_117 = vector.broadcast %div3A_116 : f32 to vector<1x16384xf32>
    %div3A_118 = arith.divf %div3A_117, %add3A_115 : vector<1x16384xf32>
    %add3A_119 = arith.addf %add3A_112, %div3A_118 : vector<1x16384xf32>
    %add3A_120 = arith.constant 1.000000e+00 : f32
    %add3A_121 = vector.broadcast %add3A_120 : f32 to vector<1x16384xf32>
    %add3A_122 = arith.addf %add3A_115, %add3A_121 : vector<1x16384xf32>
    %div3A_123 = arith.constant 0.001208651 : f32
    %div3A_124 = vector.broadcast %div3A_123 : f32 to vector<1x16384xf32>
    %div3A_125 = arith.divf %div3A_124, %add3A_122 : vector<1x16384xf32>
    %add3A_126 = arith.addf %add3A_119, %div3A_125 : vector<1x16384xf32>
    %add3A_127 = arith.constant 1.000000e+00 : f32
    %add3A_128 = vector.broadcast %add3A_127 : f32 to vector<1x16384xf32>
    %add3A_129 = arith.addf %add3A_122, %add3A_128 : vector<1x16384xf32>
    %div3A_130 = arith.constant -5.39523944E-6 : f32
    %div3A_131 = vector.broadcast %div3A_130 : f32 to vector<1x16384xf32>
    %div3A_132 = arith.divf %div3A_131, %add3A_129 : vector<1x16384xf32>
    %add3A_133 = arith.addf %add3A_126, %div3A_132 : vector<1x16384xf32>
    %neg3A_134 = arith.constant 0.000000e+00 : f32
    %neg3A_135 = vector.broadcast %neg3A_134 : f32 to vector<1x16384xf32>
    %neg3A_136 = arith.subf %neg3A_135, %sub3A_89 : vector<1x16384xf32>
    %mul3A_137 = arith.constant 2.50662827 : f32
    %mul3A_138 = vector.broadcast %mul3A_137 : f32 to vector<1x16384xf32>
    %mul3A_139 = arith.mulf %mul3A_138, %add3A_133 : vector<1x16384xf32>
    %div3A_140 = arith.divf %mul3A_139, %get3A_22 : vector<1x16384xf32>
    %log3A_141 = math.log %div3A_140 : vector<1x16384xf32>
    %add3A_142 = arith.addf %neg3A_136, %log3A_141 : vector<1x16384xf32>
    %add3A_143 = arith.addf %add3A_80, %add3A_142 : vector<1x16384xf32>
    %add3A_144 = arith.addf %get3A_19, %get3A_22 : vector<1x16384xf32>
    %add3A_145 = arith.constant 5.500000e+00 : f32
    %add3A_146 = vector.broadcast %add3A_145 : f32 to vector<1x16384xf32>
    %add3A_147 = arith.addf %add3A_144, %add3A_146 : vector<1x16384xf32>
    %add3A_148 = arith.constant 5.000000e-01 : f32
    %add3A_149 = vector.broadcast %add3A_148 : f32 to vector<1x16384xf32>
    %add3A_150 = arith.addf %add3A_144, %add3A_149 : vector<1x16384xf32>
    %log3A_151 = math.log %add3A_147 : vector<1x16384xf32>
    %mul3A_152 = arith.mulf %add3A_150, %log3A_151 : vector<1x16384xf32>
    %sub3A_153 = arith.subf %add3A_147, %mul3A_152 : vector<1x16384xf32>
    %add3A_154 = arith.constant 1.000000e+00 : f32
    %add3A_155 = vector.broadcast %add3A_154 : f32 to vector<1x16384xf32>
    %add3A_156 = arith.addf %add3A_144, %add3A_155 : vector<1x16384xf32>
    %div3A_157 = arith.constant 76.1800919 : f32
    %div3A_158 = vector.broadcast %div3A_157 : f32 to vector<1x16384xf32>
    %div3A_159 = arith.divf %div3A_158, %add3A_156 : vector<1x16384xf32>
    %add3A_160 = arith.constant 1.000000e+00 : f32
    %add3A_161 = vector.broadcast %add3A_160 : f32 to vector<1x16384xf32>
    %add3A_162 = arith.addf %add3A_161, %div3A_159 : vector<1x16384xf32>
    %add3A_163 = arith.constant 1.000000e+00 : f32
    %add3A_164 = vector.broadcast %add3A_163 : f32 to vector<1x16384xf32>
    %add3A_165 = arith.addf %add3A_156, %add3A_164 : vector<1x16384xf32>
    %div3A_166 = arith.constant -86.5053177 : f32
    %div3A_167 = vector.broadcast %div3A_166 : f32 to vector<1x16384xf32>
    %div3A_168 = arith.divf %div3A_167, %add3A_165 : vector<1x16384xf32>
    %add3A_169 = arith.addf %add3A_162, %div3A_168 : vector<1x16384xf32>
    %add3A_170 = arith.constant 1.000000e+00 : f32
    %add3A_171 = vector.broadcast %add3A_170 : f32 to vector<1x16384xf32>
    %add3A_172 = arith.addf %add3A_165, %add3A_171 : vector<1x16384xf32>
    %div3A_173 = arith.constant 2.401410e+01 : f32
    %div3A_174 = vector.broadcast %div3A_173 : f32 to vector<1x16384xf32>
    %div3A_175 = arith.divf %div3A_174, %add3A_172 : vector<1x16384xf32>
    %add3A_176 = arith.addf %add3A_169, %div3A_175 : vector<1x16384xf32>
    %add3A_177 = arith.constant 1.000000e+00 : f32
    %add3A_178 = vector.broadcast %add3A_177 : f32 to vector<1x16384xf32>
    %add3A_179 = arith.addf %add3A_172, %add3A_178 : vector<1x16384xf32>
    %div3A_180 = arith.constant -1.23173952 : f32
    %div3A_181 = vector.broadcast %div3A_180 : f32 to vector<1x16384xf32>
    %div3A_182 = arith.divf %div3A_181, %add3A_179 : vector<1x16384xf32>
    %add3A_183 = arith.addf %add3A_176, %div3A_182 : vector<1x16384xf32>
    %add3A_184 = arith.constant 1.000000e+00 : f32
    %add3A_185 = vector.broadcast %add3A_184 : f32 to vector<1x16384xf32>
    %add3A_186 = arith.addf %add3A_179, %add3A_185 : vector<1x16384xf32>
    %div3A_187 = arith.constant 0.001208651 : f32
    %div3A_188 = vector.broadcast %div3A_187 : f32 to vector<1x16384xf32>
    %div3A_189 = arith.divf %div3A_188, %add3A_186 : vector<1x16384xf32>
    %add3A_190 = arith.addf %add3A_183, %div3A_189 : vector<1x16384xf32>
    %add3A_191 = arith.constant 1.000000e+00 : f32
    %add3A_192 = vector.broadcast %add3A_191 : f32 to vector<1x16384xf32>
    %add3A_193 = arith.addf %add3A_186, %add3A_192 : vector<1x16384xf32>
    %div3A_194 = arith.constant -5.39523944E-6 : f32
    %div3A_195 = vector.broadcast %div3A_194 : f32 to vector<1x16384xf32>
    %div3A_196 = arith.divf %div3A_195, %add3A_193 : vector<1x16384xf32>
    %add3A_197 = arith.addf %add3A_190, %div3A_196 : vector<1x16384xf32>
    %neg3A_198 = arith.constant 0.000000e+00 : f32
    %neg3A_199 = vector.broadcast %neg3A_198 : f32 to vector<1x16384xf32>
    %neg3A_200 = arith.subf %neg3A_199, %sub3A_153 : vector<1x16384xf32>
    %mul3A_201 = arith.constant 2.50662827 : f32
    %mul3A_202 = vector.broadcast %mul3A_201 : f32 to vector<1x16384xf32>
    %mul3A_203 = arith.mulf %mul3A_202, %add3A_197 : vector<1x16384xf32>
    %div3A_204 = arith.divf %mul3A_203, %add3A_144 : vector<1x16384xf32>
    %log3A_205 = math.log %div3A_204 : vector<1x16384xf32>
    %add3A_206 = arith.addf %neg3A_200, %log3A_205 : vector<1x16384xf32>
    %sub3A_207 = arith.subf %add3A_143, %add3A_206 : vector<1x16384xf32>
    %concatenate3A_208 = tpu.concatenate %slice3A, %add3A_8, %add3A_10, %add3A_12 in 0 : vector<1x16384xf32>, vector<1x16384xf32>, vector<1x16384xf32>, vector<1x16384xf32> -> vector<4x16384xf32>
    %broadcast_in_dim3A_209 = vector.shape_cast %get3A_19 : vector<1x16384xf32> to vector<1x16384xf32>
    %broadcast_in_dim3A_210 = vector.broadcast %broadcast_in_dim3A_209 : vector<1x16384xf32> to vector<4x16384xf32>
    %broadcast_in_dim3A_211 = vector.shape_cast %get3A_22 : vector<1x16384xf32> to vector<1x16384xf32>
    %broadcast_in_dim3A_212 = vector.broadcast %broadcast_in_dim3A_211 : vector<1x16384xf32> to vector<4x16384xf32>
    %broadcast_in_dim3A_213 = vector.shape_cast %sub3A_207 : vector<1x16384xf32> to vector<1x16384xf32>
    %broadcast_in_dim3A_214 = vector.broadcast %broadcast_in_dim3A_213 : vector<1x16384xf32> to vector<4x16384xf32>
    %add3A_215 = arith.constant 1.000000e+00 : f32
    %add3A_216 = vector.broadcast %add3A_215 : f32 to vector<4x16384xf32>
    %add3A_217 = arith.addf %broadcast_in_dim3A_210, %add3A_216 : vector<4x16384xf32>
    %add3A_218 = arith.addf %broadcast_in_dim3A_210, %broadcast_in_dim3A_212 : vector<4x16384xf32>
    %add3A_219 = arith.constant 2.000000e+00 : f32
    %add3A_220 = vector.broadcast %add3A_219 : f32 to vector<4x16384xf32>
    %add3A_221 = arith.addf %add3A_218, %add3A_220 : vector<4x16384xf32>
    %div3A_222 = arith.divf %add3A_217, %add3A_221 : vector<4x16384xf32>
    %gt3A = arith.cmpf ogt, %concatenate3A_208, %div3A_222 : vector<4x16384xf32>
    %sub3A_223 = arith.constant 1.000000e+00 : f32
    %sub3A_224 = vector.broadcast %sub3A_223 : f32 to vector<4x16384xf32>
    %sub3A_225 = arith.subf %sub3A_224, %concatenate3A_208 : vector<4x16384xf32>
    %select_n3A = arith.select %gt3A, %sub3A_225, %concatenate3A_208 : vector<4x16384xi1>, vector<4x16384xf32>
    %select_n3A_226 = arith.select %gt3A, %broadcast_in_dim3A_212, %broadcast_in_dim3A_210 : vector<4x16384xi1>, vector<4x16384xf32>
    %select_n3A_227 = arith.select %gt3A, %broadcast_in_dim3A_210, %broadcast_in_dim3A_212 : vector<4x16384xi1>, vector<4x16384xf32>
    %log3A_228 = math.log %select_n3A : vector<4x16384xf32>
    %mul3A_229 = arith.mulf %select_n3A_226, %log3A_228 : vector<4x16384xf32>
    %sub3A_230 = arith.constant 1.000000e+00 : f32
    %sub3A_231 = vector.broadcast %sub3A_230 : f32 to vector<4x16384xf32>
    %sub3A_232 = arith.subf %sub3A_231, %select_n3A : vector<4x16384xf32>
    %log3A_233 = math.log %sub3A_232 : vector<4x16384xf32>
    %mul3A_234 = arith.mulf %select_n3A_227, %log3A_233 : vector<4x16384xf32>
    %add3A_235 = arith.addf %mul3A_229, %mul3A_234 : vector<4x16384xf32>
    %sub3A_236 = arith.subf %add3A_235, %broadcast_in_dim3A_214 : vector<4x16384xf32>
    %exp3A_237 = math.exp %sub3A_236 : vector<4x16384xf32>
    %div3A_238 = arith.divf %exp3A_237, %select_n3A_226 : vector<4x16384xf32>
    %add3A_239 = arith.addf %select_n3A_226, %select_n3A_227 : vector<4x16384xf32>
    %add3A_240 = arith.constant 1.000000e+00 : f32
    %add3A_241 = vector.broadcast %add3A_240 : f32 to vector<4x16384xf32>
    %add3A_242 = arith.addf %select_n3A_226, %add3A_241 : vector<4x16384xf32>
    %sub3A_243 = arith.constant 1.000000e+00 : f32
    %sub3A_244 = vector.broadcast %sub3A_243 : f32 to vector<4x16384xf32>
    %sub3A_245 = arith.subf %select_n3A_226, %sub3A_244 : vector<4x16384xf32>
    %broadcast_in_dim3A_246 = arith.constant 1.000000e+00 : f32
    %broadcast_in_dim3A_247 = vector.broadcast %broadcast_in_dim3A_246 : f32 to vector<4x16384xf32>
    %mul3A_248 = arith.mulf %add3A_239, %select_n3A : vector<4x16384xf32>
    %div3A_249 = arith.divf %mul3A_248, %add3A_242 : vector<4x16384xf32>
    %sub3A_250 = arith.constant 1.000000e+00 : f32
    %sub3A_251 = vector.broadcast %sub3A_250 : f32 to vector<4x16384xf32>
    %sub3A_252 = arith.subf %sub3A_251, %div3A_249 : vector<4x16384xf32>
    %abs3A = math.absf %sub3A_252 : vector<4x16384xf32>
    %lt3A = arith.constant 1.000000e-30 : f32
    %lt3A_253 = vector.broadcast %lt3A : f32 to vector<4x16384xf32>
    %lt3A_254 = arith.cmpf olt, %abs3A, %lt3A_253 : vector<4x16384xf32>
    %jit3A = arith.constant 1.000000e-30 : f32
    %broadcast_in_dim3A_255 = vector.broadcast %jit3A : f32 to vector<4x16384xf32>
    %select_n3A_256 = arith.select %lt3A_254, %broadcast_in_dim3A_255, %sub3A_252 : vector<4x16384xi1>, vector<4x16384xf32>
    %div3A_257 = arith.constant 1.000000e+00 : f32
    %div3A_258 = vector.broadcast %div3A_257 : f32 to vector<4x16384xf32>
    %div3A_259 = arith.divf %div3A_258, %select_n3A_256 : vector<4x16384xf32>
    %sub3A_260 = arith.constant 1.000000e+00 : f32
    %sub3A_261 = vector.broadcast %sub3A_260 : f32 to vector<4x16384xf32>
    %sub3A_262 = arith.subf %select_n3A_227, %sub3A_261 : vector<4x16384xf32>
    %mul3A_263 = arith.constant 1.000000e+00 : f32
    %mul3A_264 = vector.broadcast %mul3A_263 : f32 to vector<4x16384xf32>
    %mul3A_265 = arith.mulf %mul3A_264, %sub3A_262 : vector<4x16384xf32>
    %mul3A_266 = arith.mulf %mul3A_265, %select_n3A : vector<4x16384xf32>
    %add3A_267 = arith.constant 2.000000e+00 : f32
    %add3A_268 = vector.broadcast %add3A_267 : f32 to vector<4x16384xf32>
    %add3A_269 = arith.addf %sub3A_245, %add3A_268 : vector<4x16384xf32>
    %add3A_270 = arith.constant 2.000000e+00 : f32
    %add3A_271 = vector.broadcast %add3A_270 : f32 to vector<4x16384xf32>
    %add3A_272 = arith.addf %select_n3A_226, %add3A_271 : vector<4x16384xf32>
    %mul3A_273 = arith.mulf %add3A_269, %add3A_272 : vector<4x16384xf32>
    %div3A_274 = arith.divf %mul3A_266, %mul3A_273 : vector<4x16384xf32>
    %mul3A_275 = arith.mulf %div3A_274, %div3A_259 : vector<4x16384xf32>
    %add3A_276 = arith.constant 1.000000e+00 : f32
    %add3A_277 = vector.broadcast %add3A_276 : f32 to vector<4x16384xf32>
    %add3A_278 = arith.addf %add3A_277, %mul3A_275 : vector<4x16384xf32>
    %abs3A_279 = math.absf %add3A_278 : vector<4x16384xf32>
    %lt3A_280 = arith.constant 1.000000e-30 : f32
    %lt3A_281 = vector.broadcast %lt3A_280 : f32 to vector<4x16384xf32>
    %lt3A_282 = arith.cmpf olt, %abs3A_279, %lt3A_281 : vector<4x16384xf32>
    %jit3A_283 = arith.constant 1.000000e-30 : f32
    %broadcast_in_dim3A_284 = vector.broadcast %jit3A_283 : f32 to vector<4x16384xf32>
    %select_n3A_285 = arith.select %lt3A_282, %broadcast_in_dim3A_284, %add3A_278 : vector<4x16384xi1>, vector<4x16384xf32>
    %div3A_286 = arith.divf %div3A_274, %broadcast_in_dim3A_247 : vector<4x16384xf32>
    %add3A_287 = arith.constant 1.000000e+00 : f32
    %add3A_288 = vector.broadcast %add3A_287 : f32 to vector<4x16384xf32>
    %add3A_289 = arith.addf %add3A_288, %div3A_286 : vector<4x16384xf32>
    %abs3A_290 = math.absf %add3A_289 : vector<4x16384xf32>
    %lt3A_291 = arith.constant 1.000000e-30 : f32
    %lt3A_292 = vector.broadcast %lt3A_291 : f32 to vector<4x16384xf32>
    %lt3A_293 = arith.cmpf olt, %abs3A_290, %lt3A_292 : vector<4x16384xf32>
    %jit3A_294 = arith.constant 1.000000e-30 : f32
    %broadcast_in_dim3A_295 = vector.broadcast %jit3A_294 : f32 to vector<4x16384xf32>
    %select_n3A_296 = arith.select %lt3A_293, %broadcast_in_dim3A_295, %add3A_289 : vector<4x16384xi1>, vector<4x16384xf32>
    %div3A_297 = arith.constant 1.000000e+00 : f32
    %div3A_298 = vector.broadcast %div3A_297 : f32 to vector<4x16384xf32>
    %div3A_299 = arith.divf %div3A_298, %select_n3A_285 : vector<4x16384xf32>
    %mul3A_300 = arith.mulf %div3A_259, %div3A_299 : vector<4x16384xf32>
    %mul3A_301 = arith.mulf %mul3A_300, %select_n3A_296 : vector<4x16384xf32>
    %add3A_302 = arith.constant 1.000000e+00 : f32
    %add3A_303 = vector.broadcast %add3A_302 : f32 to vector<4x16384xf32>
    %add3A_304 = arith.addf %select_n3A_226, %add3A_303 : vector<4x16384xf32>
    %neg3A_305 = arith.constant 0.000000e+00 : f32
    %neg3A_306 = vector.broadcast %neg3A_305 : f32 to vector<4x16384xf32>
    %neg3A_307 = arith.subf %neg3A_306, %add3A_304 : vector<4x16384xf32>
    %add3A_308 = arith.constant 1.000000e+00 : f32
    %add3A_309 = vector.broadcast %add3A_308 : f32 to vector<4x16384xf32>
    %add3A_310 = arith.addf %add3A_239, %add3A_309 : vector<4x16384xf32>
    %mul3A_311 = arith.mulf %neg3A_307, %add3A_310 : vector<4x16384xf32>
    %mul3A_312 = arith.mulf %mul3A_311, %select_n3A : vector<4x16384xf32>
    %add3A_313 = arith.constant 2.000000e+00 : f32
    %add3A_314 = vector.broadcast %add3A_313 : f32 to vector<4x16384xf32>
    %add3A_315 = arith.addf %select_n3A_226, %add3A_314 : vector<4x16384xf32>
    %add3A_316 = arith.constant 2.000000e+00 : f32
    %add3A_317 = vector.broadcast %add3A_316 : f32 to vector<4x16384xf32>
    %add3A_318 = arith.addf %add3A_242, %add3A_317 : vector<4x16384xf32>
    %mul3A_319 = arith.mulf %add3A_315, %add3A_318 : vector<4x16384xf32>
    %div3A_320 = arith.divf %mul3A_312, %mul3A_319 : vector<4x16384xf32>
    %mul3A_321 = arith.mulf %div3A_320, %div3A_299 : vector<4x16384xf32>
    %add3A_322 = arith.constant 1.000000e+00 : f32
    %add3A_323 = vector.broadcast %add3A_322 : f32 to vector<4x16384xf32>
    %add3A_324 = arith.addf %add3A_323, %mul3A_321 : vector<4x16384xf32>
    %abs3A_325 = math.absf %add3A_324 : vector<4x16384xf32>
    %lt3A_326 = arith.constant 1.000000e-30 : f32
    %lt3A_327 = vector.broadcast %lt3A_326 : f32 to vector<4x16384xf32>
    %lt3A_328 = arith.cmpf olt, %abs3A_325, %lt3A_327 : vector<4x16384xf32>
    %jit3A_329 = arith.constant 1.000000e-30 : f32
    %broadcast_in_dim3A_330 = vector.broadcast %jit3A_329 : f32 to vector<4x16384xf32>
    %select_n3A_331 = arith.select %lt3A_328, %broadcast_in_dim3A_330, %add3A_324 : vector<4x16384xi1>, vector<4x16384xf32>
    %div3A_332 = arith.divf %div3A_320, %select_n3A_296 : vector<4x16384xf32>
    %add3A_333 = arith.constant 1.000000e+00 : f32
    %add3A_334 = vector.broadcast %add3A_333 : f32 to vector<4x16384xf32>
    %add3A_335 = arith.addf %add3A_334, %div3A_332 : vector<4x16384xf32>
    %abs3A_336 = math.absf %add3A_335 : vector<4x16384xf32>
    %lt3A_337 = arith.constant 1.000000e-30 : f32
    %lt3A_338 = vector.broadcast %lt3A_337 : f32 to vector<4x16384xf32>
    %lt3A_339 = arith.cmpf olt, %abs3A_336, %lt3A_338 : vector<4x16384xf32>
    %jit3A_340 = arith.constant 1.000000e-30 : f32
    %broadcast_in_dim3A_341 = vector.broadcast %jit3A_340 : f32 to vector<4x16384xf32>
    %select_n3A_342 = arith.select %lt3A_339, %broadcast_in_dim3A_341, %add3A_335 : vector<4x16384xi1>, vector<4x16384xf32>
    %div3A_343 = arith.constant 1.000000e+00 : f32
    %div3A_344 = vector.broadcast %div3A_343 : f32 to vector<4x16384xf32>
    %div3A_345 = arith.divf %div3A_344, %select_n3A_331 : vector<4x16384xf32>
    %mul3A_346 = arith.mulf %mul3A_301, %div3A_345 : vector<4x16384xf32>
    %mul3A_347 = arith.mulf %mul3A_346, %select_n3A_342 : vector<4x16384xf32>
    %sub3A_348 = arith.constant 2.000000e+00 : f32
    %sub3A_349 = vector.broadcast %sub3A_348 : f32 to vector<4x16384xf32>
    %sub3A_350 = arith.subf %select_n3A_227, %sub3A_349 : vector<4x16384xf32>
    %mul3A_351 = arith.constant 2.000000e+00 : f32
    %mul3A_352 = vector.broadcast %mul3A_351 : f32 to vector<4x16384xf32>
    %mul3A_353 = arith.mulf %mul3A_352, %sub3A_350 : vector<4x16384xf32>
    %mul3A_354 = arith.mulf %mul3A_353, %select_n3A : vector<4x16384xf32>
    %add3A_355 = arith.constant 4.000000e+00 : f32
    %add3A_356 = vector.broadcast %add3A_355 : f32 to vector<4x16384xf32>
    %add3A_357 = arith.addf %sub3A_245, %add3A_356 : vector<4x16384xf32>
    %add3A_358 = arith.constant 4.000000e+00 : f32
    %add3A_359 = vector.broadcast %add3A_358 : f32 to vector<4x16384xf32>
    %add3A_360 = arith.addf %select_n3A_226, %add3A_359 : vector<4x16384xf32>
    %mul3A_361 = arith.mulf %add3A_357, %add3A_360 : vector<4x16384xf32>
    %div3A_362 = arith.divf %mul3A_354, %mul3A_361 : vector<4x16384xf32>
    %mul3A_363 = arith.mulf %div3A_362, %div3A_345 : vector<4x16384xf32>
    %add3A_364 = arith.constant 1.000000e+00 : f32
    %add3A_365 = vector.broadcast %add3A_364 : f32 to vector<4x16384xf32>
    %add3A_366 = arith.addf %add3A_365, %mul3A_363 : vector<4x16384xf32>
    %abs3A_367 = math.absf %add3A_366 : vector<4x16384xf32>
    %lt3A_368 = arith.constant 1.000000e-30 : f32
    %lt3A_369 = vector.broadcast %lt3A_368 : f32 to vector<4x16384xf32>
    %lt3A_370 = arith.cmpf olt, %abs3A_367, %lt3A_369 : vector<4x16384xf32>
    %jit3A_371 = arith.constant 1.000000e-30 : f32
    %broadcast_in_dim3A_372 = vector.broadcast %jit3A_371 : f32 to vector<4x16384xf32>
    %select_n3A_373 = arith.select %lt3A_370, %broadcast_in_dim3A_372, %add3A_366 : vector<4x16384xi1>, vector<4x16384xf32>
    %div3A_374 = arith.divf %div3A_362, %select_n3A_342 : vector<4x16384xf32>
    %add3A_375 = arith.constant 1.000000e+00 : f32
    %add3A_376 = vector.broadcast %add3A_375 : f32 to vector<4x16384xf32>
    %add3A_377 = arith.addf %add3A_376, %div3A_374 : vector<4x16384xf32>
    %abs3A_378 = math.absf %add3A_377 : vector<4x16384xf32>
    %lt3A_379 = arith.constant 1.000000e-30 : f32
    %lt3A_380 = vector.broadcast %lt3A_379 : f32 to vector<4x16384xf32>
    %lt3A_381 = arith.cmpf olt, %abs3A_378, %lt3A_380 : vector<4x16384xf32>
    %jit3A_382 = arith.constant 1.000000e-30 : f32
    %broadcast_in_dim3A_383 = vector.broadcast %jit3A_382 : f32 to vector<4x16384xf32>
    %select_n3A_384 = arith.select %lt3A_381, %broadcast_in_dim3A_383, %add3A_377 : vector<4x16384xi1>, vector<4x16384xf32>
    %div3A_385 = arith.constant 1.000000e+00 : f32
    %div3A_386 = vector.broadcast %div3A_385 : f32 to vector<4x16384xf32>
    %div3A_387 = arith.divf %div3A_386, %select_n3A_373 : vector<4x16384xf32>
    %mul3A_388 = arith.mulf %mul3A_347, %div3A_387 : vector<4x16384xf32>
    %mul3A_389 = arith.mulf %mul3A_388, %select_n3A_384 : vector<4x16384xf32>
    %add3A_390 = arith.constant 2.000000e+00 : f32
    %add3A_391 = vector.broadcast %add3A_390 : f32 to vector<4x16384xf32>
    %add3A_392 = arith.addf %select_n3A_226, %add3A_391 : vector<4x16384xf32>
    %neg3A_393 = arith.constant 0.000000e+00 : f32
    %neg3A_394 = vector.broadcast %neg3A_393 : f32 to vector<4x16384xf32>
    %neg3A_395 = arith.subf %neg3A_394, %add3A_392 : vector<4x16384xf32>
    %add3A_396 = arith.constant 2.000000e+00 : f32
    %add3A_397 = vector.broadcast %add3A_396 : f32 to vector<4x16384xf32>
    %add3A_398 = arith.addf %add3A_239, %add3A_397 : vector<4x16384xf32>
    %mul3A_399 = arith.mulf %neg3A_395, %add3A_398 : vector<4x16384xf32>
    %mul3A_400 = arith.mulf %mul3A_399, %select_n3A : vector<4x16384xf32>
    %add3A_401 = arith.constant 4.000000e+00 : f32
    %add3A_402 = vector.broadcast %add3A_401 : f32 to vector<4x16384xf32>
    %add3A_403 = arith.addf %select_n3A_226, %add3A_402 : vector<4x16384xf32>
    %add3A_404 = arith.constant 4.000000e+00 : f32
    %add3A_405 = vector.broadcast %add3A_404 : f32 to vector<4x16384xf32>
    %add3A_406 = arith.addf %add3A_242, %add3A_405 : vector<4x16384xf32>
    %mul3A_407 = arith.mulf %add3A_403, %add3A_406 : vector<4x16384xf32>
    %div3A_408 = arith.divf %mul3A_400, %mul3A_407 : vector<4x16384xf32>
    %mul3A_409 = arith.mulf %div3A_408, %div3A_387 : vector<4x16384xf32>
    %add3A_410 = arith.constant 1.000000e+00 : f32
    %add3A_411 = vector.broadcast %add3A_410 : f32 to vector<4x16384xf32>
    %add3A_412 = arith.addf %add3A_411, %mul3A_409 : vector<4x16384xf32>
    %abs3A_413 = math.absf %add3A_412 : vector<4x16384xf32>
    %lt3A_414 = arith.constant 1.000000e-30 : f32
    %lt3A_415 = vector.broadcast %lt3A_414 : f32 to vector<4x16384xf32>
    %lt3A_416 = arith.cmpf olt, %abs3A_413, %lt3A_415 : vector<4x16384xf32>
    %jit3A_417 = arith.constant 1.000000e-30 : f32
    %broadcast_in_dim3A_418 = vector.broadcast %jit3A_417 : f32 to vector<4x16384xf32>
    %select_n3A_419 = arith.select %lt3A_416, %broadcast_in_dim3A_418, %add3A_412 : vector<4x16384xi1>, vector<4x16384xf32>
    %div3A_420 = arith.divf %div3A_408, %select_n3A_384 : vector<4x16384xf32>
    %add3A_421 = arith.constant 1.000000e+00 : f32
    %add3A_422 = vector.broadcast %add3A_421 : f32 to vector<4x16384xf32>
    %add3A_423 = arith.addf %add3A_422, %div3A_420 : vector<4x16384xf32>
    %abs3A_424 = math.absf %add3A_423 : vector<4x16384xf32>
    %lt3A_425 = arith.constant 1.000000e-30 : f32
    %lt3A_426 = vector.broadcast %lt3A_425 : f32 to vector<4x16384xf32>
    %lt3A_427 = arith.cmpf olt, %abs3A_424, %lt3A_426 : vector<4x16384xf32>
    %jit3A_428 = arith.constant 1.000000e-30 : f32
    %broadcast_in_dim3A_429 = vector.broadcast %jit3A_428 : f32 to vector<4x16384xf32>
    %select_n3A_430 = arith.select %lt3A_427, %broadcast_in_dim3A_429, %add3A_423 : vector<4x16384xi1>, vector<4x16384xf32>
    %div3A_431 = arith.constant 1.000000e+00 : f32
    %div3A_432 = vector.broadcast %div3A_431 : f32 to vector<4x16384xf32>
    %div3A_433 = arith.divf %div3A_432, %select_n3A_419 : vector<4x16384xf32>
    %mul3A_434 = arith.mulf %mul3A_389, %div3A_433 : vector<4x16384xf32>
    %mul3A_435 = arith.mulf %mul3A_434, %select_n3A_430 : vector<4x16384xf32>
    %sub3A_436 = arith.constant 3.000000e+00 : f32
    %sub3A_437 = vector.broadcast %sub3A_436 : f32 to vector<4x16384xf32>
    %sub3A_438 = arith.subf %select_n3A_227, %sub3A_437 : vector<4x16384xf32>
    %mul3A_439 = arith.constant 3.000000e+00 : f32
    %mul3A_440 = vector.broadcast %mul3A_439 : f32 to vector<4x16384xf32>
    %mul3A_441 = arith.mulf %mul3A_440, %sub3A_438 : vector<4x16384xf32>
    %mul3A_442 = arith.mulf %mul3A_441, %select_n3A : vector<4x16384xf32>
    %add3A_443 = arith.constant 6.000000e+00 : f32
    %add3A_444 = vector.broadcast %add3A_443 : f32 to vector<4x16384xf32>
    %add3A_445 = arith.addf %sub3A_245, %add3A_444 : vector<4x16384xf32>
    %add3A_446 = arith.constant 6.000000e+00 : f32
    %add3A_447 = vector.broadcast %add3A_446 : f32 to vector<4x16384xf32>
    %add3A_448 = arith.addf %select_n3A_226, %add3A_447 : vector<4x16384xf32>
    %mul3A_449 = arith.mulf %add3A_445, %add3A_448 : vector<4x16384xf32>
    %div3A_450 = arith.divf %mul3A_442, %mul3A_449 : vector<4x16384xf32>
    %mul3A_451 = arith.mulf %div3A_450, %div3A_433 : vector<4x16384xf32>
    %add3A_452 = arith.constant 1.000000e+00 : f32
    %add3A_453 = vector.broadcast %add3A_452 : f32 to vector<4x16384xf32>
    %add3A_454 = arith.addf %add3A_453, %mul3A_451 : vector<4x16384xf32>
    %abs3A_455 = math.absf %add3A_454 : vector<4x16384xf32>
    %lt3A_456 = arith.constant 1.000000e-30 : f32
    %lt3A_457 = vector.broadcast %lt3A_456 : f32 to vector<4x16384xf32>
    %lt3A_458 = arith.cmpf olt, %abs3A_455, %lt3A_457 : vector<4x16384xf32>
    %jit3A_459 = arith.constant 1.000000e-30 : f32
    %broadcast_in_dim3A_460 = vector.broadcast %jit3A_459 : f32 to vector<4x16384xf32>
    %select_n3A_461 = arith.select %lt3A_458, %broadcast_in_dim3A_460, %add3A_454 : vector<4x16384xi1>, vector<4x16384xf32>
    %div3A_462 = arith.divf %div3A_450, %select_n3A_430 : vector<4x16384xf32>
    %add3A_463 = arith.constant 1.000000e+00 : f32
    %add3A_464 = vector.broadcast %add3A_463 : f32 to vector<4x16384xf32>
    %add3A_465 = arith.addf %add3A_464, %div3A_462 : vector<4x16384xf32>
    %abs3A_466 = math.absf %add3A_465 : vector<4x16384xf32>
    %lt3A_467 = arith.constant 1.000000e-30 : f32
    %lt3A_468 = vector.broadcast %lt3A_467 : f32 to vector<4x16384xf32>
    %lt3A_469 = arith.cmpf olt, %abs3A_466, %lt3A_468 : vector<4x16384xf32>
    %jit3A_470 = arith.constant 1.000000e-30 : f32
    %broadcast_in_dim3A_471 = vector.broadcast %jit3A_470 : f32 to vector<4x16384xf32>
    %select_n3A_472 = arith.select %lt3A_469, %broadcast_in_dim3A_471, %add3A_465 : vector<4x16384xi1>, vector<4x16384xf32>
    %div3A_473 = arith.constant 1.000000e+00 : f32
    %div3A_474 = vector.broadcast %div3A_473 : f32 to vector<4x16384xf32>
    %div3A_475 = arith.divf %div3A_474, %select_n3A_461 : vector<4x16384xf32>
    %mul3A_476 = arith.mulf %mul3A_435, %div3A_475 : vector<4x16384xf32>
    %mul3A_477 = arith.mulf %mul3A_476, %select_n3A_472 : vector<4x16384xf32>
    %add3A_478 = arith.constant 3.000000e+00 : f32
    %add3A_479 = vector.broadcast %add3A_478 : f32 to vector<4x16384xf32>
    %add3A_480 = arith.addf %select_n3A_226, %add3A_479 : vector<4x16384xf32>
    %neg3A_481 = arith.constant 0.000000e+00 : f32
    %neg3A_482 = vector.broadcast %neg3A_481 : f32 to vector<4x16384xf32>
    %neg3A_483 = arith.subf %neg3A_482, %add3A_480 : vector<4x16384xf32>
    %add3A_484 = arith.constant 3.000000e+00 : f32
    %add3A_485 = vector.broadcast %add3A_484 : f32 to vector<4x16384xf32>
    %add3A_486 = arith.addf %add3A_239, %add3A_485 : vector<4x16384xf32>
    %mul3A_487 = arith.mulf %neg3A_483, %add3A_486 : vector<4x16384xf32>
    %mul3A_488 = arith.mulf %mul3A_487, %select_n3A : vector<4x16384xf32>
    %add3A_489 = arith.constant 6.000000e+00 : f32
    %add3A_490 = vector.broadcast %add3A_489 : f32 to vector<4x16384xf32>
    %add3A_491 = arith.addf %select_n3A_226, %add3A_490 : vector<4x16384xf32>
    %add3A_492 = arith.constant 6.000000e+00 : f32
    %add3A_493 = vector.broadcast %add3A_492 : f32 to vector<4x16384xf32>
    %add3A_494 = arith.addf %add3A_242, %add3A_493 : vector<4x16384xf32>
    %mul3A_495 = arith.mulf %add3A_491, %add3A_494 : vector<4x16384xf32>
    %div3A_496 = arith.divf %mul3A_488, %mul3A_495 : vector<4x16384xf32>
    %mul3A_497 = arith.mulf %div3A_496, %div3A_475 : vector<4x16384xf32>
    %add3A_498 = arith.constant 1.000000e+00 : f32
    %add3A_499 = vector.broadcast %add3A_498 : f32 to vector<4x16384xf32>
    %add3A_500 = arith.addf %add3A_499, %mul3A_497 : vector<4x16384xf32>
    %abs3A_501 = math.absf %add3A_500 : vector<4x16384xf32>
    %lt3A_502 = arith.constant 1.000000e-30 : f32
    %lt3A_503 = vector.broadcast %lt3A_502 : f32 to vector<4x16384xf32>
    %lt3A_504 = arith.cmpf olt, %abs3A_501, %lt3A_503 : vector<4x16384xf32>
    %jit3A_505 = arith.constant 1.000000e-30 : f32
    %broadcast_in_dim3A_506 = vector.broadcast %jit3A_505 : f32 to vector<4x16384xf32>
    %select_n3A_507 = arith.select %lt3A_504, %broadcast_in_dim3A_506, %add3A_500 : vector<4x16384xi1>, vector<4x16384xf32>
    %div3A_508 = arith.divf %div3A_496, %select_n3A_472 : vector<4x16384xf32>
    %add3A_509 = arith.constant 1.000000e+00 : f32
    %add3A_510 = vector.broadcast %add3A_509 : f32 to vector<4x16384xf32>
    %add3A_511 = arith.addf %add3A_510, %div3A_508 : vector<4x16384xf32>
    %abs3A_512 = math.absf %add3A_511 : vector<4x16384xf32>
    %lt3A_513 = arith.constant 1.000000e-30 : f32
    %lt3A_514 = vector.broadcast %lt3A_513 : f32 to vector<4x16384xf32>
    %lt3A_515 = arith.cmpf olt, %abs3A_512, %lt3A_514 : vector<4x16384xf32>
    %jit3A_516 = arith.constant 1.000000e-30 : f32
    %broadcast_in_dim3A_517 = vector.broadcast %jit3A_516 : f32 to vector<4x16384xf32>
    %select_n3A_518 = arith.select %lt3A_515, %broadcast_in_dim3A_517, %add3A_511 : vector<4x16384xi1>, vector<4x16384xf32>
    %div3A_519 = arith.constant 1.000000e+00 : f32
    %div3A_520 = vector.broadcast %div3A_519 : f32 to vector<4x16384xf32>
    %div3A_521 = arith.divf %div3A_520, %select_n3A_507 : vector<4x16384xf32>
    %mul3A_522 = arith.mulf %mul3A_477, %div3A_521 : vector<4x16384xf32>
    %mul3A_523 = arith.mulf %mul3A_522, %select_n3A_518 : vector<4x16384xf32>
    %sub3A_524 = arith.constant 4.000000e+00 : f32
    %sub3A_525 = vector.broadcast %sub3A_524 : f32 to vector<4x16384xf32>
    %sub3A_526 = arith.subf %select_n3A_227, %sub3A_525 : vector<4x16384xf32>
    %mul3A_527 = arith.constant 4.000000e+00 : f32
    %mul3A_528 = vector.broadcast %mul3A_527 : f32 to vector<4x16384xf32>
    %mul3A_529 = arith.mulf %mul3A_528, %sub3A_526 : vector<4x16384xf32>
    %mul3A_530 = arith.mulf %mul3A_529, %select_n3A : vector<4x16384xf32>
    %add3A_531 = arith.constant 8.000000e+00 : f32
    %add3A_532 = vector.broadcast %add3A_531 : f32 to vector<4x16384xf32>
    %add3A_533 = arith.addf %sub3A_245, %add3A_532 : vector<4x16384xf32>
    %add3A_534 = arith.constant 8.000000e+00 : f32
    %add3A_535 = vector.broadcast %add3A_534 : f32 to vector<4x16384xf32>
    %add3A_536 = arith.addf %select_n3A_226, %add3A_535 : vector<4x16384xf32>
    %mul3A_537 = arith.mulf %add3A_533, %add3A_536 : vector<4x16384xf32>
    %div3A_538 = arith.divf %mul3A_530, %mul3A_537 : vector<4x16384xf32>
    %mul3A_539 = arith.mulf %div3A_538, %div3A_521 : vector<4x16384xf32>
    %add3A_540 = arith.constant 1.000000e+00 : f32
    %add3A_541 = vector.broadcast %add3A_540 : f32 to vector<4x16384xf32>
    %add3A_542 = arith.addf %add3A_541, %mul3A_539 : vector<4x16384xf32>
    %abs3A_543 = math.absf %add3A_542 : vector<4x16384xf32>
    %lt3A_544 = arith.constant 1.000000e-30 : f32
    %lt3A_545 = vector.broadcast %lt3A_544 : f32 to vector<4x16384xf32>
    %lt3A_546 = arith.cmpf olt, %abs3A_543, %lt3A_545 : vector<4x16384xf32>
    %jit3A_547 = arith.constant 1.000000e-30 : f32
    %broadcast_in_dim3A_548 = vector.broadcast %jit3A_547 : f32 to vector<4x16384xf32>
    %select_n3A_549 = arith.select %lt3A_546, %broadcast_in_dim3A_548, %add3A_542 : vector<4x16384xi1>, vector<4x16384xf32>
    %div3A_550 = arith.divf %div3A_538, %select_n3A_518 : vector<4x16384xf32>
    %add3A_551 = arith.constant 1.000000e+00 : f32
    %add3A_552 = vector.broadcast %add3A_551 : f32 to vector<4x16384xf32>
    %add3A_553 = arith.addf %add3A_552, %div3A_550 : vector<4x16384xf32>
    %abs3A_554 = math.absf %add3A_553 : vector<4x16384xf32>
    %lt3A_555 = arith.constant 1.000000e-30 : f32
    %lt3A_556 = vector.broadcast %lt3A_555 : f32 to vector<4x16384xf32>
    %lt3A_557 = arith.cmpf olt, %abs3A_554, %lt3A_556 : vector<4x16384xf32>
    %jit3A_558 = arith.constant 1.000000e-30 : f32
    %broadcast_in_dim3A_559 = vector.broadcast %jit3A_558 : f32 to vector<4x16384xf32>
    %select_n3A_560 = arith.select %lt3A_557, %broadcast_in_dim3A_559, %add3A_553 : vector<4x16384xi1>, vector<4x16384xf32>
    %div3A_561 = arith.constant 1.000000e+00 : f32
    %div3A_562 = vector.broadcast %div3A_561 : f32 to vector<4x16384xf32>
    %div3A_563 = arith.divf %div3A_562, %select_n3A_549 : vector<4x16384xf32>
    %mul3A_564 = arith.mulf %mul3A_523, %div3A_563 : vector<4x16384xf32>
    %mul3A_565 = arith.mulf %mul3A_564, %select_n3A_560 : vector<4x16384xf32>
    %add3A_566 = arith.constant 4.000000e+00 : f32
    %add3A_567 = vector.broadcast %add3A_566 : f32 to vector<4x16384xf32>
    %add3A_568 = arith.addf %select_n3A_226, %add3A_567 : vector<4x16384xf32>
    %neg3A_569 = arith.constant 0.000000e+00 : f32
    %neg3A_570 = vector.broadcast %neg3A_569 : f32 to vector<4x16384xf32>
    %neg3A_571 = arith.subf %neg3A_570, %add3A_568 : vector<4x16384xf32>
    %add3A_572 = arith.constant 4.000000e+00 : f32
    %add3A_573 = vector.broadcast %add3A_572 : f32 to vector<4x16384xf32>
    %add3A_574 = arith.addf %add3A_239, %add3A_573 : vector<4x16384xf32>
    %mul3A_575 = arith.mulf %neg3A_571, %add3A_574 : vector<4x16384xf32>
    %mul3A_576 = arith.mulf %mul3A_575, %select_n3A : vector<4x16384xf32>
    %add3A_577 = arith.constant 8.000000e+00 : f32
    %add3A_578 = vector.broadcast %add3A_577 : f32 to vector<4x16384xf32>
    %add3A_579 = arith.addf %select_n3A_226, %add3A_578 : vector<4x16384xf32>
    %add3A_580 = arith.constant 8.000000e+00 : f32
    %add3A_581 = vector.broadcast %add3A_580 : f32 to vector<4x16384xf32>
    %add3A_582 = arith.addf %add3A_242, %add3A_581 : vector<4x16384xf32>
    %mul3A_583 = arith.mulf %add3A_579, %add3A_582 : vector<4x16384xf32>
    %div3A_584 = arith.divf %mul3A_576, %mul3A_583 : vector<4x16384xf32>
    %mul3A_585 = arith.mulf %div3A_584, %div3A_563 : vector<4x16384xf32>
    %add3A_586 = arith.constant 1.000000e+00 : f32
    %add3A_587 = vector.broadcast %add3A_586 : f32 to vector<4x16384xf32>
    %add3A_588 = arith.addf %add3A_587, %mul3A_585 : vector<4x16384xf32>
    %abs3A_589 = math.absf %add3A_588 : vector<4x16384xf32>
    %lt3A_590 = arith.constant 1.000000e-30 : f32
    %lt3A_591 = vector.broadcast %lt3A_590 : f32 to vector<4x16384xf32>
    %lt3A_592 = arith.cmpf olt, %abs3A_589, %lt3A_591 : vector<4x16384xf32>
    %jit3A_593 = arith.constant 1.000000e-30 : f32
    %broadcast_in_dim3A_594 = vector.broadcast %jit3A_593 : f32 to vector<4x16384xf32>
    %select_n3A_595 = arith.select %lt3A_592, %broadcast_in_dim3A_594, %add3A_588 : vector<4x16384xi1>, vector<4x16384xf32>
    %div3A_596 = arith.divf %div3A_584, %select_n3A_560 : vector<4x16384xf32>
    %add3A_597 = arith.constant 1.000000e+00 : f32
    %add3A_598 = vector.broadcast %add3A_597 : f32 to vector<4x16384xf32>
    %add3A_599 = arith.addf %add3A_598, %div3A_596 : vector<4x16384xf32>
    %abs3A_600 = math.absf %add3A_599 : vector<4x16384xf32>
    %lt3A_601 = arith.constant 1.000000e-30 : f32
    %lt3A_602 = vector.broadcast %lt3A_601 : f32 to vector<4x16384xf32>
    %lt3A_603 = arith.cmpf olt, %abs3A_600, %lt3A_602 : vector<4x16384xf32>
    %jit3A_604 = arith.constant 1.000000e-30 : f32
    %broadcast_in_dim3A_605 = vector.broadcast %jit3A_604 : f32 to vector<4x16384xf32>
    %select_n3A_606 = arith.select %lt3A_603, %broadcast_in_dim3A_605, %add3A_599 : vector<4x16384xi1>, vector<4x16384xf32>
    %div3A_607 = arith.constant 1.000000e+00 : f32
    %div3A_608 = vector.broadcast %div3A_607 : f32 to vector<4x16384xf32>
    %div3A_609 = arith.divf %div3A_608, %select_n3A_595 : vector<4x16384xf32>
    %mul3A_610 = arith.mulf %mul3A_565, %div3A_609 : vector<4x16384xf32>
    %mul3A_611 = arith.mulf %mul3A_610, %select_n3A_606 : vector<4x16384xf32>
    %sub3A_612 = arith.constant 5.000000e+00 : f32
    %sub3A_613 = vector.broadcast %sub3A_612 : f32 to vector<4x16384xf32>
    %sub3A_614 = arith.subf %select_n3A_227, %sub3A_613 : vector<4x16384xf32>
    %mul3A_615 = arith.constant 5.000000e+00 : f32
    %mul3A_616 = vector.broadcast %mul3A_615 : f32 to vector<4x16384xf32>
    %mul3A_617 = arith.mulf %mul3A_616, %sub3A_614 : vector<4x16384xf32>
    %mul3A_618 = arith.mulf %mul3A_617, %select_n3A : vector<4x16384xf32>
    %add3A_619 = arith.constant 1.000000e+01 : f32
    %add3A_620 = vector.broadcast %add3A_619 : f32 to vector<4x16384xf32>
    %add3A_621 = arith.addf %sub3A_245, %add3A_620 : vector<4x16384xf32>
    %add3A_622 = arith.constant 1.000000e+01 : f32
    %add3A_623 = vector.broadcast %add3A_622 : f32 to vector<4x16384xf32>
    %add3A_624 = arith.addf %select_n3A_226, %add3A_623 : vector<4x16384xf32>
    %mul3A_625 = arith.mulf %add3A_621, %add3A_624 : vector<4x16384xf32>
    %div3A_626 = arith.divf %mul3A_618, %mul3A_625 : vector<4x16384xf32>
    %mul3A_627 = arith.mulf %div3A_626, %div3A_609 : vector<4x16384xf32>
    %add3A_628 = arith.constant 1.000000e+00 : f32
    %add3A_629 = vector.broadcast %add3A_628 : f32 to vector<4x16384xf32>
    %add3A_630 = arith.addf %add3A_629, %mul3A_627 : vector<4x16384xf32>
    %abs3A_631 = math.absf %add3A_630 : vector<4x16384xf32>
    %lt3A_632 = arith.constant 1.000000e-30 : f32
    %lt3A_633 = vector.broadcast %lt3A_632 : f32 to vector<4x16384xf32>
    %lt3A_634 = arith.cmpf olt, %abs3A_631, %lt3A_633 : vector<4x16384xf32>
    %jit3A_635 = arith.constant 1.000000e-30 : f32
    %broadcast_in_dim3A_636 = vector.broadcast %jit3A_635 : f32 to vector<4x16384xf32>
    %select_n3A_637 = arith.select %lt3A_634, %broadcast_in_dim3A_636, %add3A_630 : vector<4x16384xi1>, vector<4x16384xf32>
    %div3A_638 = arith.divf %div3A_626, %select_n3A_606 : vector<4x16384xf32>
    %add3A_639 = arith.constant 1.000000e+00 : f32
    %add3A_640 = vector.broadcast %add3A_639 : f32 to vector<4x16384xf32>
    %add3A_641 = arith.addf %add3A_640, %div3A_638 : vector<4x16384xf32>
    %abs3A_642 = math.absf %add3A_641 : vector<4x16384xf32>
    %lt3A_643 = arith.constant 1.000000e-30 : f32
    %lt3A_644 = vector.broadcast %lt3A_643 : f32 to vector<4x16384xf32>
    %lt3A_645 = arith.cmpf olt, %abs3A_642, %lt3A_644 : vector<4x16384xf32>
    %jit3A_646 = arith.constant 1.000000e-30 : f32
    %broadcast_in_dim3A_647 = vector.broadcast %jit3A_646 : f32 to vector<4x16384xf32>
    %select_n3A_648 = arith.select %lt3A_645, %broadcast_in_dim3A_647, %add3A_641 : vector<4x16384xi1>, vector<4x16384xf32>
    %div3A_649 = arith.constant 1.000000e+00 : f32
    %div3A_650 = vector.broadcast %div3A_649 : f32 to vector<4x16384xf32>
    %div3A_651 = arith.divf %div3A_650, %select_n3A_637 : vector<4x16384xf32>
    %mul3A_652 = arith.mulf %mul3A_611, %div3A_651 : vector<4x16384xf32>
    %mul3A_653 = arith.mulf %mul3A_652, %select_n3A_648 : vector<4x16384xf32>
    %add3A_654 = arith.constant 5.000000e+00 : f32
    %add3A_655 = vector.broadcast %add3A_654 : f32 to vector<4x16384xf32>
    %add3A_656 = arith.addf %select_n3A_226, %add3A_655 : vector<4x16384xf32>
    %neg3A_657 = arith.constant 0.000000e+00 : f32
    %neg3A_658 = vector.broadcast %neg3A_657 : f32 to vector<4x16384xf32>
    %neg3A_659 = arith.subf %neg3A_658, %add3A_656 : vector<4x16384xf32>
    %add3A_660 = arith.constant 5.000000e+00 : f32
    %add3A_661 = vector.broadcast %add3A_660 : f32 to vector<4x16384xf32>
    %add3A_662 = arith.addf %add3A_239, %add3A_661 : vector<4x16384xf32>
    %mul3A_663 = arith.mulf %neg3A_659, %add3A_662 : vector<4x16384xf32>
    %mul3A_664 = arith.mulf %mul3A_663, %select_n3A : vector<4x16384xf32>
    %add3A_665 = arith.constant 1.000000e+01 : f32
    %add3A_666 = vector.broadcast %add3A_665 : f32 to vector<4x16384xf32>
    %add3A_667 = arith.addf %select_n3A_226, %add3A_666 : vector<4x16384xf32>
    %add3A_668 = arith.constant 1.000000e+01 : f32
    %add3A_669 = vector.broadcast %add3A_668 : f32 to vector<4x16384xf32>
    %add3A_670 = arith.addf %add3A_242, %add3A_669 : vector<4x16384xf32>
    %mul3A_671 = arith.mulf %add3A_667, %add3A_670 : vector<4x16384xf32>
    %div3A_672 = arith.divf %mul3A_664, %mul3A_671 : vector<4x16384xf32>
    %mul3A_673 = arith.mulf %div3A_672, %div3A_651 : vector<4x16384xf32>
    %add3A_674 = arith.constant 1.000000e+00 : f32
    %add3A_675 = vector.broadcast %add3A_674 : f32 to vector<4x16384xf32>
    %add3A_676 = arith.addf %add3A_675, %mul3A_673 : vector<4x16384xf32>
    %abs3A_677 = math.absf %add3A_676 : vector<4x16384xf32>
    %lt3A_678 = arith.constant 1.000000e-30 : f32
    %lt3A_679 = vector.broadcast %lt3A_678 : f32 to vector<4x16384xf32>
    %lt3A_680 = arith.cmpf olt, %abs3A_677, %lt3A_679 : vector<4x16384xf32>
    %jit3A_681 = arith.constant 1.000000e-30 : f32
    %broadcast_in_dim3A_682 = vector.broadcast %jit3A_681 : f32 to vector<4x16384xf32>
    %select_n3A_683 = arith.select %lt3A_680, %broadcast_in_dim3A_682, %add3A_676 : vector<4x16384xi1>, vector<4x16384xf32>
    %div3A_684 = arith.divf %div3A_672, %select_n3A_648 : vector<4x16384xf32>
    %add3A_685 = arith.constant 1.000000e+00 : f32
    %add3A_686 = vector.broadcast %add3A_685 : f32 to vector<4x16384xf32>
    %add3A_687 = arith.addf %add3A_686, %div3A_684 : vector<4x16384xf32>
    %abs3A_688 = math.absf %add3A_687 : vector<4x16384xf32>
    %lt3A_689 = arith.constant 1.000000e-30 : f32
    %lt3A_690 = vector.broadcast %lt3A_689 : f32 to vector<4x16384xf32>
    %lt3A_691 = arith.cmpf olt, %abs3A_688, %lt3A_690 : vector<4x16384xf32>
    %jit3A_692 = arith.constant 1.000000e-30 : f32
    %broadcast_in_dim3A_693 = vector.broadcast %jit3A_692 : f32 to vector<4x16384xf32>
    %select_n3A_694 = arith.select %lt3A_691, %broadcast_in_dim3A_693, %add3A_687 : vector<4x16384xi1>, vector<4x16384xf32>
    %div3A_695 = arith.constant 1.000000e+00 : f32
    %div3A_696 = vector.broadcast %div3A_695 : f32 to vector<4x16384xf32>
    %div3A_697 = arith.divf %div3A_696, %select_n3A_683 : vector<4x16384xf32>
    %mul3A_698 = arith.mulf %mul3A_653, %div3A_697 : vector<4x16384xf32>
    %mul3A_699 = arith.mulf %mul3A_698, %select_n3A_694 : vector<4x16384xf32>
    %sub3A_700 = arith.constant 6.000000e+00 : f32
    %sub3A_701 = vector.broadcast %sub3A_700 : f32 to vector<4x16384xf32>
    %sub3A_702 = arith.subf %select_n3A_227, %sub3A_701 : vector<4x16384xf32>
    %mul3A_703 = arith.constant 6.000000e+00 : f32
    %mul3A_704 = vector.broadcast %mul3A_703 : f32 to vector<4x16384xf32>
    %mul3A_705 = arith.mulf %mul3A_704, %sub3A_702 : vector<4x16384xf32>
    %mul3A_706 = arith.mulf %mul3A_705, %select_n3A : vector<4x16384xf32>
    %add3A_707 = arith.constant 1.200000e+01 : f32
    %add3A_708 = vector.broadcast %add3A_707 : f32 to vector<4x16384xf32>
    %add3A_709 = arith.addf %sub3A_245, %add3A_708 : vector<4x16384xf32>
    %add3A_710 = arith.constant 1.200000e+01 : f32
    %add3A_711 = vector.broadcast %add3A_710 : f32 to vector<4x16384xf32>
    %add3A_712 = arith.addf %select_n3A_226, %add3A_711 : vector<4x16384xf32>
    %mul3A_713 = arith.mulf %add3A_709, %add3A_712 : vector<4x16384xf32>
    %div3A_714 = arith.divf %mul3A_706, %mul3A_713 : vector<4x16384xf32>
    %mul3A_715 = arith.mulf %div3A_714, %div3A_697 : vector<4x16384xf32>
    %add3A_716 = arith.constant 1.000000e+00 : f32
    %add3A_717 = vector.broadcast %add3A_716 : f32 to vector<4x16384xf32>
    %add3A_718 = arith.addf %add3A_717, %mul3A_715 : vector<4x16384xf32>
    %abs3A_719 = math.absf %add3A_718 : vector<4x16384xf32>
    %lt3A_720 = arith.constant 1.000000e-30 : f32
    %lt3A_721 = vector.broadcast %lt3A_720 : f32 to vector<4x16384xf32>
    %lt3A_722 = arith.cmpf olt, %abs3A_719, %lt3A_721 : vector<4x16384xf32>
    %jit3A_723 = arith.constant 1.000000e-30 : f32
    %broadcast_in_dim3A_724 = vector.broadcast %jit3A_723 : f32 to vector<4x16384xf32>
    %select_n3A_725 = arith.select %lt3A_722, %broadcast_in_dim3A_724, %add3A_718 : vector<4x16384xi1>, vector<4x16384xf32>
    %div3A_726 = arith.divf %div3A_714, %select_n3A_694 : vector<4x16384xf32>
    %add3A_727 = arith.constant 1.000000e+00 : f32
    %add3A_728 = vector.broadcast %add3A_727 : f32 to vector<4x16384xf32>
    %add3A_729 = arith.addf %add3A_728, %div3A_726 : vector<4x16384xf32>
    %abs3A_730 = math.absf %add3A_729 : vector<4x16384xf32>
    %lt3A_731 = arith.constant 1.000000e-30 : f32
    %lt3A_732 = vector.broadcast %lt3A_731 : f32 to vector<4x16384xf32>
    %lt3A_733 = arith.cmpf olt, %abs3A_730, %lt3A_732 : vector<4x16384xf32>
    %jit3A_734 = arith.constant 1.000000e-30 : f32
    %broadcast_in_dim3A_735 = vector.broadcast %jit3A_734 : f32 to vector<4x16384xf32>
    %select_n3A_736 = arith.select %lt3A_733, %broadcast_in_dim3A_735, %add3A_729 : vector<4x16384xi1>, vector<4x16384xf32>
    %div3A_737 = arith.constant 1.000000e+00 : f32
    %div3A_738 = vector.broadcast %div3A_737 : f32 to vector<4x16384xf32>
    %div3A_739 = arith.divf %div3A_738, %select_n3A_725 : vector<4x16384xf32>
    %mul3A_740 = arith.mulf %mul3A_699, %div3A_739 : vector<4x16384xf32>
    %mul3A_741 = arith.mulf %mul3A_740, %select_n3A_736 : vector<4x16384xf32>
    %add3A_742 = arith.constant 6.000000e+00 : f32
    %add3A_743 = vector.broadcast %add3A_742 : f32 to vector<4x16384xf32>
    %add3A_744 = arith.addf %select_n3A_226, %add3A_743 : vector<4x16384xf32>
    %neg3A_745 = arith.constant 0.000000e+00 : f32
    %neg3A_746 = vector.broadcast %neg3A_745 : f32 to vector<4x16384xf32>
    %neg3A_747 = arith.subf %neg3A_746, %add3A_744 : vector<4x16384xf32>
    %add3A_748 = arith.constant 6.000000e+00 : f32
    %add3A_749 = vector.broadcast %add3A_748 : f32 to vector<4x16384xf32>
    %add3A_750 = arith.addf %add3A_239, %add3A_749 : vector<4x16384xf32>
    %mul3A_751 = arith.mulf %neg3A_747, %add3A_750 : vector<4x16384xf32>
    %mul3A_752 = arith.mulf %mul3A_751, %select_n3A : vector<4x16384xf32>
    %add3A_753 = arith.constant 1.200000e+01 : f32
    %add3A_754 = vector.broadcast %add3A_753 : f32 to vector<4x16384xf32>
    %add3A_755 = arith.addf %select_n3A_226, %add3A_754 : vector<4x16384xf32>
    %add3A_756 = arith.constant 1.200000e+01 : f32
    %add3A_757 = vector.broadcast %add3A_756 : f32 to vector<4x16384xf32>
    %add3A_758 = arith.addf %add3A_242, %add3A_757 : vector<4x16384xf32>
    %mul3A_759 = arith.mulf %add3A_755, %add3A_758 : vector<4x16384xf32>
    %div3A_760 = arith.divf %mul3A_752, %mul3A_759 : vector<4x16384xf32>
    %mul3A_761 = arith.mulf %div3A_760, %div3A_739 : vector<4x16384xf32>
    %add3A_762 = arith.constant 1.000000e+00 : f32
    %add3A_763 = vector.broadcast %add3A_762 : f32 to vector<4x16384xf32>
    %add3A_764 = arith.addf %add3A_763, %mul3A_761 : vector<4x16384xf32>
    %abs3A_765 = math.absf %add3A_764 : vector<4x16384xf32>
    %lt3A_766 = arith.constant 1.000000e-30 : f32
    %lt3A_767 = vector.broadcast %lt3A_766 : f32 to vector<4x16384xf32>
    %lt3A_768 = arith.cmpf olt, %abs3A_765, %lt3A_767 : vector<4x16384xf32>
    %jit3A_769 = arith.constant 1.000000e-30 : f32
    %broadcast_in_dim3A_770 = vector.broadcast %jit3A_769 : f32 to vector<4x16384xf32>
    %select_n3A_771 = arith.select %lt3A_768, %broadcast_in_dim3A_770, %add3A_764 : vector<4x16384xi1>, vector<4x16384xf32>
    %div3A_772 = arith.divf %div3A_760, %select_n3A_736 : vector<4x16384xf32>
    %add3A_773 = arith.constant 1.000000e+00 : f32
    %add3A_774 = vector.broadcast %add3A_773 : f32 to vector<4x16384xf32>
    %add3A_775 = arith.addf %add3A_774, %div3A_772 : vector<4x16384xf32>
    %abs3A_776 = math.absf %add3A_775 : vector<4x16384xf32>
    %lt3A_777 = arith.constant 1.000000e-30 : f32
    %lt3A_778 = vector.broadcast %lt3A_777 : f32 to vector<4x16384xf32>
    %lt3A_779 = arith.cmpf olt, %abs3A_776, %lt3A_778 : vector<4x16384xf32>
    %jit3A_780 = arith.constant 1.000000e-30 : f32
    %broadcast_in_dim3A_781 = vector.broadcast %jit3A_780 : f32 to vector<4x16384xf32>
    %select_n3A_782 = arith.select %lt3A_779, %broadcast_in_dim3A_781, %add3A_775 : vector<4x16384xi1>, vector<4x16384xf32>
    %div3A_783 = arith.constant 1.000000e+00 : f32
    %div3A_784 = vector.broadcast %div3A_783 : f32 to vector<4x16384xf32>
    %div3A_785 = arith.divf %div3A_784, %select_n3A_771 : vector<4x16384xf32>
    %mul3A_786 = arith.mulf %mul3A_741, %div3A_785 : vector<4x16384xf32>
    %mul3A_787 = arith.mulf %mul3A_786, %select_n3A_782 : vector<4x16384xf32>
    %sub3A_788 = arith.constant 7.000000e+00 : f32
    %sub3A_789 = vector.broadcast %sub3A_788 : f32 to vector<4x16384xf32>
    %sub3A_790 = arith.subf %select_n3A_227, %sub3A_789 : vector<4x16384xf32>
    %mul3A_791 = arith.constant 7.000000e+00 : f32
    %mul3A_792 = vector.broadcast %mul3A_791 : f32 to vector<4x16384xf32>
    %mul3A_793 = arith.mulf %mul3A_792, %sub3A_790 : vector<4x16384xf32>
    %mul3A_794 = arith.mulf %mul3A_793, %select_n3A : vector<4x16384xf32>
    %add3A_795 = arith.constant 1.400000e+01 : f32
    %add3A_796 = vector.broadcast %add3A_795 : f32 to vector<4x16384xf32>
    %add3A_797 = arith.addf %sub3A_245, %add3A_796 : vector<4x16384xf32>
    %add3A_798 = arith.constant 1.400000e+01 : f32
    %add3A_799 = vector.broadcast %add3A_798 : f32 to vector<4x16384xf32>
    %add3A_800 = arith.addf %select_n3A_226, %add3A_799 : vector<4x16384xf32>
    %mul3A_801 = arith.mulf %add3A_797, %add3A_800 : vector<4x16384xf32>
    %div3A_802 = arith.divf %mul3A_794, %mul3A_801 : vector<4x16384xf32>
    %mul3A_803 = arith.mulf %div3A_802, %div3A_785 : vector<4x16384xf32>
    %add3A_804 = arith.constant 1.000000e+00 : f32
    %add3A_805 = vector.broadcast %add3A_804 : f32 to vector<4x16384xf32>
    %add3A_806 = arith.addf %add3A_805, %mul3A_803 : vector<4x16384xf32>
    %abs3A_807 = math.absf %add3A_806 : vector<4x16384xf32>
    %lt3A_808 = arith.constant 1.000000e-30 : f32
    %lt3A_809 = vector.broadcast %lt3A_808 : f32 to vector<4x16384xf32>
    %lt3A_810 = arith.cmpf olt, %abs3A_807, %lt3A_809 : vector<4x16384xf32>
    %jit3A_811 = arith.constant 1.000000e-30 : f32
    %broadcast_in_dim3A_812 = vector.broadcast %jit3A_811 : f32 to vector<4x16384xf32>
    %select_n3A_813 = arith.select %lt3A_810, %broadcast_in_dim3A_812, %add3A_806 : vector<4x16384xi1>, vector<4x16384xf32>
    %div3A_814 = arith.divf %div3A_802, %select_n3A_782 : vector<4x16384xf32>
    %add3A_815 = arith.constant 1.000000e+00 : f32
    %add3A_816 = vector.broadcast %add3A_815 : f32 to vector<4x16384xf32>
    %add3A_817 = arith.addf %add3A_816, %div3A_814 : vector<4x16384xf32>
    %abs3A_818 = math.absf %add3A_817 : vector<4x16384xf32>
    %lt3A_819 = arith.constant 1.000000e-30 : f32
    %lt3A_820 = vector.broadcast %lt3A_819 : f32 to vector<4x16384xf32>
    %lt3A_821 = arith.cmpf olt, %abs3A_818, %lt3A_820 : vector<4x16384xf32>
    %jit3A_822 = arith.constant 1.000000e-30 : f32
    %broadcast_in_dim3A_823 = vector.broadcast %jit3A_822 : f32 to vector<4x16384xf32>
    %select_n3A_824 = arith.select %lt3A_821, %broadcast_in_dim3A_823, %add3A_817 : vector<4x16384xi1>, vector<4x16384xf32>
    %div3A_825 = arith.constant 1.000000e+00 : f32
    %div3A_826 = vector.broadcast %div3A_825 : f32 to vector<4x16384xf32>
    %div3A_827 = arith.divf %div3A_826, %select_n3A_813 : vector<4x16384xf32>
    %mul3A_828 = arith.mulf %mul3A_787, %div3A_827 : vector<4x16384xf32>
    %mul3A_829 = arith.mulf %mul3A_828, %select_n3A_824 : vector<4x16384xf32>
    %add3A_830 = arith.constant 7.000000e+00 : f32
    %add3A_831 = vector.broadcast %add3A_830 : f32 to vector<4x16384xf32>
    %add3A_832 = arith.addf %select_n3A_226, %add3A_831 : vector<4x16384xf32>
    %neg3A_833 = arith.constant 0.000000e+00 : f32
    %neg3A_834 = vector.broadcast %neg3A_833 : f32 to vector<4x16384xf32>
    %neg3A_835 = arith.subf %neg3A_834, %add3A_832 : vector<4x16384xf32>
    %add3A_836 = arith.constant 7.000000e+00 : f32
    %add3A_837 = vector.broadcast %add3A_836 : f32 to vector<4x16384xf32>
    %add3A_838 = arith.addf %add3A_239, %add3A_837 : vector<4x16384xf32>
    %mul3A_839 = arith.mulf %neg3A_835, %add3A_838 : vector<4x16384xf32>
    %mul3A_840 = arith.mulf %mul3A_839, %select_n3A : vector<4x16384xf32>
    %add3A_841 = arith.constant 1.400000e+01 : f32
    %add3A_842 = vector.broadcast %add3A_841 : f32 to vector<4x16384xf32>
    %add3A_843 = arith.addf %select_n3A_226, %add3A_842 : vector<4x16384xf32>
    %add3A_844 = arith.constant 1.400000e+01 : f32
    %add3A_845 = vector.broadcast %add3A_844 : f32 to vector<4x16384xf32>
    %add3A_846 = arith.addf %add3A_242, %add3A_845 : vector<4x16384xf32>
    %mul3A_847 = arith.mulf %add3A_843, %add3A_846 : vector<4x16384xf32>
    %div3A_848 = arith.divf %mul3A_840, %mul3A_847 : vector<4x16384xf32>
    %mul3A_849 = arith.mulf %div3A_848, %div3A_827 : vector<4x16384xf32>
    %add3A_850 = arith.constant 1.000000e+00 : f32
    %add3A_851 = vector.broadcast %add3A_850 : f32 to vector<4x16384xf32>
    %add3A_852 = arith.addf %add3A_851, %mul3A_849 : vector<4x16384xf32>
    %abs3A_853 = math.absf %add3A_852 : vector<4x16384xf32>
    %lt3A_854 = arith.constant 1.000000e-30 : f32
    %lt3A_855 = vector.broadcast %lt3A_854 : f32 to vector<4x16384xf32>
    %lt3A_856 = arith.cmpf olt, %abs3A_853, %lt3A_855 : vector<4x16384xf32>
    %jit3A_857 = arith.constant 1.000000e-30 : f32
    %broadcast_in_dim3A_858 = vector.broadcast %jit3A_857 : f32 to vector<4x16384xf32>
    %select_n3A_859 = arith.select %lt3A_856, %broadcast_in_dim3A_858, %add3A_852 : vector<4x16384xi1>, vector<4x16384xf32>
    %div3A_860 = arith.divf %div3A_848, %select_n3A_824 : vector<4x16384xf32>
    %add3A_861 = arith.constant 1.000000e+00 : f32
    %add3A_862 = vector.broadcast %add3A_861 : f32 to vector<4x16384xf32>
    %add3A_863 = arith.addf %add3A_862, %div3A_860 : vector<4x16384xf32>
    %abs3A_864 = math.absf %add3A_863 : vector<4x16384xf32>
    %lt3A_865 = arith.constant 1.000000e-30 : f32
    %lt3A_866 = vector.broadcast %lt3A_865 : f32 to vector<4x16384xf32>
    %lt3A_867 = arith.cmpf olt, %abs3A_864, %lt3A_866 : vector<4x16384xf32>
    %jit3A_868 = arith.constant 1.000000e-30 : f32
    %broadcast_in_dim3A_869 = vector.broadcast %jit3A_868 : f32 to vector<4x16384xf32>
    %select_n3A_870 = arith.select %lt3A_867, %broadcast_in_dim3A_869, %add3A_863 : vector<4x16384xi1>, vector<4x16384xf32>
    %div3A_871 = arith.constant 1.000000e+00 : f32
    %div3A_872 = vector.broadcast %div3A_871 : f32 to vector<4x16384xf32>
    %div3A_873 = arith.divf %div3A_872, %select_n3A_859 : vector<4x16384xf32>
    %mul3A_874 = arith.mulf %mul3A_829, %div3A_873 : vector<4x16384xf32>
    %mul3A_875 = arith.mulf %mul3A_874, %select_n3A_870 : vector<4x16384xf32>
    %sub3A_876 = arith.constant 8.000000e+00 : f32
    %sub3A_877 = vector.broadcast %sub3A_876 : f32 to vector<4x16384xf32>
    %sub3A_878 = arith.subf %select_n3A_227, %sub3A_877 : vector<4x16384xf32>
    %mul3A_879 = arith.constant 8.000000e+00 : f32
    %mul3A_880 = vector.broadcast %mul3A_879 : f32 to vector<4x16384xf32>
    %mul3A_881 = arith.mulf %mul3A_880, %sub3A_878 : vector<4x16384xf32>
    %mul3A_882 = arith.mulf %mul3A_881, %select_n3A : vector<4x16384xf32>
    %add3A_883 = arith.constant 1.600000e+01 : f32
    %add3A_884 = vector.broadcast %add3A_883 : f32 to vector<4x16384xf32>
    %add3A_885 = arith.addf %sub3A_245, %add3A_884 : vector<4x16384xf32>
    %add3A_886 = arith.constant 1.600000e+01 : f32
    %add3A_887 = vector.broadcast %add3A_886 : f32 to vector<4x16384xf32>
    %add3A_888 = arith.addf %select_n3A_226, %add3A_887 : vector<4x16384xf32>
    %mul3A_889 = arith.mulf %add3A_885, %add3A_888 : vector<4x16384xf32>
    %div3A_890 = arith.divf %mul3A_882, %mul3A_889 : vector<4x16384xf32>
    %mul3A_891 = arith.mulf %div3A_890, %div3A_873 : vector<4x16384xf32>
    %add3A_892 = arith.constant 1.000000e+00 : f32
    %add3A_893 = vector.broadcast %add3A_892 : f32 to vector<4x16384xf32>
    %add3A_894 = arith.addf %add3A_893, %mul3A_891 : vector<4x16384xf32>
    %abs3A_895 = math.absf %add3A_894 : vector<4x16384xf32>
    %lt3A_896 = arith.constant 1.000000e-30 : f32
    %lt3A_897 = vector.broadcast %lt3A_896 : f32 to vector<4x16384xf32>
    %lt3A_898 = arith.cmpf olt, %abs3A_895, %lt3A_897 : vector<4x16384xf32>
    %jit3A_899 = arith.constant 1.000000e-30 : f32
    %broadcast_in_dim3A_900 = vector.broadcast %jit3A_899 : f32 to vector<4x16384xf32>
    %select_n3A_901 = arith.select %lt3A_898, %broadcast_in_dim3A_900, %add3A_894 : vector<4x16384xi1>, vector<4x16384xf32>
    %div3A_902 = arith.divf %div3A_890, %select_n3A_870 : vector<4x16384xf32>
    %add3A_903 = arith.constant 1.000000e+00 : f32
    %add3A_904 = vector.broadcast %add3A_903 : f32 to vector<4x16384xf32>
    %add3A_905 = arith.addf %add3A_904, %div3A_902 : vector<4x16384xf32>
    %abs3A_906 = math.absf %add3A_905 : vector<4x16384xf32>
    %lt3A_907 = arith.constant 1.000000e-30 : f32
    %lt3A_908 = vector.broadcast %lt3A_907 : f32 to vector<4x16384xf32>
    %lt3A_909 = arith.cmpf olt, %abs3A_906, %lt3A_908 : vector<4x16384xf32>
    %jit3A_910 = arith.constant 1.000000e-30 : f32
    %broadcast_in_dim3A_911 = vector.broadcast %jit3A_910 : f32 to vector<4x16384xf32>
    %select_n3A_912 = arith.select %lt3A_909, %broadcast_in_dim3A_911, %add3A_905 : vector<4x16384xi1>, vector<4x16384xf32>
    %div3A_913 = arith.constant 1.000000e+00 : f32
    %div3A_914 = vector.broadcast %div3A_913 : f32 to vector<4x16384xf32>
    %div3A_915 = arith.divf %div3A_914, %select_n3A_901 : vector<4x16384xf32>
    %mul3A_916 = arith.mulf %mul3A_875, %div3A_915 : vector<4x16384xf32>
    %mul3A_917 = arith.mulf %mul3A_916, %select_n3A_912 : vector<4x16384xf32>
    %add3A_918 = arith.constant 8.000000e+00 : f32
    %add3A_919 = vector.broadcast %add3A_918 : f32 to vector<4x16384xf32>
    %add3A_920 = arith.addf %select_n3A_226, %add3A_919 : vector<4x16384xf32>
    %neg3A_921 = arith.constant 0.000000e+00 : f32
    %neg3A_922 = vector.broadcast %neg3A_921 : f32 to vector<4x16384xf32>
    %neg3A_923 = arith.subf %neg3A_922, %add3A_920 : vector<4x16384xf32>
    %add3A_924 = arith.constant 8.000000e+00 : f32
    %add3A_925 = vector.broadcast %add3A_924 : f32 to vector<4x16384xf32>
    %add3A_926 = arith.addf %add3A_239, %add3A_925 : vector<4x16384xf32>
    %mul3A_927 = arith.mulf %neg3A_923, %add3A_926 : vector<4x16384xf32>
    %mul3A_928 = arith.mulf %mul3A_927, %select_n3A : vector<4x16384xf32>
    %add3A_929 = arith.constant 1.600000e+01 : f32
    %add3A_930 = vector.broadcast %add3A_929 : f32 to vector<4x16384xf32>
    %add3A_931 = arith.addf %select_n3A_226, %add3A_930 : vector<4x16384xf32>
    %add3A_932 = arith.constant 1.600000e+01 : f32
    %add3A_933 = vector.broadcast %add3A_932 : f32 to vector<4x16384xf32>
    %add3A_934 = arith.addf %add3A_242, %add3A_933 : vector<4x16384xf32>
    %mul3A_935 = arith.mulf %add3A_931, %add3A_934 : vector<4x16384xf32>
    %div3A_936 = arith.divf %mul3A_928, %mul3A_935 : vector<4x16384xf32>
    %mul3A_937 = arith.mulf %div3A_936, %div3A_915 : vector<4x16384xf32>
    %add3A_938 = arith.constant 1.000000e+00 : f32
    %add3A_939 = vector.broadcast %add3A_938 : f32 to vector<4x16384xf32>
    %add3A_940 = arith.addf %add3A_939, %mul3A_937 : vector<4x16384xf32>
    %abs3A_941 = math.absf %add3A_940 : vector<4x16384xf32>
    %lt3A_942 = arith.constant 1.000000e-30 : f32
    %lt3A_943 = vector.broadcast %lt3A_942 : f32 to vector<4x16384xf32>
    %lt3A_944 = arith.cmpf olt, %abs3A_941, %lt3A_943 : vector<4x16384xf32>
    %jit3A_945 = arith.constant 1.000000e-30 : f32
    %broadcast_in_dim3A_946 = vector.broadcast %jit3A_945 : f32 to vector<4x16384xf32>
    %select_n3A_947 = arith.select %lt3A_944, %broadcast_in_dim3A_946, %add3A_940 : vector<4x16384xi1>, vector<4x16384xf32>
    %div3A_948 = arith.divf %div3A_936, %select_n3A_912 : vector<4x16384xf32>
    %add3A_949 = arith.constant 1.000000e+00 : f32
    %add3A_950 = vector.broadcast %add3A_949 : f32 to vector<4x16384xf32>
    %add3A_951 = arith.addf %add3A_950, %div3A_948 : vector<4x16384xf32>
    %abs3A_952 = math.absf %add3A_951 : vector<4x16384xf32>
    %lt3A_953 = arith.constant 1.000000e-30 : f32
    %lt3A_954 = vector.broadcast %lt3A_953 : f32 to vector<4x16384xf32>
    %lt3A_955 = arith.cmpf olt, %abs3A_952, %lt3A_954 : vector<4x16384xf32>
    %jit3A_956 = arith.constant 1.000000e-30 : f32
    %broadcast_in_dim3A_957 = vector.broadcast %jit3A_956 : f32 to vector<4x16384xf32>
    %select_n3A_958 = arith.select %lt3A_955, %broadcast_in_dim3A_957, %add3A_951 : vector<4x16384xi1>, vector<4x16384xf32>
    %div3A_959 = arith.constant 1.000000e+00 : f32
    %div3A_960 = vector.broadcast %div3A_959 : f32 to vector<4x16384xf32>
    %div3A_961 = arith.divf %div3A_960, %select_n3A_947 : vector<4x16384xf32>
    %mul3A_962 = arith.mulf %mul3A_917, %div3A_961 : vector<4x16384xf32>
    %mul3A_963 = arith.mulf %mul3A_962, %select_n3A_958 : vector<4x16384xf32>
    %mul3A_964 = arith.mulf %div3A_238, %mul3A_963 : vector<4x16384xf32>
    %sub3A_965 = arith.constant 1.000000e+00 : f32
    %sub3A_966 = vector.broadcast %sub3A_965 : f32 to vector<4x16384xf32>
    %sub3A_967 = arith.subf %sub3A_966, %mul3A_964 : vector<4x16384xf32>
    %select_n3A_968 = arith.select %gt3A, %sub3A_967, %mul3A_964 : vector<4x16384xi1>, vector<4x16384xf32>
    %jit3A_969 = arith.constant 0.000000e+00 : f32
    %jit3A_970 = arith.constant 1.000000e+00 : f32
    %max3A = vector.broadcast %jit3A_969 : f32 to vector<4x16384xf32>
    %max3A_971 = arith.maximumf %max3A, %select_n3A_968 : vector<4x16384xf32>
    %min3A = vector.broadcast %jit3A_970 : f32 to vector<4x16384xf32>
    %min3A_972 = arith.minimumf %min3A, %max3A_971 : vector<4x16384xf32>
    %slice3A_973 = vector.extract_strided_slice %min3A_972 {offsets = [0, 0], sizes = [1, 16384], strides = [1, 1]} : vector<4x16384xf32> to vector<1x16384xf32>
    %slice3A_974 = vector.extract_strided_slice %min3A_972 {offsets = [1, 0], sizes = [1, 16384], strides = [1, 1]} : vector<4x16384xf32> to vector<1x16384xf32>
    %slice3A_975 = vector.extract_strided_slice %min3A_972 {offsets = [0, 0], sizes = [1, 16384], strides = [1, 1]} : vector<4x16384xf32> to vector<1x16384xf32>
    %sub3A_976 = arith.subf %slice3A_974, %slice3A_975 : vector<1x16384xf32>
    %slice3A_977 = vector.extract_strided_slice %min3A_972 {offsets = [2, 0], sizes = [1, 16384], strides = [1, 1]} : vector<4x16384xf32> to vector<1x16384xf32>
    %slice3A_978 = vector.extract_strided_slice %min3A_972 {offsets = [1, 0], sizes = [1, 16384], strides = [1, 1]} : vector<4x16384xf32> to vector<1x16384xf32>
    %sub3A_979 = arith.subf %slice3A_977, %slice3A_978 : vector<1x16384xf32>
    %slice3A_980 = vector.extract_strided_slice %min3A_972 {offsets = [3, 0], sizes = [1, 16384], strides = [1, 1]} : vector<4x16384xf32> to vector<1x16384xf32>
    %slice3A_981 = vector.extract_strided_slice %min3A_972 {offsets = [2, 0], sizes = [1, 16384], strides = [1, 1]} : vector<4x16384xf32> to vector<1x16384xf32>
    %sub3A_982 = arith.subf %slice3A_980, %slice3A_981 : vector<1x16384xf32>
    %slice3A_983 = vector.extract_strided_slice %min3A_972 {offsets = [3, 0], sizes = [1, 16384], strides = [1, 1]} : vector<4x16384xf32> to vector<1x16384xf32>
    %sub3A_984 = arith.constant 1.000000e+00 : f32
    %sub3A_985 = vector.broadcast %sub3A_984 : f32 to vector<1x16384xf32>
    %sub3A_986 = arith.subf %sub3A_985, %slice3A_983 : vector<1x16384xf32>
    %concatenate3A_987 = tpu.concatenate %slice3A_973, %sub3A_976, %sub3A_979, %sub3A_982, %sub3A_986 in 0 : vector<1x16384xf32>, vector<1x16384xf32>, vector<1x16384xf32>, vector<1x16384xf32>, vector<1x16384xf32> -> vector<5x16384xf32>
    %swap3A_988 = arith.constant 0 : index
    %swap3A_989 = arith.constant 0 : index
    %swap3A_990 = vector.load %arg4[%swap3A_988, %swap3A_989] : memref<5x16384xf32, #tpu.memory_space<vmem>>, vector<5x16384xf32>
    tpu.vector_store %arg4[%swap3A_988, %swap3A_989], %concatenate3A_987 {strides = array<i32>} : memref<5x16384xf32, #tpu.memory_space<vmem>>, vector<5x16384xf32>,
    return
  }
}

</mosaic_0001>

<sc_bundles>
// kernel: kernel.5.cloned.1.call-start
scs
__scs_entry_jumppad:
0x0: {  	(pc) =	sbr.rel $0x88, $3  }
0x1: {  	(tag) =	ssettag $0x0;
	lr =	simm.s32 $0x1  }
0x2: {  	[smem:$0x3F9B] =	sst lr;
	_ =	strace $0xD0000000  }
0x3: {  	_ = 	snop  }
0x4: {  	_ = 	snop  }
0x5: {  	_ = 	snop  }
0x6: {  	_ = 	snop  }
0x7: {  	_ = 	snop  }
__scs_overlays_trampoline_lowered:
0x8: {  	[smem:$0x3FAA] =	sst s0  }
0x9: {  	[smem:$0x3FAB] =	sst s1  }
0xa: {  	[smem:$0x3FAC] =	sst s2  }
0xb: {  	[smem:$0x3FAD] =	sst s3  }
0xc: {  	[smem:$0x3FAE] =	sst s4  }
0xd: {  	[smem:$0x3FAF] =	sst s5  }
0xe: {  	[smem:$0x3FB0] =	sst s6  }
0xf: {  	[smem:$0x3FB1] =	sst s7  }
0x10: {  	[smem:$0x3FB2] =	sst s8  }
0x11: {  	[smem:$0x3FB3] =	sst s9;
	s0 =	simm.s32 @!p0 $0x0  }
0x12: {  	s1 =	sld [smem:$0x3F99];
	s0 =	simm.s32 @p0 $0x1  }
0x13: {  	[smem:$0x3FB4] =	sst s0;
	s0 =	simm.s32 @!p1 $0x0  }
0x14: {  	s2 =	sld [smem:$0x3F98];
	s0 =	simm.s32 @p1 $0x1  }
0x15: {  	[smem:$0x3FB5] =	sst s0;
	s0 =	simm.s32 @!p2 $0x0  }
0x16: {  	s3 =	sld [smem:$0x3FDB];
	s0 =	simm.s32 @p2 $0x1  }
0x17: {  	s4 =	simm.s32 $0x1BF5;
	[smem:$0x3FB7] =	sst s0  }
0x18: {  	s0 =	sld [smem:$0x3F9A];
	_ =	swait.ge [sflag:s4], $0x0  }
0x19: {  	s7 =	sld [smem:$0x3F9B]  }
0x1a: {  	s8 =	sadd.s32 $0xFFFFE003, lr  }
0x1b: {  	s9 =	sadd.s32 $0xFFFFFEF7, lr;
	s5 =	simm.s32 $0xFFFFFFFF;
	p2 =	slt.u32 s8, $0xFFFFF086  }
0x1c: {  	p1 =	slt.u32 s9, $0xF7A;
	s5 =	simm.s32 @!p2 $0x0  }
0x1d: {  	s5 =	simm.s32 @p1 $0x1;
	p0 =	seq.s32 s7, s2  }
0x1e: {  	s7 =	smul.u32 @!p0 $0xF7A, s2;
	p2 =	seq.s32 @!p0 s5, $0x0  }
0x1f: {  	s9 =	smul.u32 $0xF7A, s1;
	s8 =	simm.s32 @!p0 $0x1BF5;
	p2 =	por !p2, p0  }
0x20: {  	[sflag:s8] =	ssyncset.s32 @!p0 $0xFFFFF086;
	s6 =	sadd.s32 @!p0 s3, s7;
	s7 =	simm.s32 @!p0 $0x108  }
0x21: {  	s3 =	sadd.s32 s3, s9;
	s6 =	sadd.s32 @!p0 $0x88, s6;
	s7 =	simm.s32 @p2 $0x1082  }
0x22: {  	[simem:s7], [sflag:s8] =	dma.local @!p0 [hbm:s6], $0xF7A  }
0x23: {  	s9 =	sor.u32 $0xD0000000, s2;
	s6 =	simm.s32 $0x108;
	_ =	swait.ge @!p0 [sflag:s8], $0x0  }
0x24: {  	s3 =	sadd.s32 $0x88, s3;
	s6 =	simm.s32 @!p1 $0x1082;
	[sflag:s4] =	ssyncset.s32 $0xFFFFF086  }
0x25: {  	[simem:s6], [sflag:s4] =	dma.local [hbm:s3], $0xF7A  }
0x26: {  	[smem:$0x3F9B] =	sst s1;
	(tag) =	ssettag s2;
	_ =	strace s9  }
0x27: {  	s1 =	sld [smem:$0x3FAB]  }
0x28: {  	s2 =	sld [smem:$0x3FAC]  }
0x29: {  	s4 =	sld [smem:$0x3FAE]  }
0x2a: {  	p0 =	seq.s32 s5, $0x0;
	s5 =	sld [smem:$0x3FAF]  }
0x2b: {  	s6 =	sld [smem:$0x3FB0]  }
0x2c: {  	s7 =	sld [smem:$0x3FB1]  }
0x2d: {  	s3 =	simm.s32 $0x108;
	s8 =	sld [smem:$0x3FB2]  }
0x2e: {  	s3 =	simm.s32 @!p0 $0x1082;
	s9 =	sld [smem:$0x3FB3]  }
0x2f: {  	lr =	sadd.s32 s0, s3;
	s0 =	sld [smem:$0x3FAA]  }
0x30: {  	s3 =	sld [smem:$0x3FAD]  }
0x31: {  	[smem:$0x3FB6] =	sst s10  }
0x32: {  	s10 =	sld [smem:$0x3FB4];
	_ =	sdelay $0x3  }
0x33: {  	p0 =	seq.s32 s10, $0x1;
	s10 =	sld [smem:$0x3FB6];
	_ =	sdelay $0x3  }
0x34: {  	[smem:$0x3FB6] =	sst s10  }
0x35: {  	s10 =	sld [smem:$0x3FB5];
	_ =	sdelay $0x3  }
0x36: {  	p1 =	seq.s32 s10, $0x1;
	s10 =	sld [smem:$0x3FB6];
	_ =	sdelay $0x3  }
0x37: {  	[smem:$0x3FB6] =	sst s10  }
0x38: {  	s10 =	sld [smem:$0x3FB7]  }
0x39: {  	_ = 	snop;
	(pc) =	sbr.ind lr, $3  }
0x3a: {  	_ = 	snop  }
0x3b: {  	_ = 	snop  }
0x3c: {  	p2 =	seq.s32 s10, $0x1;
	s10 =	sld [smem:$0x3FB6]  }
0x3d: {  	_ =	shalt  }
0x3e: {  	_ =	shalt  }
0x3f: {  	_ =	shalt  }
0x40: {  	_ =	shalt  }
0x41: {  	_ =	shalt  }
0x42: {  	_ =	shalt  }
0x43: {  	_ =	shalt  }
0x44: {  	_ =	shalt  }
0x45: {  	_ =	shalt  }
0x46: {  	_ =	shalt  }
0x47: {  	_ =	shalt  }
0x48: {  	_ =	shalt  }
0x49: {  	_ =	shalt  }
0x4a: {  	_ =	shalt  }
0x4b: {  	_ =	shalt  }
0x4c: {  	_ =	shalt  }
0x4d: {  	_ =	shalt  }
0x4e: {  	_ =	shalt  }
0x4f: {  	_ =	shalt  }
0x50: {  	_ =	shalt  }
0x51: {  	_ =	shalt  }
0x52: {  	_ =	shalt  }
0x53: {  	_ =	shalt  }
0x54: {  	_ =	shalt  }
0x55: {  	_ =	shalt  }
0x56: {  	_ =	shalt  }
0x57: {  	_ =	shalt  }
0x58: {  	_ =	shalt  }
0x59: {  	_ =	shalt  }
0x5a: {  	_ =	shalt  }
0x5b: {  	_ =	shalt  }
0x5c: {  	_ =	shalt  }
0x5d: {  	_ =	shalt  }
0x5e: {  	_ =	shalt  }
0x5f: {  	_ =	shalt  }
0x60: {  	_ =	shalt  }
0x61: {  	_ =	shalt  }
0x62: {  	_ =	shalt  }
0x63: {  	_ =	shalt  }
0x64: {  	_ =	shalt  }
0x65: {  	_ =	shalt  }
0x66: {  	_ =	shalt  }
0x67: {  	_ =	shalt  }
0x68: {  	_ =	shalt  }
0x69: {  	_ =	shalt  }
0x6a: {  	_ =	shalt  }
0x6b: {  	_ =	shalt  }
0x6c: {  	_ =	shalt  }
0x6d: {  	_ =	shalt  }
0x6e: {  	_ =	shalt  }
0x6f: {  	_ =	shalt  }
0x70: {  	_ =	shalt  }
0x71: {  	_ =	shalt  }
0x72: {  	_ =	shalt  }
0x73: {  	_ =	shalt  }
0x74: {  	_ =	shalt  }
0x75: {  	_ =	shalt  }
0x76: {  	_ =	shalt  }
0x77: {  	_ =	shalt  }
0x78: {  	_ =	shalt  }
0x79: {  	_ =	shalt  }
0x7a: {  	_ =	shalt  }
0x7b: {  	_ =	shalt  }
0x7c: {  	_ =	shalt  }
0x7d: {  	_ =	shalt  }
0x7e: {  	_ =	shalt  }
0x7f: {  	_ =	shalt  }
0x80: {  	_ =	shalt  }
0x81: {  	_ =	shalt  }
0x82: {  	_ =	shalt  }
0x83: {  	_ =	shalt  }
0x84: {  	_ =	shalt  }
0x85: {  	_ =	shalt  }
0x86: {  	_ =	shalt  }
0x87: {  	_ =	shalt  }
.Lfunc_end0:
.L_simem_size_0:
called_computation_lowered:
.L_overlay_start_0:
0x88: {  	s2 =	sld [smem:$0x3FD9]  }
0x89: {  	s3 =	sld [smem:$0x3FFE];
	_ =	sdelay $0x1  }
0x8a: {  	s1 =	srdreg.scid  }
0x8b: {  	s0 =	sand.u32 $0x1, s1  }
0x8c: {  	s14 =	sshll.u32 s0, $0xA;
	s2 =	sadd.s32 s3, s2  }
0x8d: {  	s2 =	sadd.s32 s2, s14  }
0x8e: {  	[smem:$0x3FC2] =	sst s2  }
0x8f: {  	_ = 	snop  }
0x90: {  	s2 =	sld [smem:$0x3FD0];
	_ =	sdelay $0x2  }
0x91: {  	s15 =	simm.s32 $0xA;
	s4 =	simm.s32 $0x10  }
0x92: {  	[smem:s4], [sflag:s15] =	dma.local [hbm:s2], $0x1  }
0x93: {  	_ =	swait.eq [sflag:s15], $0x1  }
0x94: {  	[sflag:s15] =	ssyncset.done $0x0  }
0x95: {  	s16 =	sld [smem:$0x10];
	[sflag:s15] =	ssyncadd.s32 $0xFFFFFFFF  }
0x96: {  	s17 =	sld [smem:$0x11];
	(tm) =	ssettm $0x1  }
0x97: {  	s18 =	sld [smem:$0x3FFB];
	_ =	sdelay $0x3  }
0x98: {  	_ =	strace s18  }
0x99: {  	s4 =	sld [smem:$0x3FFC];
	_ =	sdelay $0x3  }
0x9a: {  	_ =	strace s4  }
0x9b: {  	s4 =	sld [smem:$0x3FFD];
	_ =	sdelay $0x3  }
0x9c: {  	_ =	strace s4  }
0x9d: {  	_ =	strace $0x8FFFFFFF  }
0x9e: {  	s19 =	sld [smem:$0x3FDB];
	_ =	sdelay $0x1  }
0x9f: {  	s5 =	simm.s32 $_scs_section_size  }
0xa0: {  	s6 =	simm.s32 $_size__tile_overlayer_lowered;
	s7 =	simm.s32 $_tile_overlayer_lowered  }
0xa1: {  	s22 =	simm.s32 $0x1BFF;
	s21 =	sshll.u32 s7, $0x1;
	s4 =	sadd.s32 s5, s19  }
0xa2: {  	s8 =	simm.s32 $0x0;
	s20 =	sshll.u32 s6, $0x1;
	s6 =	sadd.s32 s21, s4  }
0xa3: {  	[timem:s8], [sflag:s22] =	dma.local [hbm:s6], s20  }
0xa4: {  	_ =	swait.ge [sflag:s22], s20  }
0xa5: {  	s5 =	ssub.s32 $0x0, s20;
	[sflag:s22] =	ssyncset.done $0x0  }
0xa6: {  	[sflag:s22] =	ssyncadd.s32 s5;
	_ =	sdelay $0x1  }
0xa7: {  	s23 =	simm.s32 $0x1B8B  }
0xa8: {  	_ =	swait.ge [sflag:s23], $0x1  }
0xa9: {  	[sflag:s23] =	ssyncset.done $0x0  }
0xaa: {  	s25 =	simm.s32 $0x1B8E;
	s24 =	sld [smem:$0x3FFE];
	[sflag:s23] =	ssyncadd.s32 $0xFFFFFFFF  }
0xab: {  	s26 =	simm.s32 $execute0_lowered;
	[smem:$0x3FD2] =	sst s25  }
0xac: {  	s6 =	sshll.u32 s26, $0x1;
	_ =	strace $0x80000046;
	[dreg:$0x1] =	wrdreg $0xFFFFFFFF  }
0xad: {  	s28 =	simm.s32 $_size_execute0_lowered;
	s4 =	sadd.s32 s4, s6;
	[dreg:$0x0] =	wrdreg $0x0  }
0xae: {  	s6 =	sshll.u32 s28, $0x1;
	[dreg:$0x2] =	wrdreg s4  }
0xaf: {  	[dreg:$0x3] =	wrdreg s6  }
0xb0: {  	[dreg:$0x4] =	wrdreg $0xC0  }
0xb1: {  	_ =	task [dreg:s8], $0x5FFFF  }
0xb2: {  	[dreg:$0x1] =	wrdreg $0xFFFFFFFF  }
0xb3: {  	[dreg:$0x0] =	wrdreg $0x60  }
0xb4: {  	[dreg:$0x2] =	wrdreg s16  }
0xb5: {  	[dreg:$0x3] =	wrdreg s17  }
0xb6: {  	[dreg:$0x4] =	wrdreg s24  }
0xb7: {  	[dreg:$0x5] =	wrdreg $0x9  }
0xb8: {  	_ =	task.clear_ibuf [dreg:s8], $0x6FFFF;
	_ =	strace $0x90000046  }
0xb9: {  	s29 =	simm.s32 $0x9;
	_ =	strace $0x80000048  }
0xba: {  	_ =	swait.ge [sflag:s29], $0x1  }
0xbb: {  	[sflag:s29] =	ssyncadd.s32 $0xFFFFFFFF  }
0xbc: {  	_ =	strace $0x90000048  }
0xbd: {  	_ =	sfence  }
0xbe: {  	s30 =	sld [smem:$0x0];
	_ =	sdelay $0x2  }
0xbf: {  	s31 =	sshll.u32 s1, $0xD;
	s1 =	sshrl.u32 s1, $0x2  }
0xc0: {  	s3 =	sand.u32 $0x4000, s31;
	s1 =	sadd.s32 s1, s30  }
0xc1: {  	s0 =	sor.u32 s3, s0;
	s1 =	sshll.u32 s1, $0x11  }
0xc2: {  	s0 =	sor.u32 s1, s0  }
0xc3: {  	s0 =	sadd.s32 $0x8F2B, s0  }
0xc4: {  	[sflag:s0] =	ssyncadd.remote.s32 $0x1  }
0xc5: {  	_ =	sfence.sel $0xFFFF  }
0xc6: {  	[dreg:$0x0] =	wrdreg $0xFFFFFFFF;
	(pc) =	sbr.abs _section_cstart, $3  }
0xc7: {  	[dreg:$0x1] =	wrdreg $0xFFFFFFFF  }
0xc8: {  	_ =	task.clear_ibuf [dreg:s8], $0x2FFFF;
	_ =	strace $0x9FFFFFFF  }
0xc9: {  	(tm) =	ssettm $0x7FFFFFFF  }
tec
execute0_lowered:
.L_overlay_start_1:
0x0: {  	(tag) =	ssettag $0x1  }
0x1: {  	s3 =	rddreg [dreg:$0x0]  }
0x2: {  	s0 =	srdreg.scid;
	s2 =	stileid.u32  }
0x3: {  	s4 =	rddreg [dreg:$0x1];
	s1 =	sand.u32 $0x1, s0;
	s2 =	sshll.u32 s2, $0x1  }
0x4: {  	s0 =	rddreg [dreg:$0x2];
	s5 =	sor.u32 s1, s2;
	s2 =	simm.s32 $0x0  }
0x5: {  	s22 =	simm.s32 $0x1480;
	[smem:$0x7FF] =	sst s2  }
0x6: {  	s23 =	simm.s32 $0xA80;
	_ =	strace $0x80000047;
	[dreg:$0x8] =	wrdreg s22  }
0x7: {  	s24 =	simm.s32 $0x1E80;
	[dreg:$0x9] =	wrdreg s23  }
0x8: {  	s25 =	simm.s32 $0x100;
	[dreg:$0xa] =	wrdreg s24  }
0x9: {  	s26 =	simm.s32 $0x1500;
	[dreg:$0xb] =	wrdreg s25  }
0xa: {  	s28 =	simm.s32 $0xB00;
	[dreg:$0xc] =	wrdreg s26  }
0xb: {  	s29 =	simm.s32 $0x1F00;
	[dreg:$0xd] =	wrdreg s28  }
0xc: {  	s30 =	simm.s32 $0x180;
	[dreg:$0xe] =	wrdreg s29  }
0xd: {  	s31 =	simm.s32 $0x1580;
	[dreg:$0xf] =	wrdreg s30  }
0xe: {  	s7 =	simm.s32 $0x1600;
	[dreg:$0x10] =	wrdreg s31  }
0xf: {  	s8 =	simm.s32 $0xC00;
	[dreg:$0x14] =	wrdreg s7  }
0x10: {  	s9 =	simm.s32 $0x2000;
	[dreg:$0x15] =	wrdreg s8  }
0x11: {  	s10 =	simm.s32 $0x280;
	[dreg:$0x16] =	wrdreg s9  }
0x12: {  	s11 =	simm.s32 $0x1680;
	[dreg:$0x17] =	wrdreg s10  }
0x13: {  	s12 =	simm.s32 $0xC80;
	[dreg:$0x18] =	wrdreg s11  }
0x14: {  	s13 =	simm.s32 $0x2080;
	[dreg:$0x19] =	wrdreg s12  }
0x15: {  	s14 =	simm.s32 $0x300;
	[dreg:$0x1a] =	wrdreg s13  }
0x16: {  	s15 =	simm.s32 $0x1700;
	[dreg:$0x1b] =	wrdreg s14  }
0x17: {  	s16 =	simm.s32 $0xD00;
	[dreg:$0x1c] =	wrdreg s15  }
0x18: {  	s17 =	simm.s32 $0x2100;
	[dreg:$0x1d] =	wrdreg s16  }
0x19: {  	s18 =	simm.s32 $0x380;
	[dreg:$0x1e] =	wrdreg s17  }
0x1a: {  	[dreg:$0x1f] =	wrdreg s18;
	s22 =	simm.s32 $0x400  }
0x1b: {  	s23 =	simm.s32 $0x1800;
	[smem:$0x7ED] =	sst s22  }
0x1c: {  	s24 =	simm.s32 $0xE00;
	[smem:$0x7EC] =	sst s23  }
0x1d: {  	s25 =	simm.s32 $0x2200;
	[smem:$0x7EF] =	sst s24  }
0x1e: {  	s26 =	simm.s32 $0x480;
	[smem:$0x7EE] =	sst s25  }
0x1f: {  	s28 =	simm.s32 $0x1880;
	[smem:$0x7F1] =	sst s26  }
0x20: {  	s29 =	simm.s32 $0xE80;
	[smem:$0x7F0] =	sst s28  }
0x21: {  	s30 =	simm.s32 $0x2280;
	[smem:$0x7F2] =	sst s29  }
0x22: {  	s31 =	simm.s32 $0x500;
	[smem:$0x7E8] =	sst s30  }
0x23: {  	s7 =	simm.s32 $0x580;
	[smem:$0x7F3] =	sst s31  }
0x24: {  	s8 =	simm.s32 $0x1980;
	[smem:$0x7F5] =	sst s7  }
0x25: {  	s9 =	simm.s32 $0xF80;
	[smem:$0x7E5] =	sst s8  }
0x26: {  	s10 =	simm.s32 $0x2380;
	[smem:$0x7F6] =	sst s9  }
0x27: {  	s11 =	simm.s32 $0x600;
	[smem:$0x7E4] =	sst s10  }
0x28: {  	s12 =	simm.s32 $0x1A00;
	[smem:$0x7F7] =	sst s11  }
0x29: {  	s13 =	simm.s32 $0x1000;
	[smem:$0x7E3] =	sst s12  }
0x2a: {  	s14 =	simm.s32 $0x2400;
	[smem:$0x7F8] =	sst s13  }
0x2b: {  	s15 =	simm.s32 $0x680;
	[smem:$0x7E2] =	sst s14  }
0x2c: {  	s16 =	simm.s32 $0x1A80;
	[smem:$0x7F9] =	sst s15  }
0x2d: {  	s5 =	smul.u32 $0x140, s5;
	s17 =	simm.s32 $0x1080;
	[smem:$0x7E1] =	sst s16  }
0x2e: {  	s18 =	simm.s32 $0x2480;
	[smem:$0x7FA] =	sst s17  }
0x2f: {  	s3 =	sadd.s32 s3, s5;
	[smem:$0x7E0] =	sst s18  }
0x30: {  	s19 =	sadd.s32 s4, s5;
	[dreg:$0x4] =	wrdreg s3  }
0x31: {  	s4 =	simm.s32 $0xB80;
	[dreg:$0x5] =	wrdreg s19  }
0x32: {  	s6 =	sadd.s32 s5, s0;
	s5 =	simm.s32 $0x1F80;
	[dreg:$0x11] =	wrdreg s4  }
0x33: {  	s22 =	simm.s32 $0x2500;
	[dreg:$0x12] =	wrdreg s5  }
0x34: {  	s24 =	simm.s32 $0x780;
	[smem:$0x7DE] =	sst s22  }
0x35: {  	s20 =	sadd.s32 $0x1EC200, s6;
	[smem:$0x7FD] =	sst s24  }
0x36: {  	s21 =	sadd.s32 $0x1E9A00, s6;
	[dreg:$0x6] =	wrdreg s20  }
0x37: {  	s6 =	simm.s32 $0x200;
	[dreg:$0x7] =	wrdreg s21  }
0x38: {  	s19 =	simm.s32 $0x1780;
	[dreg:$0x13] =	wrdreg s6  }
0x39: {  	s4 =	simm.s32 $0x1900;
	[smem:$0x7E9] =	sst s19  }
0x3a: {  	s5 =	simm.s32 $0xF00;
	[smem:$0x7E7] =	sst s4  }
0x3b: {  	[smem:$0x7F4] =	sst s5  }
0x3c: {  	s20 =	simm.s32 $0xD80;
	s23 =	rddreg [dreg:$0x4]  }
0x3d: {  	s21 =	simm.s32 $0x2180;
	[smem:$0x7EB] =	sst s20  }
0x3e: {  	s6 =	simm.s32 $0x2300;
	[smem:$0x7EA] =	sst s21  }
0x3f: {  	s19 =	simm.s32 $0x700;
	[smem:$0x7E6] =	sst s6  }
0x40: {  	[smem:$0x7FB] =	sst s19;
	s20 =	simm.s32 $0x1B00  }
0x41: {  	[tilespmem:s2], [sflag:$0x3] =	stream.linear.gather [hbm4b:s23+s2], $0xA00, $0x38;
	[tilespmem:$0x2800] =	vst v63  }
0x42: {  	s21 =	simm.s32 $0x1100;
	[smem:$0x7DF] =	sst s20  }
0x43: {  	s25 =	simm.s32 $0x3;
	[smem:$0x7FC] =	sst s21  }
0x44: {  	_ =	swait.ge [sflag:s25], $0xA00  }
0x45: {  	[sflag:s25] =	ssyncset.done $0x0  }
0x46: {  	s28 =	simm.s32 $0xA00;
	s26 =	rddreg [dreg:$0x5];
	[sflag:s25] =	ssyncadd.s32 $0xFFFFF600  }
0x47: {  	[tilespmem:s28], [sflag:$0x3] =	stream.linear.gather [hbm4b:s26+s2], $0xA00, $0x38;
	[tilespmem:$0x2800] =	vst v63  }
0x48: {  	_ =	swait.ge [sflag:s25], $0xA00  }
0x49: {  	s10 =	sld [smem:$0x7DE]  }
0x4a: {  	s11 =	sld [smem:$0x7DF]  }
0x4b: {  	s12 =	sld [smem:$0x7E0]  }
0x4c: {  	s13 =	sld [smem:$0x7E1]  }
0x4d: {  	s14 =	sld [smem:$0x7E2]  }
0x4e: {  	s15 =	sld [smem:$0x7E3]  }
0x4f: {  	s16 =	sld [smem:$0x7E4]  }
0x50: {  	s17 =	sld [smem:$0x7E5]  }
0x51: {  	s18 =	sld [smem:$0x7E6]  }
0x52: {  	s19 =	sld [smem:$0x7E7]  }
0x53: {  	s20 =	sld [smem:$0x7E8]  }
0x54: {  	s21 =	rddreg [dreg:$0x8]  }
0x55: {  	s22 =	rddreg [dreg:$0xa]  }
0x56: {  	s31 =	rddreg [dreg:$0xc]  }
0x57: {  	s23 =	rddreg [dreg:$0x9]  }
0x58: {  	s3 =	rddreg [dreg:$0xe]  }
0x59: {  	s4 =	rddreg [dreg:$0xd]  }
0x5a: {  	s5 =	rddreg [dreg:$0x10]  }
0x5b: {  	s6 =	rddreg [dreg:$0xf]  }
0x5c: {  	s7 =	sadd.s32 $0x1200, s0;
	s24 =	rddreg [dreg:$0x12]  }
0x5d: {  	s8 =	simm.s32 $0x80;
	[sflag:s25] =	ssyncset.done $0x0;
	s26 =	rddreg [dreg:$0x14]  }
0x5e: {  	s29 =	simm.s32 $0x1400;
	[sflag:s25] =	ssyncadd.s32 $0xFFFFF600;
	s25 =	rddreg [dreg:$0x11]  }
0x5f: {  	[tilespmem:s29], [sflag:$0x1] =	stream.indirect.gather [hbm4b:s7+s8], $0x1, s2, s8, $0xb8;
	[tilespmem:$0x2800] =	vst v63  }
0x60: {  	s9 =	sadd.s32 $0xF5600, s0;
	s30 =	simm.s32 $0x1E00;
	s2 =	rddreg [dreg:$0xb]  }
0x61: {  	[tilespmem:s30], [sflag:$0x2] =	stream.indirect.gather [hbm4b:s9+s8], $0x1, s28, s8, $0xb8;
	[tilespmem:$0x2800] =	vst v63  }
0x62: {  	s29 =	rddreg [dreg:$0x16]  }
0x63: {  	[tilespmem:s21], [sflag:$0x1] =	stream.indirect.gather [hbm4b:s7+s8], $0x1, s8, s8, $0xb8;
	[tilespmem:$0x2800] =	vst v63  }
0x64: {  	s28 =	rddreg [dreg:$0x13]  }
0x65: {  	[tilespmem:s22], [sflag:$0x2] =	stream.indirect.gather [hbm4b:s9+s8], $0x1, s23, s8, $0xb8;
	[tilespmem:$0x2800] =	vst v63  }
0x66: {  	s30 =	rddreg [dreg:$0x15]  }
0x67: {  	[tilespmem:s31], [sflag:$0x1] =	stream.indirect.gather [hbm4b:s7+s8], $0x1, s2, s8, $0xb8;
	[tilespmem:$0x2800] =	vst v63  }
0x68: {  	s31 =	rddreg [dreg:$0x18]  }
0x69: {  	s2 =	rddreg [dreg:$0x17]  }
0x6a: {  	[tilespmem:s3], [sflag:$0x2] =	stream.indirect.gather [hbm4b:s9+s8], $0x1, s4, s8, $0xb8;
	[tilespmem:$0x2800] =	vst v63  }
0x6b: {  	s3 =	rddreg [dreg:$0x1a]  }
0x6c: {  	s4 =	rddreg [dreg:$0x19]  }
0x6d: {  	[tilespmem:s5], [sflag:$0x1] =	stream.indirect.gather [hbm4b:s7+s8], $0x1, s6, s8, $0xb8;
	[tilespmem:$0x2800] =	vst v63  }
0x6e: {  	s5 =	rddreg [dreg:$0x1c]  }
0x6f: {  	s6 =	rddreg [dreg:$0x1b]  }
0x70: {  	[tilespmem:s24], [sflag:$0x2] =	stream.indirect.gather [hbm4b:s9+s8], $0x1, s25, s8, $0xb8;
	[tilespmem:$0x2800] =	vst v63  }
0x71: {  	s24 =	rddreg [dreg:$0x1e]  }
0x72: {  	s25 =	rddreg [dreg:$0x1d]  }
0x73: {  	[tilespmem:s26], [sflag:$0x1] =	stream.indirect.gather [hbm4b:s7+s8], $0x1, s28, s8, $0xb8;
	[tilespmem:$0x2800] =	vst v63  }
0x74: {  	s26 =	sld [smem:$0x7E9]  }
0x75: {  	s28 =	rddreg [dreg:$0x1f]  }
0x76: {  	[tilespmem:s29], [sflag:$0x2] =	stream.indirect.gather [hbm4b:s9+s8], $0x1, s30, s8, $0xb8;
	[tilespmem:$0x2800] =	vst v63  }
0x77: {  	s29 =	sld [smem:$0x7EA]  }
0x78: {  	[tilespmem:s31], [sflag:$0x1] =	stream.indirect.gather [hbm4b:s7+s8], $0x1, s2, s8, $0xb8;
	[tilespmem:$0x2800] =	vst v63  }
0x79: {  	s30 =	sld [smem:$0x7EB]  }
0x7a: {  	[tilespmem:s3], [sflag:$0x2] =	stream.indirect.gather [hbm4b:s9+s8], $0x1, s4, s8, $0xb8;
	[tilespmem:$0x2800] =	vst v63  }
0x7b: {  	s31 =	sld [smem:$0x7EC]  }
0x7c: {  	[tilespmem:s5], [sflag:$0x1] =	stream.indirect.gather [hbm4b:s7+s8], $0x1, s6, s8, $0xb8;
	[tilespmem:$0x2800] =	vst v63  }
0x7d: {  	s2 =	sld [smem:$0x7ED]  }
0x7e: {  	[tilespmem:s24], [sflag:$0x2] =	stream.indirect.gather [hbm4b:s9+s8], $0x1, s25, s8, $0xb8;
	[tilespmem:$0x2800] =	vst v63  }
0x7f: {  	s3 =	sld [smem:$0x7EE]  }
0x80: {  	[tilespmem:s26], [sflag:$0x1] =	stream.indirect.gather [hbm4b:s7+s8], $0x1, s28, s8, $0xb8;
	[tilespmem:$0x2800] =	vst v63  }
0x81: {  	s4 =	sld [smem:$0x7EF]  }
0x82: {  	[tilespmem:s29], [sflag:$0x2] =	stream.indirect.gather [hbm4b:s9+s8], $0x1, s30, s8, $0xb8;
	[tilespmem:$0x2800] =	vst v63  }
0x83: {  	s5 =	sld [smem:$0x7F0]  }
0x84: {  	[tilespmem:s31], [sflag:$0x1] =	stream.indirect.gather [hbm4b:s7+s8], $0x1, s2, s8, $0xb8;
	[tilespmem:$0x2800] =	vst v63  }
0x85: {  	s6 =	sld [smem:$0x7F1]  }
0x86: {  	[tilespmem:s3], [sflag:$0x2] =	stream.indirect.gather [hbm4b:s9+s8], $0x1, s4, s8, $0xb8;
	[tilespmem:$0x2800] =	vst v63  }
0x87: {  	s24 =	sld [smem:$0x7F2]  }
0x88: {  	[tilespmem:s5], [sflag:$0x1] =	stream.indirect.gather [hbm4b:s7+s8], $0x1, s6, s8, $0xb8;
	[tilespmem:$0x2800] =	vst v63  }
0x89: {  	s25 =	sld [smem:$0x7F3]  }
0x8a: {  	[tilespmem:s20], [sflag:$0x2] =	stream.indirect.gather [hbm4b:s9+s8], $0x1, s24, s8, $0xb8;
	[tilespmem:$0x2800] =	vst v63  }
0x8b: {  	s26 =	sld [smem:$0x7F4]  }
0x8c: {  	[tilespmem:s19], [sflag:$0x1] =	stream.indirect.gather [hbm4b:s7+s8], $0x1, s25, s8, $0xb8;
	[tilespmem:$0x2800] =	vst v63  }
0x8d: {  	s28 =	sld [smem:$0x7F5]  }
0x8e: {  	[tilespmem:s18], [sflag:$0x2] =	stream.indirect.gather [hbm4b:s9+s8], $0x1, s26, s8, $0xb8;
	[tilespmem:$0x2800] =	vst v63  }
0x8f: {  	s29 =	sld [smem:$0x7F6]  }
0x90: {  	[tilespmem:s17], [sflag:$0x1] =	stream.indirect.gather [hbm4b:s7+s8], $0x1, s28, s8, $0xb8;
	[tilespmem:$0x2800] =	vst v63  }
0x91: {  	s30 =	sld [smem:$0x7F7]  }
0x92: {  	[tilespmem:s16], [sflag:$0x2] =	stream.indirect.gather [hbm4b:s9+s8], $0x1, s29, s8, $0xb8;
	[tilespmem:$0x2800] =	vst v63  }
0x93: {  	s31 =	sld [smem:$0x7F8]  }
0x94: {  	[tilespmem:s15], [sflag:$0x1] =	stream.indirect.gather [hbm4b:s7+s8], $0x1, s30, s8, $0xb8;
	[tilespmem:$0x2800] =	vst v63  }
0x95: {  	s2 =	sld [smem:$0x7F9]  }
0x96: {  	[tilespmem:s14], [sflag:$0x2] =	stream.indirect.gather [hbm4b:s9+s8], $0x1, s31, s8, $0xb8;
	[tilespmem:$0x2800] =	vst v63  }
0x97: {  	s3 =	sld [smem:$0x7FA]  }
0x98: {  	[tilespmem:s13], [sflag:$0x1] =	stream.indirect.gather [hbm4b:s7+s8], $0x1, s2, s8, $0xb8;
	[tilespmem:$0x2800] =	vst v63  }
0x99: {  	s4 =	sld [smem:$0x7FB]  }
0x9a: {  	[tilespmem:s12], [sflag:$0x2] =	stream.indirect.gather [hbm4b:s9+s8], $0x1, s3, s8, $0xb8;
	[tilespmem:$0x2800] =	vst v63  }
0x9b: {  	s5 =	sld [smem:$0x7FC]  }
0x9c: {  	[tilespmem:s11], [sflag:$0x1] =	stream.indirect.gather [hbm4b:s7+s8], $0x1, s4, s8, $0xb8;
	[tilespmem:$0x2800] =	vst v63  }
0x9d: {  	s6 =	sld [smem:$0x7FD]  }
0x9e: {  	[tilespmem:s10], [sflag:$0x2] =	stream.indirect.gather [hbm4b:s9+s8], $0x1, s5, s8, $0xb8;
	[tilespmem:$0x2800] =	vst v63  }
0x9f: {  	s11 =	simm.s32 $0x1B80  }
0xa0: {  	[tilespmem:s11], [sflag:$0x1] =	stream.indirect.gather [hbm4b:s7+s8], $0x1, s6, s8, $0xb8;
	[tilespmem:$0x2800] =	vst v63  }
0xa1: {  	s13 =	simm.s32 $0x2580;
	s12 =	simm.s32 $0x1180  }
0xa2: {  	[tilespmem:s13], [sflag:$0x2] =	stream.indirect.gather [hbm4b:s9+s8], $0x1, s12, s8, $0xb8;
	[tilespmem:$0x2800] =	vst v63  }
0xa3: {  	s15 =	simm.s32 $0x1C00;
	s14 =	simm.s32 $0x800  }
0xa4: {  	[tilespmem:s15], [sflag:$0x1] =	stream.indirect.gather [hbm4b:s7+s8], $0x1, s14, s8, $0xb8;
	[tilespmem:$0x2800] =	vst v63  }
0xa5: {  	s17 =	simm.s32 $0x2600;
	s16 =	simm.s32 $0x1200  }
0xa6: {  	[tilespmem:s17], [sflag:$0x2] =	stream.indirect.gather [hbm4b:s9+s8], $0x1, s16, s8, $0xb8;
	[tilespmem:$0x2800] =	vst v63  }
0xa7: {  	s19 =	simm.s32 $0x1C80;
	s18 =	simm.s32 $0x880  }
0xa8: {  	[tilespmem:s19], [sflag:$0x1] =	stream.indirect.gather [hbm4b:s7+s8], $0x1, s18, s8, $0xb8;
	[tilespmem:$0x2800] =	vst v63  }
0xa9: {  	s21 =	simm.s32 $0x2680;
	s20 =	simm.s32 $0x1280  }
0xaa: {  	[tilespmem:s21], [sflag:$0x2] =	stream.indirect.gather [hbm4b:s9+s8], $0x1, s20, s8, $0xb8;
	[tilespmem:$0x2800] =	vst v63  }
0xab: {  	s22 =	simm.s32 $0x900;
	s23 =	simm.s32 $0x1D00  }
0xac: {  	[tilespmem:s23], [sflag:$0x1] =	stream.indirect.gather [hbm4b:s7+s8], $0x1, s22, s8, $0xb8;
	[tilespmem:$0x2800] =	vst v63  }
0xad: {  	s24 =	simm.s32 $0x1300;
	s25 =	simm.s32 $0x2700  }
0xae: {  	[tilespmem:s25], [sflag:$0x2] =	stream.indirect.gather [hbm4b:s9+s8], $0x1, s24, s8, $0xb8;
	[tilespmem:$0x2800] =	vst v63  }
0xaf: {  	s26 =	simm.s32 $0x980;
	s28 =	simm.s32 $0x1D80  }
0xb0: {  	[tilespmem:s28], [sflag:$0x1] =	stream.indirect.gather [hbm4b:s7+s8], $0x1, s26, s8, $0xb8;
	[tilespmem:$0x2800] =	vst v63  }
0xb1: {  	s29 =	simm.s32 $0x1380;
	s30 =	simm.s32 $0x2780;
	s20 =	simm.s32 $0x1  }
0xb2: {  	[tilespmem:s30], [sflag:$0x2] =	stream.indirect.gather [hbm4b:s9+s8], $0x1, s29, s8, $0xb8;
	[tilespmem:$0x2800] =	vst v63  }
0xb3: {  	_ =	swait.ge [sflag:s20], $0x80  }
0xb4: {  	[sflag:s20] =	ssyncset.done $0x0  }
0xb5: {  	s21 =	simm.s32 $0x2;
	[sflag:s20] =	ssyncadd.s32 $0xFFFFFF80  }
0xb6: {  	_ =	swait.ge [sflag:s21], $0x80  }
0xb7: {  	[sflag:s21] =	ssyncset.done $0x0  }
0xb8: {  	[sflag:s21] =	ssyncadd.s32 $0xFFFFFF80  }
0xb9: {  	_ =	swait.ge [sflag:s20], $0x80  }
0xba: {  	[sflag:s20] =	ssyncset.done $0x0  }
0xbb: {  	[sflag:s20] =	ssyncadd.s32 $0xFFFFFF80  }
0xbc: {  	_ =	swait.ge [sflag:s21], $0x80  }
0xbd: {  	[sflag:s21] =	ssyncset.done $0x0  }
0xbe: {  	[sflag:s21] =	ssyncadd.s32 $0xFFFFFF80  }
0xbf: {  	_ =	swait.ge [sflag:s20], $0x80  }
0xc0: {  	[sflag:s20] =	ssyncset.done $0x0  }
0xc1: {  	[sflag:s20] =	ssyncadd.s32 $0xFFFFFF80  }
0xc2: {  	_ =	swait.ge [sflag:s21], $0x80  }
0xc3: {  	[sflag:s21] =	ssyncset.done $0x0  }
0xc4: {  	[sflag:s21] =	ssyncadd.s32 $0xFFFFFF80  }
0xc5: {  	_ =	swait.ge [sflag:s20], $0x80  }
0xc6: {  	[sflag:s20] =	ssyncset.done $0x0  }
0xc7: {  	[sflag:s20] =	ssyncadd.s32 $0xFFFFFF80  }
0xc8: {  	_ =	swait.ge [sflag:s21], $0x80  }
0xc9: {  	[sflag:s21] =	ssyncset.done $0x0  }
0xca: {  	[sflag:s21] =	ssyncadd.s32 $0xFFFFFF80  }
0xcb: {  	_ =	swait.ge [sflag:s20], $0x80  }
0xcc: {  	[sflag:s20] =	ssyncset.done $0x0  }
0xcd: {  	[sflag:s20] =	ssyncadd.s32 $0xFFFFFF80  }
0xce: {  	_ =	swait.ge [sflag:s21], $0x80  }
0xcf: {  	[sflag:s21] =	ssyncset.done $0x0  }
0xd0: {  	[sflag:s21] =	ssyncadd.s32 $0xFFFFFF80  }
0xd1: {  	_ =	swait.ge [sflag:s20], $0x80  }
0xd2: {  	[sflag:s20] =	ssyncset.done $0x0  }
0xd3: {  	[sflag:s20] =	ssyncadd.s32 $0xFFFFFF80  }
0xd4: {  	_ =	swait.ge [sflag:s21], $0x80  }
0xd5: {  	[sflag:s21] =	ssyncset.done $0x0  }
0xd6: {  	[sflag:s21] =	ssyncadd.s32 $0xFFFFFF80  }
0xd7: {  	_ =	swait.ge [sflag:s20], $0x80  }
0xd8: {  	[sflag:s20] =	ssyncset.done $0x0  }
0xd9: {  	[sflag:s20] =	ssyncadd.s32 $0xFFFFFF80  }
0xda: {  	_ =	swait.ge [sflag:s21], $0x80  }
0xdb: {  	[sflag:s21] =	ssyncset.done $0x0  }
0xdc: {  	[sflag:s21] =	ssyncadd.s32 $0xFFFFFF80  }
0xdd: {  	_ =	swait.ge [sflag:s20], $0x80  }
0xde: {  	[sflag:s20] =	ssyncset.done $0x0  }
0xdf: {  	[sflag:s20] =	ssyncadd.s32 $0xFFFFFF80  }
0xe0: {  	_ =	swait.ge [sflag:s21], $0x80  }
0xe1: {  	[sflag:s21] =	ssyncset.done $0x0  }
0xe2: {  	[sflag:s21] =	ssyncadd.s32 $0xFFFFFF80  }
0xe3: {  	_ =	swait.ge [sflag:s20], $0x80  }
0xe4: {  	[sflag:s20] =	ssyncset.done $0x0  }
0xe5: {  	[sflag:s20] =	ssyncadd.s32 $0xFFFFFF80  }
0xe6: {  	_ =	swait.ge [sflag:s21], $0x80  }
0xe7: {  	[sflag:s21] =	ssyncset.done $0x0  }
0xe8: {  	[sflag:s21] =	ssyncadd.s32 $0xFFFFFF80  }
0xe9: {  	_ =	swait.ge [sflag:s20], $0x80  }
0xea: {  	[sflag:s20] =	ssyncset.done $0x0  }
0xeb: {  	[sflag:s20] =	ssyncadd.s32 $0xFFFFFF80  }
0xec: {  	_ =	swait.ge [sflag:s21], $0x80  }
0xed: {  	[sflag:s21] =	ssyncset.done $0x0  }
0xee: {  	[sflag:s21] =	ssyncadd.s32 $0xFFFFFF80  }
0xef: {  	_ =	swait.ge [sflag:s20], $0x80  }
0xf0: {  	[sflag:s20] =	ssyncset.done $0x0  }
0xf1: {  	[sflag:s20] =	ssyncadd.s32 $0xFFFFFF80  }
0xf2: {  	_ =	swait.ge [sflag:s21], $0x80  }
0xf3: {  	[sflag:s21] =	ssyncset.done $0x0  }
0xf4: {  	[sflag:s21] =	ssyncadd.s32 $0xFFFFFF80  }
0xf5: {  	_ =	swait.ge [sflag:s20], $0x80  }
0xf6: {  	[sflag:s20] =	ssyncset.done $0x0  }
0xf7: {  	[sflag:s20] =	ssyncadd.s32 $0xFFFFFF80  }
0xf8: {  	_ =	swait.ge [sflag:s21], $0x80  }
0xf9: {  	[sflag:s21] =	ssyncset.done $0x0  }
0xfa: {  	[sflag:s21] =	ssyncadd.s32 $0xFFFFFF80  }
0xfb: {  	_ =	swait.ge [sflag:s20], $0x80  }
0xfc: {  	[sflag:s20] =	ssyncset.done $0x0  }
0xfd: {  	[sflag:s20] =	ssyncadd.s32 $0xFFFFFF80  }
0xfe: {  	_ =	swait.ge [sflag:s21], $0x80  }
0xff: {  	[sflag:s21] =	ssyncset.done $0x0  }
0x100: {  	[sflag:s21] =	ssyncadd.s32 $0xFFFFFF80  }
0x101: {  	_ =	swait.ge [sflag:s20], $0x80  }
0x102: {  	[sflag:s20] =	ssyncset.done $0x0  }
0x103: {  	[sflag:s20] =	ssyncadd.s32 $0xFFFFFF80  }
0x104: {  	_ =	swait.ge [sflag:s21], $0x80  }
0x105: {  	[sflag:s21] =	ssyncset.done $0x0  }
0x106: {  	[sflag:s21] =	ssyncadd.s32 $0xFFFFFF80  }
0x107: {  	_ =	swait.ge [sflag:s20], $0x80  }
0x108: {  	[sflag:s20] =	ssyncset.done $0x0  }
0x109: {  	[sflag:s20] =	ssyncadd.s32 $0xFFFFFF80  }
0x10a: {  	_ =	swait.ge [sflag:s21], $0x80  }
0x10b: {  	[sflag:s21] =	ssyncset.done $0x0  }
0x10c: {  	[sflag:s21] =	ssyncadd.s32 $0xFFFFFF80  }
0x10d: {  	_ =	swait.ge [sflag:s20], $0x80  }
0x10e: {  	[sflag:s20] =	ssyncset.done $0x0  }
0x10f: {  	[sflag:s20] =	ssyncadd.s32 $0xFFFFFF80  }
0x110: {  	s31 =	ssub.s32 $0x2, s1;
	_ =	swait.ge [sflag:s21], $0x80  }
0x111: {  	s1 =	sshrl.u32 s31, $0x1;
	[sflag:s21] =	ssyncset.done $0x0  }
0x112: {  	s0 =	ssub.s32 s31, s1;
	[sflag:s21] =	ssyncadd.s32 $0xFFFFFF80  }
0x113: {  	s0 =	smax.u32 s0, $0x1;
	_ =	swait.ge [sflag:s20], $0x80  }
0x114: {  	p0 =	sne.s32 s0, $0x1;
	[sflag:s20] =	ssyncset.done $0x0  }
.Ltmp0:
0x115: {  	[sflag:s20] =	ssyncadd.s32 $0xFFFFFF80;
	(pc) =	sbr.rel @!p0 .LBB2_3-.Ltmp0, $4  }
0x116: {  	_ =	swait.ge [sflag:s21], $0x80  }
0x117: {  	[sflag:s21] =	ssyncset.done $0x0  }
0x118: {  	[sflag:s21] =	ssyncadd.s32 $0xFFFFFF80  }
0x119: {  	s14 =	sadd.s32 $0xFFFFFFFF, s0;
	_ =	swait.ge [sflag:s20], $0x80  }
0x11a: {  	s13 =	simm.s32 $0x1400;
	s12 =	simm.s32 $0xA00  }
.LBB2_2:
0x11b: {  	[sflag:s20] =	ssyncset.done $0x0  }
0x11c: {  	[sflag:s20] =	ssyncadd.s32 $0xFFFFFF80  }
0x11d: {  	_ =	swait.ge [sflag:s21], $0x80  }
0x11e: {  	[sflag:s21] =	ssyncset.done $0x0  }
0x11f: {  	[sflag:s21] =	ssyncadd.s32 $0xFFFFFF80  }
0x120: {  	_ =	swait.ge [sflag:s20], $0x80  }
0x121: {  	[sflag:s20] =	ssyncset.done $0x0  }
0x122: {  	[sflag:s20] =	ssyncadd.s32 $0xFFFFFF80  }
0x123: {  	_ =	swait.ge [sflag:s21], $0x80  }
0x124: {  	[sflag:s21] =	ssyncset.done $0x0  }
0x125: {  	[sflag:s21] =	ssyncadd.s32 $0xFFFFFF80  }
0x126: {  	_ =	swait.ge [sflag:s20], $0x80  }
0x127: {  	[sflag:s20] =	ssyncset.done $0x0  }
0x128: {  	[sflag:s20] =	ssyncadd.s32 $0xFFFFFF80  }
0x129: {  	_ =	swait.ge [sflag:s21], $0x80  }
0x12a: {  	s10 =	simm.s32 $0x0;
	[sflag:s21] =	ssyncset.done $0x0  }
0x12b: {  	s1 =	simm.s32 $0x3;
	s0 =	rddreg [dreg:$0x6];
	[sflag:s21] =	ssyncadd.s32 $0xFFFFFF80  }
0x12c: {  	[hbm4b:s0+s10] =	stream.linear.scatter [tilespmem:s13], [sflag:$0x3], $0xA00, $0x38;
	[tilespmem:$0x2800] =	vst v63  }
0x12d: {  	_ =	swait.ge [sflag:s1], $0xA00  }
0x12e: {  	[sflag:s1] =	ssyncset.done $0x0  }
0x12f: {  	s11 =	simm.s32 $0x1E00;
	s28 =	rddreg [dreg:$0x7];
	[sflag:s1] =	ssyncadd.s32 $0xFFFFF600  }
0x130: {  	[hbm4b:s28+s10] =	stream.linear.scatter [tilespmem:s11], [sflag:$0x3], $0xA00, $0x38;
	[tilespmem:$0x2800] =	vst v63  }
0x131: {  	_ =	swait.ge [sflag:s1], $0xA00  }
0x132: {  	[sflag:s1] =	ssyncset.done $0x0  }
0x133: {  	s29 =	rddreg [dreg:$0x4];
	[sflag:s1] =	ssyncadd.s32 $0xFFFFF600  }
0x134: {  	[tilespmem:s10], [sflag:$0x3] =	stream.linear.gather [hbm4b:s29+s10], $0xA00, $0x38;
	[tilespmem:$0x2800] =	vst v63  }
0x135: {  	_ =	swait.ge [sflag:s1], $0xA00  }
0x136: {  	[sflag:s1] =	ssyncset.done $0x0  }
0x137: {  	s30 =	rddreg [dreg:$0x5];
	[sflag:s1] =	ssyncadd.s32 $0xFFFFF600  }
0x138: {  	[tilespmem:s12], [sflag:$0x3] =	stream.linear.gather [hbm4b:s30+s10], $0xA00, $0x38;
	[tilespmem:$0x2800] =	vst v63  }
0x139: {  	_ =	swait.ge [sflag:s1], $0xA00  }
0x13a: {  	s31 =	sld [smem:$0x7DE]  }
0x13b: {  	s2 =	sld [smem:$0x7DF]  }
0x13c: {  	s3 =	sld [smem:$0x7E0]  }
0x13d: {  	s4 =	sld [smem:$0x7E1]  }
0x13e: {  	s5 =	sld [smem:$0x7E2]  }
0x13f: {  	s6 =	sld [smem:$0x7E3]  }
0x140: {  	s15 =	sld [smem:$0x7E4]  }
0x141: {  	s16 =	sld [smem:$0x7E5]  }
0x142: {  	s17 =	sld [smem:$0x7E6]  }
0x143: {  	s18 =	sld [smem:$0x7E7]  }
0x144: {  	s19 =	sld [smem:$0x7E8]  }
0x145: {  	s22 =	sld [smem:$0x7F0]  }
0x146: {  	s23 =	sld [smem:$0x7EE]  }
0x147: {  	s24 =	sld [smem:$0x7EC]  }
0x148: {  	s25 =	sld [smem:$0x7EA]  }
0x149: {  	s26 =	sld [smem:$0x7E9]  }
0x14a: {  	s28 =	rddreg [dreg:$0x1e]  }
0x14b: {  	s29 =	rddreg [dreg:$0x1c]  }
0x14c: {  	s30 =	rddreg [dreg:$0x1a]  }
0x14d: {  	[sflag:s1] =	ssyncset.done $0x0;
	s0 =	rddreg [dreg:$0xa]  }
0x14e: {  	[sflag:s1] =	ssyncadd.s32 $0xFFFFF600;
	s1 =	rddreg [dreg:$0xc]  }
0x14f: {  	[tilespmem:s13], [sflag:$0x1] =	stream.indirect.gather [hbm4b:s7+s8], $0x1, s10, s8, $0xb8;
	[tilespmem:$0x2800] =	vst v63  }
0x150: {  	s10 =	rddreg [dreg:$0xe]  }
0x151: {  	[smem:$0x7DD] =	sst s31  }
0x152: {  	[smem:$0x7DC] =	sst s2  }
0x153: {  	[smem:$0x7DB] =	sst s3  }
0x154: {  	[smem:$0x7DA] =	sst s4  }
0x155: {  	[smem:$0x7D9] =	sst s5  }
0x156: {  	[smem:$0x7D8] =	sst s6  }
0x157: {  	s31 =	rddreg [dreg:$0x18]  }
0x158: {  	s4 =	rddreg [dreg:$0x16]  }
0x159: {  	s5 =	rddreg [dreg:$0x14]  }
0x15a: {  	s6 =	rddreg [dreg:$0x12]  }
0x15b: {  	s2 =	rddreg [dreg:$0x10]  }
0x15c: {  	s3 =	rddreg [dreg:$0x8]  }
0x15d: {  	[tilespmem:s11], [sflag:$0x2] =	stream.indirect.gather [hbm4b:s9+s8], $0x1, s12, s8, $0xb8;
	[tilespmem:$0x2800] =	vst v63  }
0x15e: {  	s11 =	rddreg [dreg:$0x9]  }
0x15f: {  	[tilespmem:s3], [sflag:$0x1] =	stream.indirect.gather [hbm4b:s7+s8], $0x1, s8, s8, $0xb8;
	[tilespmem:$0x2800] =	vst v63  }
0x160: {  	s3 =	rddreg [dreg:$0xb]  }
0x161: {  	[tilespmem:s0], [sflag:$0x2] =	stream.indirect.gather [hbm4b:s9+s8], $0x1, s11, s8, $0xb8;
	[tilespmem:$0x2800] =	vst v63  }
0x162: {  	s11 =	rddreg [dreg:$0xd]  }
0x163: {  	[tilespmem:s1], [sflag:$0x1] =	stream.indirect.gather [hbm4b:s7+s8], $0x1, s3, s8, $0xb8;
	[tilespmem:$0x2800] =	vst v63  }
0x164: {  	s3 =	rddreg [dreg:$0xf]  }
0x165: {  	[tilespmem:s10], [sflag:$0x2] =	stream.indirect.gather [hbm4b:s9+s8], $0x1, s11, s8, $0xb8;
	[tilespmem:$0x2800] =	vst v63  }
0x166: {  	s11 =	rddreg [dreg:$0x11]  }
0x167: {  	s10 =	rddreg [dreg:$0x1b]  }
0x168: {  	[tilespmem:s2], [sflag:$0x1] =	stream.indirect.gather [hbm4b:s7+s8], $0x1, s3, s8, $0xb8;
	[tilespmem:$0x2800] =	vst v63  }
0x169: {  	s2 =	rddreg [dreg:$0x13]  }
0x16a: {  	s3 =	rddreg [dreg:$0x15]  }
0x16b: {  	[tilespmem:s6], [sflag:$0x2] =	stream.indirect.gather [hbm4b:s9+s8], $0x1, s11, s8, $0xb8;
	[tilespmem:$0x2800] =	vst v63  }
0x16c: {  	s6 =	rddreg [dreg:$0x19]  }
0x16d: {  	s11 =	rddreg [dreg:$0x1d]  }
0x16e: {  	[tilespmem:s5], [sflag:$0x1] =	stream.indirect.gather [hbm4b:s7+s8], $0x1, s2, s8, $0xb8;
	[tilespmem:$0x2800] =	vst v63  }
0x16f: {  	s5 =	rddreg [dreg:$0x17]  }
0x170: {  	s2 =	sld [smem:$0x7EF]  }
0x171: {  	[tilespmem:s4], [sflag:$0x2] =	stream.indirect.gather [hbm4b:s9+s8], $0x1, s3, s8, $0xb8;
	[tilespmem:$0x2800] =	vst v63  }
0x172: {  	s3 =	sld [smem:$0x7F1]  }
0x173: {  	s4 =	sld [smem:$0x7F2]  }
0x174: {  	[tilespmem:s31], [sflag:$0x1] =	stream.indirect.gather [hbm4b:s7+s8], $0x1, s5, s8, $0xb8;
	[tilespmem:$0x2800] =	vst v63  }
0x175: {  	s31 =	sld [smem:$0x7ED]  }
0x176: {  	s5 =	sld [smem:$0x7F3]  }
0x177: {  	[tilespmem:s30], [sflag:$0x2] =	stream.indirect.gather [hbm4b:s9+s8], $0x1, s6, s8, $0xb8;
	[tilespmem:$0x2800] =	vst v63  }
0x178: {  	s30 =	sld [smem:$0x7EB]  }
0x179: {  	[tilespmem:s29], [sflag:$0x1] =	stream.indirect.gather [hbm4b:s7+s8], $0x1, s10, s8, $0xb8;
	[tilespmem:$0x2800] =	vst v63  }
0x17a: {  	s6 =	sld [smem:$0x7F4]  }
0x17b: {  	[tilespmem:s28], [sflag:$0x2] =	stream.indirect.gather [hbm4b:s9+s8], $0x1, s11, s8, $0xb8;
	[tilespmem:$0x2800] =	vst v63  }
0x17c: {  	s29 =	rddreg [dreg:$0x1f]  }
0x17d: {  	[tilespmem:s26], [sflag:$0x1] =	stream.indirect.gather [hbm4b:s7+s8], $0x1, s29, s8, $0xb8;
	[tilespmem:$0x2800] =	vst v63  }
0x17e: {  	s10 =	sld [smem:$0x7F5]  }
0x17f: {  	[tilespmem:s25], [sflag:$0x2] =	stream.indirect.gather [hbm4b:s9+s8], $0x1, s30, s8, $0xb8;
	[tilespmem:$0x2800] =	vst v63  }
0x180: {  	s11 =	sld [smem:$0x7F6]  }
0x181: {  	[tilespmem:s24], [sflag:$0x1] =	stream.indirect.gather [hbm4b:s7+s8], $0x1, s31, s8, $0xb8;
	[tilespmem:$0x2800] =	vst v63  }
0x182: {  	s28 =	sld [smem:$0x7DB]  }
0x183: {  	[tilespmem:s23], [sflag:$0x2] =	stream.indirect.gather [hbm4b:s9+s8], $0x1, s2, s8, $0xb8;
	[tilespmem:$0x2800] =	vst v63  }
0x184: {  	s26 =	sld [smem:$0x7FB]  }
0x185: {  	[tilespmem:s22], [sflag:$0x1] =	stream.indirect.gather [hbm4b:s7+s8], $0x1, s3, s8, $0xb8;
	[tilespmem:$0x2800] =	vst v63  }
0x186: {  	s29 =	sld [smem:$0x7FC]  }
0x187: {  	[tilespmem:s19], [sflag:$0x2] =	stream.indirect.gather [hbm4b:s9+s8], $0x1, s4, s8, $0xb8;
	[tilespmem:$0x2800] =	vst v63  }
0x188: {  	s25 =	sld [smem:$0x7DA]  }
0x189: {  	[tilespmem:s18], [sflag:$0x1] =	stream.indirect.gather [hbm4b:s7+s8], $0x1, s5, s8, $0xb8;
	[tilespmem:$0x2800] =	vst v63  }
0x18a: {  	s23 =	sld [smem:$0x7D9]  }
0x18b: {  	[tilespmem:s17], [sflag:$0x2] =	stream.indirect.gather [hbm4b:s9+s8], $0x1, s6, s8, $0xb8;
	[tilespmem:$0x2800] =	vst v63  }
0x18c: {  	s19 =	sld [smem:$0x7D8]  }
0x18d: {  	[tilespmem:s16], [sflag:$0x1] =	stream.indirect.gather [hbm4b:s7+s8], $0x1, s10, s8, $0xb8;
	[tilespmem:$0x2800] =	vst v63  }
0x18e: {  	s17 =	sld [smem:$0x7F7]  }
0x18f: {  	[tilespmem:s15], [sflag:$0x2] =	stream.indirect.gather [hbm4b:s9+s8], $0x1, s11, s8, $0xb8;
	[tilespmem:$0x2800] =	vst v63  }
0x190: {  	s18 =	sld [smem:$0x7F8]  }
0x191: {  	[tilespmem:s19], [sflag:$0x1] =	stream.indirect.gather [hbm4b:s7+s8], $0x1, s17, s8, $0xb8;
	[tilespmem:$0x2800] =	vst v63  }
0x192: {  	s22 =	sld [smem:$0x7F9]  }
0x193: {  	[tilespmem:s23], [sflag:$0x2] =	stream.indirect.gather [hbm4b:s9+s8], $0x1, s18, s8, $0xb8;
	[tilespmem:$0x2800] =	vst v63  }
0x194: {  	s24 =	sld [smem:$0x7FA]  }
0x195: {  	[tilespmem:s25], [sflag:$0x1] =	stream.indirect.gather [hbm4b:s7+s8], $0x1, s22, s8, $0xb8;
	[tilespmem:$0x2800] =	vst v63  }
0x196: {  	s30 =	sld [smem:$0x7DC]  }
0x197: {  	[tilespmem:s28], [sflag:$0x2] =	stream.indirect.gather [hbm4b:s9+s8], $0x1, s24, s8, $0xb8;
	[tilespmem:$0x2800] =	vst v63  }
0x198: {  	s3 =	sld [smem:$0x7DD]  }
0x199: {  	[tilespmem:s30], [sflag:$0x1] =	stream.indirect.gather [hbm4b:s7+s8], $0x1, s26, s8, $0xb8;
	[tilespmem:$0x2800] =	vst v63  }
0x19a: {  	s31 =	sld [smem:$0x7FD]  }
0x19b: {  	[tilespmem:s3], [sflag:$0x2] =	stream.indirect.gather [hbm4b:s9+s8], $0x1, s29, s8, $0xb8;
	[tilespmem:$0x2800] =	vst v63  }
0x19c: {  	s4 =	simm.s32 $0x1B80  }
0x19d: {  	[tilespmem:s4], [sflag:$0x1] =	stream.indirect.gather [hbm4b:s7+s8], $0x1, s31, s8, $0xb8;
	[tilespmem:$0x2800] =	vst v63  }
0x19e: {  	s5 =	simm.s32 $0x1180;
	s6 =	simm.s32 $0x2580  }
0x19f: {  	[tilespmem:s6], [sflag:$0x2] =	stream.indirect.gather [hbm4b:s9+s8], $0x1, s5, s8, $0xb8;
	[tilespmem:$0x2800] =	vst v63  }
0x1a0: {  	s10 =	simm.s32 $0x800;
	s11 =	simm.s32 $0x1C00  }
0x1a1: {  	[tilespmem:s11], [sflag:$0x1] =	stream.indirect.gather [hbm4b:s7+s8], $0x1, s10, s8, $0xb8;
	[tilespmem:$0x2800] =	vst v63  }
0x1a2: {  	s16 =	simm.s32 $0x2600;
	s15 =	simm.s32 $0x1200  }
0x1a3: {  	[tilespmem:s16], [sflag:$0x2] =	stream.indirect.gather [hbm4b:s9+s8], $0x1, s15, s8, $0xb8;
	[tilespmem:$0x2800] =	vst v63  }
0x1a4: {  	s17 =	simm.s32 $0x880;
	s18 =	simm.s32 $0x1C80  }
0x1a5: {  	[tilespmem:s18], [sflag:$0x1] =	stream.indirect.gather [hbm4b:s7+s8], $0x1, s17, s8, $0xb8;
	[tilespmem:$0x2800] =	vst v63  }
0x1a6: {  	s19 =	simm.s32 $0x1280;
	s22 =	simm.s32 $0x2680  }
0x1a7: {  	[tilespmem:s22], [sflag:$0x2] =	stream.indirect.gather [hbm4b:s9+s8], $0x1, s19, s8, $0xb8;
	[tilespmem:$0x2800] =	vst v63  }
0x1a8: {  	s23 =	simm.s32 $0x900;
	s24 =	simm.s32 $0x1D00  }
0x1a9: {  	[tilespmem:s24], [sflag:$0x1] =	stream.indirect.gather [hbm4b:s7+s8], $0x1, s23, s8, $0xb8;
	[tilespmem:$0x2800] =	vst v63  }
0x1aa: {  	s25 =	simm.s32 $0x1300;
	s26 =	simm.s32 $0x2700  }
0x1ab: {  	[tilespmem:s26], [sflag:$0x2] =	stream.indirect.gather [hbm4b:s9+s8], $0x1, s25, s8, $0xb8;
	[tilespmem:$0x2800] =	vst v63  }
0x1ac: {  	s28 =	simm.s32 $0x980;
	s29 =	simm.s32 $0x1D80  }
0x1ad: {  	[tilespmem:s29], [sflag:$0x1] =	stream.indirect.gather [hbm4b:s7+s8], $0x1, s28, s8, $0xb8;
	[tilespmem:$0x2800] =	vst v63  }
0x1ae: {  	s30 =	simm.s32 $0x1380;
	s31 =	simm.s32 $0x2780  }
0x1af: {  	[tilespmem:s31], [sflag:$0x2] =	stream.indirect.gather [hbm4b:s9+s8], $0x1, s30, s8, $0xb8;
	[tilespmem:$0x2800] =	vst v63  }
0x1b0: {  	_ =	swait.ge [sflag:s20], $0x80  }
0x1b1: {  	[sflag:s20] =	ssyncset.done $0x0  }
0x1b2: {  	[sflag:s20] =	ssyncadd.s32 $0xFFFFFF80  }
0x1b3: {  	_ =	swait.ge [sflag:s21], $0x80  }
0x1b4: {  	[sflag:s21] =	ssyncset.done $0x0  }
0x1b5: {  	[sflag:s21] =	ssyncadd.s32 $0xFFFFFF80  }
0x1b6: {  	_ =	swait.ge [sflag:s20], $0x80  }
0x1b7: {  	[sflag:s20] =	ssyncset.done $0x0  }
0x1b8: {  	[sflag:s20] =	ssyncadd.s32 $0xFFFFFF80  }
0x1b9: {  	_ =	swait.ge [sflag:s21], $0x80  }
0x1ba: {  	[sflag:s21] =	ssyncset.done $0x0  }
0x1bb: {  	[sflag:s21] =	ssyncadd.s32 $0xFFFFFF80  }
0x1bc: {  	_ =	swait.ge [sflag:s20], $0x80  }
0x1bd: {  	[sflag:s20] =	ssyncset.done $0x0  }
0x1be: {  	[sflag:s20] =	ssyncadd.s32 $0xFFFFFF80  }
0x1bf: {  	_ =	swait.ge [sflag:s21], $0x80  }
0x1c0: {  	[sflag:s21] =	ssyncset.done $0x0  }
0x1c1: {  	[sflag:s21] =	ssyncadd.s32 $0xFFFFFF80  }
0x1c2: {  	_ =	swait.ge [sflag:s20], $0x80  }
0x1c3: {  	[sflag:s20] =	ssyncset.done $0x0  }
0x1c4: {  	[sflag:s20] =	ssyncadd.s32 $0xFFFFFF80  }
0x1c5: {  	_ =	swait.ge [sflag:s21], $0x80  }
0x1c6: {  	[sflag:s21] =	ssyncset.done $0x0  }
0x1c7: {  	[sflag:s21] =	ssyncadd.s32 $0xFFFFFF80  }
0x1c8: {  	_ =	swait.ge [sflag:s20], $0x80  }
0x1c9: {  	[sflag:s20] =	ssyncset.done $0x0  }
0x1ca: {  	[sflag:s20] =	ssyncadd.s32 $0xFFFFFF80  }
0x1cb: {  	_ =	swait.ge [sflag:s21], $0x80  }
0x1cc: {  	[sflag:s21] =	ssyncset.done $0x0  }
0x1cd: {  	[sflag:s21] =	ssyncadd.s32 $0xFFFFFF80  }
0x1ce: {  	_ =	swait.ge [sflag:s20], $0x80  }
0x1cf: {  	[sflag:s20] =	ssyncset.done $0x0  }
0x1d0: {  	[sflag:s20] =	ssyncadd.s32 $0xFFFFFF80  }
0x1d1: {  	_ =	swait.ge [sflag:s21], $0x80  }
0x1d2: {  	[sflag:s21] =	ssyncset.done $0x0  }
0x1d3: {  	[sflag:s21] =	ssyncadd.s32 $0xFFFFFF80  }
0x1d4: {  	_ =	swait.ge [sflag:s20], $0x80  }
0x1d5: {  	[sflag:s20] =	ssyncset.done $0x0  }
0x1d6: {  	[sflag:s20] =	ssyncadd.s32 $0xFFFFFF80  }
0x1d7: {  	_ =	swait.ge [sflag:s21], $0x80  }
0x1d8: {  	[sflag:s21] =	ssyncset.done $0x0  }
0x1d9: {  	[sflag:s21] =	ssyncadd.s32 $0xFFFFFF80  }
0x1da: {  	_ =	swait.ge [sflag:s20], $0x80  }
0x1db: {  	[sflag:s20] =	ssyncset.done $0x0  }
0x1dc: {  	[sflag:s20] =	ssyncadd.s32 $0xFFFFFF80  }
0x1dd: {  	_ =	swait.ge [sflag:s21], $0x80  }
0x1de: {  	[sflag:s21] =	ssyncset.done $0x0  }
0x1df: {  	[sflag:s21] =	ssyncadd.s32 $0xFFFFFF80  }
0x1e0: {  	_ =	swait.ge [sflag:s20], $0x80  }
0x1e1: {  	[sflag:s20] =	ssyncset.done $0x0  }
0x1e2: {  	[sflag:s20] =	ssyncadd.s32 $0xFFFFFF80  }
0x1e3: {  	_ =	swait.ge [sflag:s21], $0x80  }
0x1e4: {  	[sflag:s21] =	ssyncset.done $0x0  }
0x1e5: {  	[sflag:s21] =	ssyncadd.s32 $0xFFFFFF80  }
0x1e6: {  	_ =	swait.ge [sflag:s20], $0x80  }
0x1e7: {  	[sflag:s20] =	ssyncset.done $0x0  }
0x1e8: {  	[sflag:s20] =	ssyncadd.s32 $0xFFFFFF80  }
0x1e9: {  	_ =	swait.ge [sflag:s21], $0x80  }
0x1ea: {  	[sflag:s21] =	ssyncset.done $0x0  }
0x1eb: {  	[sflag:s21] =	ssyncadd.s32 $0xFFFFFF80  }
0x1ec: {  	_ =	swait.ge [sflag:s20], $0x80  }
0x1ed: {  	[sflag:s20] =	ssyncset.done $0x0  }
0x1ee: {  	[sflag:s20] =	ssyncadd.s32 $0xFFFFFF80  }
0x1ef: {  	_ =	swait.ge [sflag:s21], $0x80  }
0x1f0: {  	[sflag:s21] =	ssyncset.done $0x0  }
0x1f1: {  	[sflag:s21] =	ssyncadd.s32 $0xFFFFFF80  }
0x1f2: {  	_ =	swait.ge [sflag:s20], $0x80  }
0x1f3: {  	[sflag:s20] =	ssyncset.done $0x0  }
0x1f4: {  	[sflag:s20] =	ssyncadd.s32 $0xFFFFFF80  }
0x1f5: {  	_ =	swait.ge [sflag:s21], $0x80  }
0x1f6: {  	[sflag:s21] =	ssyncset.done $0x0  }
0x1f7: {  	[sflag:s21] =	ssyncadd.s32 $0xFFFFFF80  }
0x1f8: {  	_ =	swait.ge [sflag:s20], $0x80  }
0x1f9: {  	[sflag:s20] =	ssyncset.done $0x0  }
0x1fa: {  	[sflag:s20] =	ssyncadd.s32 $0xFFFFFF80  }
0x1fb: {  	_ =	swait.ge [sflag:s21], $0x80  }
0x1fc: {  	[sflag:s21] =	ssyncset.done $0x0  }
0x1fd: {  	[sflag:s21] =	ssyncadd.s32 $0xFFFFFF80  }
0x1fe: {  	_ =	swait.ge [sflag:s20], $0x80  }
0x1ff: {  	[sflag:s20] =	ssyncset.done $0x0  }
0x200: {  	[sflag:s20] =	ssyncadd.s32 $0xFFFFFF80  }
0x201: {  	_ =	swait.ge [sflag:s21], $0x80  }
0x202: {  	[sflag:s21] =	ssyncset.done $0x0  }
0x203: {  	[sflag:s21] =	ssyncadd.s32 $0xFFFFFF80  }
0x204: {  	_ =	swait.ge [sflag:s20], $0x80  }
0x205: {  	[sflag:s20] =	ssyncset.done $0x0  }
0x206: {  	[sflag:s20] =	ssyncadd.s32 $0xFFFFFF80  }
0x207: {  	_ =	swait.ge [sflag:s21], $0x80  }
0x208: {  	[sflag:s21] =	ssyncset.done $0x0  }
0x209: {  	[sflag:s21] =	ssyncadd.s32 $0xFFFFFF80  }
0x20a: {  	_ =	swait.ge [sflag:s20], $0x80  }
0x20b: {  	[sflag:s20] =	ssyncset.done $0x0  }
0x20c: {  	[sflag:s20] =	ssyncadd.s32 $0xFFFFFF80  }
0x20d: {  	_ =	swait.ge [sflag:s21], $0x80  }
0x20e: {  	[sflag:s21] =	ssyncset.done $0x0  }
0x20f: {  	[sflag:s21] =	ssyncadd.s32 $0xFFFFFF80  }
0x210: {  	_ =	swait.ge [sflag:s20], $0x80  }
0x211: {  	p0 =	sne.s32 s14, $0x1;
	[sflag:s20] =	ssyncset.done $0x0  }
.Ltmp1:
0x212: {  	[sflag:s20] =	ssyncadd.s32 $0xFFFFFF80;
	(pc) =	sbr.rel @p0 .LBB2_2-.Ltmp1, $4  }
0x213: {  	_ =	swait.ge [sflag:s21], $0x80  }
0x214: {  	[sflag:s21] =	ssyncset.done $0x0  }
0x215: {  	[sflag:s21] =	ssyncadd.s32 $0xFFFFFF80  }
0x216: {  	s14 =	sadd.s32 $0xFFFFFFFF, s14;
	_ =	swait.ge [sflag:s20], $0x80  }
.LBB2_3:
0x217: {  	[sflag:s20] =	ssyncset.done $0x0  }
0x218: {  	[sflag:s20] =	ssyncadd.s32 $0xFFFFFF80  }
0x219: {  	_ =	swait.ge [sflag:s21], $0x80  }
0x21a: {  	[sflag:s21] =	ssyncset.done $0x0  }
0x21b: {  	[sflag:s21] =	ssyncadd.s32 $0xFFFFFF80  }
0x21c: {  	_ =	swait.ge [sflag:s20], $0x80  }
0x21d: {  	[sflag:s20] =	ssyncset.done $0x0  }
0x21e: {  	[sflag:s20] =	ssyncadd.s32 $0xFFFFFF80  }
0x21f: {  	_ =	swait.ge [sflag:s21], $0x80  }
0x220: {  	[sflag:s21] =	ssyncset.done $0x0  }
0x221: {  	[sflag:s21] =	ssyncadd.s32 $0xFFFFFF80  }
0x222: {  	_ =	swait.ge [sflag:s20], $0x80  }
0x223: {  	[sflag:s20] =	ssyncset.done $0x0  }
0x224: {  	[sflag:s20] =	ssyncadd.s32 $0xFFFFFF80  }
0x225: {  	_ =	swait.ge [sflag:s21], $0x80  }
0x226: {  	s1 =	simm.s32 $0x0;
	s2 =	simm.s32 $0x1400;
	[sflag:s21] =	ssyncset.done $0x0  }
0x227: {  	s29 =	simm.s32 $0x3;
	s0 =	rddreg [dreg:$0x6];
	[sflag:s21] =	ssyncadd.s32 $0xFFFFFF80  }
0x228: {  	[hbm4b:s0+s1] =	stream.linear.scatter [tilespmem:s2], [sflag:$0x3], $0xA00, $0x38;
	[tilespmem:$0x2800] =	vst v63  }
0x229: {  	_ =	swait.ge [sflag:s29], $0xA00  }
0x22a: {  	[sflag:s29] =	ssyncset.done $0x0  }
0x22b: {  	s3 =	simm.s32 $0x1E00;
	s30 =	rddreg [dreg:$0x7];
	[sflag:s29] =	ssyncadd.s32 $0xFFFFF600  }
0x22c: {  	[hbm4b:s30+s1] =	stream.linear.scatter [tilespmem:s3], [sflag:$0x3], $0xA00, $0x38;
	[tilespmem:$0x2800] =	vst v63  }
0x22d: {  	_ =	swait.ge [sflag:s29], $0xA00  }
0x22e: {  	[sflag:s29] =	ssyncset.done $0x0  }
0x22f: {  	[sflag:s29] =	ssyncadd.s32 $0xFFFFF600  }
0x230: {  	_ =	sfence.sel $0x180000  }
0x231: {  	[bflag:$0x0] =	sbarrier.arrive $0xFFFF  }
0x232: {  	_ =	strace $0x90000047  }
0x233: {  	s31 =	stileid.u32;
	[bflag:$0x2] =	sbarrier.arrive $0xFFFF  }
0x234: {  	p0 =	sne.s32 s31, $0x0;
	s0 =	rddreg [dreg:$0x3]  }
0x235: {  	s0 =	sadd.s32 @!p0 $0x100000, s0  }
0x236: {  	[sflag:s0] =	ssyncadd.tile.s32 @!p0 $0x1;
	_ =	shalt  }
.Lfunc_end2:
_tile_overlayer_lowered:
.L_overlay_start_2:
0x237: {  	(tag) =	ssettag $0x2  }
0x238: {  	s0 =	rddreg [dreg:$0x0];
	s2 =	stileid.u32  }
0x239: {  	s1 =	rddreg [dreg:$0x1];
	p0 =	sne.s32 s2, $0x0  }
0x23a: {  	s3 =	rddreg [dreg:$0x2];
	[bflag:$0x3] =	sbarrier.arrive $0xFFFF;
	s2 =	simm.s32 @!p0 $0x1C03  }
0x23b: {  	[timem:s3], [sflag:s2] =	dma.local @!p0 [hbm:s0], s1  }
0x23c: {  	s0 =	simm.s32 @!p0 $0x3  }
0x23d: {  	_ =	swait.ge @!p0 [sflag:s0], s1  }
0x23e: {  	s1 =	ssub.s32 @!p0 $0x0, s1;
	[sflag:s0] =	ssyncset.done @!p0 $0x0  }
0x23f: {  	[sflag:s0] =	ssyncadd.s32 @!p0 s1  }
0x240: {  	[bflag:$0x3] =	sbarrier.arrive $0xFFFF  }
0x241: {  	_ =	shalt  }

</sc_bundles>
